<compile_context>
chip_gen: v7x
topology: tpu7x:2x2x1
jax: 0.10.2.dev20260603
libtpu: 0.0.44.dev20260713+nightly
codegen_flags: <defaults>
</compile_context>

<pallas_src>
import functools

import jax
import jax.numpy as jnp
from jax import lax
from jax.experimental import pallas as pl
from jax.experimental.pallas import tpu as pltpu
from jax.experimental.pallas import tpu_sc as plsc

_CHUNK = 16


def _interleave_sc(text_hbm, img_hbm, idx_hbm, out_hbm,
                   idx_v, buf, row_scratch,
                   sin0, sin1, sin2, sout0, sout1, sout2, srow,
                   *, rows_per_w, n_idx, num_cores):
    c = lax.axis_index("c")
    s = lax.axis_index("s")
    wid = s * num_cores + c
    base = wid * rows_per_w
    nch = rows_per_w // _CHUNK

    def chunk_slice(k):
        return pl.ds(base + k * _CHUNK, _CHUNK)

    sins = (sin0, sin1, sin2)
    souts = (sout0, sout1, sout2)

    pltpu.make_async_copy(text_hbm.at[chunk_slice(0)], buf.at[0], sin0).start()
    pltpu.make_async_copy(text_hbm.at[chunk_slice(1)], buf.at[1], sin1).start()
    pltpu.make_async_copy(text_hbm.at[chunk_slice(2)], buf.at[2], sin2).start()

    pltpu.sync_copy(idx_hbm, idx_v.at[pl.ds(0, n_idx)])

    lo_vec = jnp.full((16,), base, jnp.int32)
    hi_vec = jnp.full((16,), base + rows_per_w, jnp.int32)
    ones = jnp.full((16,), 1, jnp.int32)
    zeros = jnp.full((16,), 0, jnp.int32)

    def scan_body(i, carry):
        st, en = carry
        v = idx_v[pl.ds(i * 16, 16)]
        st = st + jnp.where(v < lo_vec, ones, zeros)
        en = en + jnp.where(v < hi_vec, ones, zeros)
        return st, en

    st_vec, en_vec = lax.fori_loop(0, n_idx // 16, scan_body, (zeros, zeros))
    start = st_vec[0]
    end = en_vec[0]
    for lane in range(1, 16):
        start = start + st_vec[lane]
        end = end + en_vec[lane]

    def process_chunk(k, b, p, refill):
        rlo = base + k * _CHUNK
        pltpu.make_async_copy(text_hbm.at[chunk_slice(k)], buf.at[b],
                              sins[b]).wait()

        v = idx_v[pl.ds(p, 16)]
        hiv = jnp.full((16,), rlo + _CHUNK, jnp.int32)
        inwin = jnp.where(v < hiv, ones, zeros)
        cnt = inwin[0]
        for lane in range(1, 16):
            cnt = cnt + inwin[lane]
        cnt = jnp.minimum(cnt, end - p)

        def row_issue(t, carry):
            r = idx_v[pl.ds(p + t, 16)][0] - rlo
            pltpu.make_async_copy(img_hbm.at[pl.ds(p + t, 1)],
                                  buf.at[b].at[pl.ds(r, 1)], srow).start()
            return carry

        lax.fori_loop(0, cnt, row_issue, jnp.int32(0))

        def drain(_, carry):
            pltpu.make_async_copy(img_hbm.at[pl.ds(0, 1)], row_scratch,
                                  srow).wait()
            return carry

        lax.fori_loop(0, cnt, drain, jnp.int32(0))

        pltpu.make_async_copy(buf.at[b], out_hbm.at[chunk_slice(k)],
                              souts[b]).start()

        if refill:
            bp = (b + 2) % 3
            pltpu.make_async_copy(buf.at[bp], out_hbm.at[chunk_slice(k - 1)],
                                  souts[bp]).wait()
            pltpu.make_async_copy(text_hbm.at[chunk_slice(k + 2)], buf.at[bp],
                                  sins[bp]).start()

        return p + cnt

    p = process_chunk(0, 0, start, False)

    def body(i, p):
        k = 3 * i + 1
        p = process_chunk(k, 1, p, True)
        p = process_chunk(k + 1, 2, p, True)
        p = process_chunk(k + 2, 0, p, True)
        return p

    p = lax.fori_loop(0, (nch - 5) // 3, body, p)
    p = process_chunk(nch - 4, 1, p, True)
    p = process_chunk(nch - 3, 2, p, True)
    p = process_chunk(nch - 2, 0, p, False)
    p = process_chunk(nch - 1, 1, p, False)

    pltpu.make_async_copy(buf.at[2], out_hbm.at[chunk_slice(nch - 3)],
                          sout2).wait()
    pltpu.make_async_copy(buf.at[0], out_hbm.at[chunk_slice(nch - 2)],
                          sout0).wait()
    pltpu.make_async_copy(buf.at[1], out_hbm.at[chunk_slice(nch - 1)],
                          sout1).wait()


def kernel(image_embeddings, text_embeddings, vision_indices):
    b, seq, d = text_embeddings.shape
    n_rows = b * seq
    text = text_embeddings.reshape(n_rows, d)
    img = image_embeddings.reshape(-1, d)
    n_idx = img.shape[0]
    idx = vision_indices.reshape(-1).astype(jnp.int32)

    info = plsc.get_sparse_core_info()
    num_cores, num_subcores = info.num_cores, info.num_subcores
    rows_per_w = n_rows // (num_cores * num_subcores)

    mesh = plsc.VectorSubcoreMesh(core_axis_name="c", subcore_axis_name="s")
    body = functools.partial(
        _interleave_sc,
        rows_per_w=rows_per_w,
        n_idx=n_idx,
        num_cores=num_cores,
    )
    out = pl.kernel(
        body,
        out_type=jax.ShapeDtypeStruct((n_rows, d), text.dtype),
        mesh=mesh,
        scratch_types=[
            pltpu.VMEM((n_idx + 16,), jnp.int32),
            pltpu.VMEM((3, _CHUNK, d), text.dtype),
            pltpu.VMEM((1, d), text.dtype),
            pltpu.SemaphoreType.DMA,
            pltpu.SemaphoreType.DMA,
            pltpu.SemaphoreType.DMA,
            pltpu.SemaphoreType.DMA,
            pltpu.SemaphoreType.DMA,
            pltpu.SemaphoreType.DMA,
            pltpu.SemaphoreType.DMA,
        ],
    )(text, img, idx)
    return out.reshape(b, seq, d)

# --- scband reference (transcript-rebuilt; emitter-appended) ---
"""Pipeline reference for scband-gemma3-interleave-embeddings-38328288150195 (READ-ONLY COPY).

The authoritative reference and input builder live on the scoring server;
editing this copy changes nothing except your own understanding.
"""

import jax, jax.numpy as jnp
import numpy as np

NUM_VISION_TOKENS_PER_IMAGE = 256


def setup_inputs(seed: int = 0) -> dict:
    key = jax.random.key(seed)
    k1, k2 = jax.random.split(key)
    image_embeddings = jax.random.normal(k1, (8, 256, 2048), dtype=jnp.float32)
    text_embeddings = jax.random.normal(k2, (4, 4096, 2048), dtype=jnp.float32)
    # arange fill: unique, in-range flat positions into (4*4096,) text sequence
    vision_indices = jnp.arange(4 * 512, dtype=jnp.int32).reshape(4, 512)
    return {
        "image_embeddings": image_embeddings,
        "text_embeddings": text_embeddings,
        "vision_indices": vision_indices,
    }


def reference(image_embeddings, text_embeddings, vision_indices):
    batch_size, seq_length, embedding_dim = text_embeddings.shape
    flat_text_embeddings = text_embeddings.reshape(batch_size * seq_length, embedding_dim)
    image_batch_size = image_embeddings.shape[0]
    flat_image_embeddings = image_embeddings.reshape(
        image_batch_size * NUM_VISION_TOKENS_PER_IMAGE, embedding_dim
    )
    flat_vision_indices = vision_indices.reshape(-1).astype(jnp.int32)
    # scatter-overwrite: positions listed by indices get the image embeddings
    reconstructed = flat_text_embeddings.at[flat_vision_indices].set(flat_image_embeddings)
    return reconstructed.reshape(batch_size, seq_length, embedding_dim)

if __name__ == "__main__":
    import jax
    _d = setup_inputs()
    print(jax.jit(kernel)(*tuple(_d.values())))

</pallas_src>

<mosaic_0001>
#map = affine_map<(d0, d1) -> (0, 0)>
#map1 = affine_map<(d0, d1) -> (0)>
module attributes {stable_mosaic.version = 14 : i64} {
  func.func @_interleave_sc(%arg0: i32, %arg1: i32, %arg2: memref<16384x2048xf32, #tpu.memory_space<hbm>>, %arg3: memref<2048x2048xf32, #tpu.memory_space<hbm>>, %arg4: memref<2048xi32, #tpu.memory_space<hbm>>, %arg5: memref<16384x2048xf32, #tpu.memory_space<hbm>>, %arg6: memref<2064xi32, #tpu.memory_space<vmem>>, %arg7: memref<3x16x2048xf32, #tpu.memory_space<vmem>>, %arg8: memref<1x2048xf32, #tpu.memory_space<vmem>>, %arg9: memref<!tpu.dma_semaphore, #tpu.memory_space<semaphore_mem>>, %arg10: memref<!tpu.dma_semaphore, #tpu.memory_space<semaphore_mem>>, %arg11: memref<!tpu.dma_semaphore, #tpu.memory_space<semaphore_mem>>, %arg12: memref<!tpu.dma_semaphore, #tpu.memory_space<semaphore_mem>>, %arg13: memref<!tpu.dma_semaphore, #tpu.memory_space<semaphore_mem>>, %arg14: memref<!tpu.dma_semaphore, #tpu.memory_space<semaphore_mem>>, %arg15: memref<!tpu.dma_semaphore, #tpu.memory_space<semaphore_mem>>) attributes {dimension_semantics = [#tpu.dimension_semantics<core_parallel>, #tpu.dimension_semantics<subcore_parallel>], iteration_bounds = array<i64: 2, 16>, scalar_prefetch = 0 : i64, scratch_operands = 10 : i64, tpu.core_type = #tpu.core_type<sc_vector_subcore>, window_params = [{transform_indices = #map}, {transform_indices = #map}, {transform_indices = #map1}, {transform_indices = #map}]} {
    %mul3A = arith.constant 2 : i32
    %mul3A_0 = arith.muli %arg1, %mul3A : i32
    %add3A = arith.addi %mul3A_0, %arg0 : i32
    %mul3A_1 = arith.constant 512 : i32
    %mul3A_2 = arith.muli %add3A, %mul3A_1 : i32
    %add3A_3 = arith.constant 0 : i32
    %add3A_4 = arith.addi %mul3A_2, %add3A_3 : i32
    %dma_start3A = arith.constant 0 : i32
    %dma_start3A_5 = arith.constant 0 : i32
    %dma_start3A_6 = arith.constant 0 : i32
    %dma_start3A_7 = tpu.memref_slice %arg7[%dma_start3A, %dma_start3A_5, %dma_start3A_6] : memref<3x16x2048xf32, #tpu.memory_space<vmem>> -> memref<1x16x2048xf32, #tpu.memory_space<vmem>>
    %dma_start3A_8 = tpu.memref_squeeze %dma_start3A_7 : memref<1x16x2048xf32, #tpu.memory_space<vmem>> -> memref<16x2048xf32, #tpu.memory_space<vmem>>
    %dma_start3A_9 = arith.constant 0 : i32
    %dma_start3A_10 = tpu.memref_slice %arg2[%add3A_4, %dma_start3A_9] : memref<16384x2048xf32, #tpu.memory_space<hbm>> -> memref<16x2048xf32, #tpu.memory_space<hbm>>
    %dma_start3A_11 = arith.constant 0 : i32
    %dma_start3A_12 = arith.constant 0 : i32
    %dma_start3A_13 = tpu.memref_slice %arg7[%dma_start3A, %dma_start3A_11, %dma_start3A_12] : memref<3x16x2048xf32, #tpu.memory_space<vmem>> -> memref<1x16x2048xf32, #tpu.memory_space<vmem>>
    %dma_start3A_14 = tpu.memref_squeeze %dma_start3A_13 : memref<1x16x2048xf32, #tpu.memory_space<vmem>> -> memref<16x2048xf32, #tpu.memory_space<vmem>>
    %dma_start3A_15 = arith.constant 0 : i32
    %dma_start3A_16 = tpu.memref_slice %arg2[%add3A_4, %dma_start3A_15] : memref<16384x2048xf32, #tpu.memory_space<hbm>> -> memref<16x2048xf32, #tpu.memory_space<hbm>>
    tpu.enqueue_dma source(%dma_start3A_16 : memref<16x2048xf32, #tpu.memory_space<hbm>>) target(%dma_start3A_14 : memref<16x2048xf32, #tpu.memory_space<vmem>>) target_semaphore(%arg9 : memref<!tpu.dma_semaphore, #tpu.memory_space<semaphore_mem>>)
    %add3A_17 = arith.constant 16 : i32
    %add3A_18 = arith.addi %mul3A_2, %add3A_17 : i32
    %dma_start3A_19 = arith.constant 1 : i32
    %dma_start3A_20 = arith.constant 0 : i32
    %dma_start3A_21 = arith.constant 0 : i32
    %dma_start3A_22 = tpu.memref_slice %arg7[%dma_start3A_19, %dma_start3A_20, %dma_start3A_21] : memref<3x16x2048xf32, #tpu.memory_space<vmem>> -> memref<1x16x2048xf32, #tpu.memory_space<vmem>>
    %dma_start3A_23 = tpu.memref_squeeze %dma_start3A_22 : memref<1x16x2048xf32, #tpu.memory_space<vmem>> -> memref<16x2048xf32, #tpu.memory_space<vmem>>
    %dma_start3A_24 = arith.constant 0 : i32
    %dma_start3A_25 = tpu.memref_slice %arg2[%add3A_18, %dma_start3A_24] : memref<16384x2048xf32, #tpu.memory_space<hbm>> -> memref<16x2048xf32, #tpu.memory_space<hbm>>
    %dma_start3A_26 = arith.constant 0 : i32
    %dma_start3A_27 = arith.constant 0 : i32
    %dma_start3A_28 = tpu.memref_slice %arg7[%dma_start3A_19, %dma_start3A_26, %dma_start3A_27] : memref<3x16x2048xf32, #tpu.memory_space<vmem>> -> memref<1x16x2048xf32, #tpu.memory_space<vmem>>
    %dma_start3A_29 = tpu.memref_squeeze %dma_start3A_28 : memref<1x16x2048xf32, #tpu.memory_space<vmem>> -> memref<16x2048xf32, #tpu.memory_space<vmem>>
    %dma_start3A_30 = arith.constant 0 : i32
    %dma_start3A_31 = tpu.memref_slice %arg2[%add3A_18, %dma_start3A_30] : memref<16384x2048xf32, #tpu.memory_space<hbm>> -> memref<16x2048xf32, #tpu.memory_space<hbm>>
    tpu.enqueue_dma source(%dma_start3A_31 : memref<16x2048xf32, #tpu.memory_space<hbm>>) target(%dma_start3A_29 : memref<16x2048xf32, #tpu.memory_space<vmem>>) target_semaphore(%arg10 : memref<!tpu.dma_semaphore, #tpu.memory_space<semaphore_mem>>)
    %add3A_32 = arith.constant 32 : i32
    %add3A_33 = arith.addi %mul3A_2, %add3A_32 : i32
    %dma_start3A_34 = arith.constant 2 : i32
    %dma_start3A_35 = arith.constant 0 : i32
    %dma_start3A_36 = arith.constant 0 : i32
    %dma_start3A_37 = tpu.memref_slice %arg7[%dma_start3A_34, %dma_start3A_35, %dma_start3A_36] : memref<3x16x2048xf32, #tpu.memory_space<vmem>> -> memref<1x16x2048xf32, #tpu.memory_space<vmem>>
    %dma_start3A_38 = tpu.memref_squeeze %dma_start3A_37 : memref<1x16x2048xf32, #tpu.memory_space<vmem>> -> memref<16x2048xf32, #tpu.memory_space<vmem>>
    %dma_start3A_39 = arith.constant 0 : i32
    %dma_start3A_40 = tpu.memref_slice %arg2[%add3A_33, %dma_start3A_39] : memref<16384x2048xf32, #tpu.memory_space<hbm>> -> memref<16x2048xf32, #tpu.memory_space<hbm>>
    %dma_start3A_41 = arith.constant 0 : i32
    %dma_start3A_42 = arith.constant 0 : i32
    %dma_start3A_43 = tpu.memref_slice %arg7[%dma_start3A_34, %dma_start3A_41, %dma_start3A_42] : memref<3x16x2048xf32, #tpu.memory_space<vmem>> -> memref<1x16x2048xf32, #tpu.memory_space<vmem>>
    %dma_start3A_44 = tpu.memref_squeeze %dma_start3A_43 : memref<1x16x2048xf32, #tpu.memory_space<vmem>> -> memref<16x2048xf32, #tpu.memory_space<vmem>>
    %dma_start3A_45 = arith.constant 0 : i32
    %dma_start3A_46 = tpu.memref_slice %arg2[%add3A_33, %dma_start3A_45] : memref<16384x2048xf32, #tpu.memory_space<hbm>> -> memref<16x2048xf32, #tpu.memory_space<hbm>>
    tpu.enqueue_dma source(%dma_start3A_46 : memref<16x2048xf32, #tpu.memory_space<hbm>>) target(%dma_start3A_44 : memref<16x2048xf32, #tpu.memory_space<vmem>>) target_semaphore(%arg11 : memref<!tpu.dma_semaphore, #tpu.memory_space<semaphore_mem>>)
    "tpu.region"() ({
      %run_scoped3A = tpu.sem_alloc : memref<!tpu.dma_semaphore, #tpu.memory_space<semaphore_mem>>
      %dma_start3A_805 = arith.constant 0 : i32
      %dma_start3A_806 = tpu.memref_slice %arg6[%dma_start3A_805] : memref<2064xi32, #tpu.memory_space<vmem>> -> memref<2048xi32, #tpu.memory_space<vmem>>
      %dma_start3A_807 = arith.constant 0 : i32
      %dma_start3A_808 = tpu.memref_slice %arg6[%dma_start3A_807] : memref<2064xi32, #tpu.memory_space<vmem>> -> memref<2048xi32, #tpu.memory_space<vmem>>
      tpu.enqueue_dma source(%arg4 : memref<2048xi32, #tpu.memory_space<hbm>>) target(%dma_start3A_808 : memref<2048xi32, #tpu.memory_space<vmem>>) target_semaphore(%run_scoped3A : memref<!tpu.dma_semaphore, #tpu.memory_space<semaphore_mem>>)
      %dma_wait3A_809 = arith.constant 0 : i32
      %dma_wait3A_810 = tpu.memref_slice %arg6[%dma_wait3A_809] : memref<2064xi32, #tpu.memory_space<vmem>> -> memref<2048xi32, #tpu.memory_space<vmem>>
      %dma_wait3A_811 = arith.constant 0 : i32
      %dma_wait3A_812 = tpu.memref_slice %arg6[%dma_wait3A_811] : memref<2064xi32, #tpu.memory_space<vmem>> -> memref<2048xi32, #tpu.memory_space<vmem>>
      tpu.wait_dma2 semaphore(%run_scoped3A : memref<!tpu.dma_semaphore, #tpu.memory_space<semaphore_mem>>) src(%arg4 : memref<2048xi32, #tpu.memory_space<hbm>>) dst(%dma_wait3A_812 : memref<2048xi32, #tpu.memory_space<vmem>>)
      tpu.yield
    }) : () -> ()
    %broadcast_in_dim3A = vector.broadcast %mul3A_2 : i32 to vector<16xi32>
    %add3A_47 = arith.constant 512 : i32
    %add3A_48 = arith.addi %mul3A_2, %add3A_47 : i32
    %broadcast_in_dim3A_49 = vector.broadcast %add3A_48 : i32 to vector<16xi32>
    %broadcast_in_dim3A_50 = arith.constant 1 : i32
    %broadcast_in_dim3A_51 = vector.broadcast %broadcast_in_dim3A_50 : i32 to vector<16xi32>
    %broadcast_in_dim3A_52 = arith.constant 0 : i32
    %broadcast_in_dim3A_53 = vector.broadcast %broadcast_in_dim3A_52 : i32 to vector<16xi32>
    %scan3A = arith.constant 0 : i32
    %scan3A_54 = arith.constant 128 : i32
    %scan3A_55 = arith.addi %scan3A, %scan3A_54 : i32
    %scan3A_56 = arith.constant 1 : i32
    %scan3A_57:2 = scf.for %scan3A_805 = %scan3A to %scan3A_55 step %scan3A_56 iter_args(%scan3A_806 = %broadcast_in_dim3A_53, %scan3A_807 = %broadcast_in_dim3A_53) -> (vector<16xi32>, vector<16xi32>)  : i32 {
      %mul3A_808 = arith.constant 16 : i32
      %mul3A_809 = arith.muli %scan3A_805, %mul3A_808 : i32
      %get3A_810 = arith.index_cast %mul3A_809 : i32 to index
      %get3A_811 = tpu.vector_load %arg6[%get3A_810] {strides = array<i32>} : memref<2064xi32, #tpu.memory_space<vmem>>, vector<16xi32>,
      %get3A_812 = vector.shape_cast %get3A_811 : vector<16xi32> to vector<16xi32>
      %lt3A_813 = arith.cmpi slt, %get3A_812, %broadcast_in_dim3A : vector<16xi32>
      %select_n3A_814 = arith.select %lt3A_813, %broadcast_in_dim3A_51, %broadcast_in_dim3A_53 : vector<16xi1>, vector<16xi32>
      %add3A_815 = arith.addi %scan3A_806, %select_n3A_814 : vector<16xi32>
      %lt3A_816 = arith.cmpi slt, %get3A_812, %broadcast_in_dim3A_49 : vector<16xi32>
      %select_n3A_817 = arith.select %lt3A_816, %broadcast_in_dim3A_51, %broadcast_in_dim3A_53 : vector<16xi1>, vector<16xi32>
      %add3A_818 = arith.addi %scan3A_807, %select_n3A_817 : vector<16xi32>
      scf.yield %add3A_815, %add3A_818 : vector<16xi32>, vector<16xi32>
    }
    %scan3A_58 = arith.constant 128 : i32
    %slice3A = vector.extract_strided_slice %scan3A_57#0 {offsets = [0], sizes = [1], strides = [1]} : vector<16xi32> to vector<1xi32>
    %squeeze3A = vector.extract %slice3A[0] : i32 from vector<1xi32>
    %slice3A_59 = vector.extract_strided_slice %scan3A_57#1 {offsets = [0], sizes = [1], strides = [1]} : vector<16xi32> to vector<1xi32>
    %squeeze3A_60 = vector.extract %slice3A_59[0] : i32 from vector<1xi32>
    %slice3A_61 = vector.extract_strided_slice %scan3A_57#0 {offsets = [1], sizes = [1], strides = [1]} : vector<16xi32> to vector<1xi32>
    %squeeze3A_62 = vector.extract %slice3A_61[0] : i32 from vector<1xi32>
    %add3A_63 = arith.addi %squeeze3A, %squeeze3A_62 : i32
    %slice3A_64 = vector.extract_strided_slice %scan3A_57#1 {offsets = [1], sizes = [1], strides = [1]} : vector<16xi32> to vector<1xi32>
    %squeeze3A_65 = vector.extract %slice3A_64[0] : i32 from vector<1xi32>
    %add3A_66 = arith.addi %squeeze3A_60, %squeeze3A_65 : i32
    %slice3A_67 = vector.extract_strided_slice %scan3A_57#0 {offsets = [2], sizes = [1], strides = [1]} : vector<16xi32> to vector<1xi32>
    %squeeze3A_68 = vector.extract %slice3A_67[0] : i32 from vector<1xi32>
    %add3A_69 = arith.addi %add3A_63, %squeeze3A_68 : i32
    %slice3A_70 = vector.extract_strided_slice %scan3A_57#1 {offsets = [2], sizes = [1], strides = [1]} : vector<16xi32> to vector<1xi32>
    %squeeze3A_71 = vector.extract %slice3A_70[0] : i32 from vector<1xi32>
    %add3A_72 = arith.addi %add3A_66, %squeeze3A_71 : i32
    %slice3A_73 = vector.extract_strided_slice %scan3A_57#0 {offsets = [3], sizes = [1], strides = [1]} : vector<16xi32> to vector<1xi32>
    %squeeze3A_74 = vector.extract %slice3A_73[0] : i32 from vector<1xi32>
    %add3A_75 = arith.addi %add3A_69, %squeeze3A_74 : i32
    %slice3A_76 = vector.extract_strided_slice %scan3A_57#1 {offsets = [3], sizes = [1], strides = [1]} : vector<16xi32> to vector<1xi32>
    %squeeze3A_77 = vector.extract %slice3A_76[0] : i32 from vector<1xi32>
    %add3A_78 = arith.addi %add3A_72, %squeeze3A_77 : i32
    %slice3A_79 = vector.extract_strided_slice %scan3A_57#0 {offsets = [4], sizes = [1], strides = [1]} : vector<16xi32> to vector<1xi32>
    %squeeze3A_80 = vector.extract %slice3A_79[0] : i32 from vector<1xi32>
    %add3A_81 = arith.addi %add3A_75, %squeeze3A_80 : i32
    %slice3A_82 = vector.extract_strided_slice %scan3A_57#1 {offsets = [4], sizes = [1], strides = [1]} : vector<16xi32> to vector<1xi32>
    %squeeze3A_83 = vector.extract %slice3A_82[0] : i32 from vector<1xi32>
    %add3A_84 = arith.addi %add3A_78, %squeeze3A_83 : i32
    %slice3A_85 = vector.extract_strided_slice %scan3A_57#0 {offsets = [5], sizes = [1], strides = [1]} : vector<16xi32> to vector<1xi32>
    %squeeze3A_86 = vector.extract %slice3A_85[0] : i32 from vector<1xi32>
    %add3A_87 = arith.addi %add3A_81, %squeeze3A_86 : i32
    %slice3A_88 = vector.extract_strided_slice %scan3A_57#1 {offsets = [5], sizes = [1], strides = [1]} : vector<16xi32> to vector<1xi32>
    %squeeze3A_89 = vector.extract %slice3A_88[0] : i32 from vector<1xi32>
    %add3A_90 = arith.addi %add3A_84, %squeeze3A_89 : i32
    %slice3A_91 = vector.extract_strided_slice %scan3A_57#0 {offsets = [6], sizes = [1], strides = [1]} : vector<16xi32> to vector<1xi32>
    %squeeze3A_92 = vector.extract %slice3A_91[0] : i32 from vector<1xi32>
    %add3A_93 = arith.addi %add3A_87, %squeeze3A_92 : i32
    %slice3A_94 = vector.extract_strided_slice %scan3A_57#1 {offsets = [6], sizes = [1], strides = [1]} : vector<16xi32> to vector<1xi32>
    %squeeze3A_95 = vector.extract %slice3A_94[0] : i32 from vector<1xi32>
    %add3A_96 = arith.addi %add3A_90, %squeeze3A_95 : i32
    %slice3A_97 = vector.extract_strided_slice %scan3A_57#0 {offsets = [7], sizes = [1], strides = [1]} : vector<16xi32> to vector<1xi32>
    %squeeze3A_98 = vector.extract %slice3A_97[0] : i32 from vector<1xi32>
    %add3A_99 = arith.addi %add3A_93, %squeeze3A_98 : i32
    %slice3A_100 = vector.extract_strided_slice %scan3A_57#1 {offsets = [7], sizes = [1], strides = [1]} : vector<16xi32> to vector<1xi32>
    %squeeze3A_101 = vector.extract %slice3A_100[0] : i32 from vector<1xi32>
    %add3A_102 = arith.addi %add3A_96, %squeeze3A_101 : i32
    %slice3A_103 = vector.extract_strided_slice %scan3A_57#0 {offsets = [8], sizes = [1], strides = [1]} : vector<16xi32> to vector<1xi32>
    %squeeze3A_104 = vector.extract %slice3A_103[0] : i32 from vector<1xi32>
    %add3A_105 = arith.addi %add3A_99, %squeeze3A_104 : i32
    %slice3A_106 = vector.extract_strided_slice %scan3A_57#1 {offsets = [8], sizes = [1], strides = [1]} : vector<16xi32> to vector<1xi32>
    %squeeze3A_107 = vector.extract %slice3A_106[0] : i32 from vector<1xi32>
    %add3A_108 = arith.addi %add3A_102, %squeeze3A_107 : i32
    %slice3A_109 = vector.extract_strided_slice %scan3A_57#0 {offsets = [9], sizes = [1], strides = [1]} : vector<16xi32> to vector<1xi32>
    %squeeze3A_110 = vector.extract %slice3A_109[0] : i32 from vector<1xi32>
    %add3A_111 = arith.addi %add3A_105, %squeeze3A_110 : i32
    %slice3A_112 = vector.extract_strided_slice %scan3A_57#1 {offsets = [9], sizes = [1], strides = [1]} : vector<16xi32> to vector<1xi32>
    %squeeze3A_113 = vector.extract %slice3A_112[0] : i32 from vector<1xi32>
    %add3A_114 = arith.addi %add3A_108, %squeeze3A_113 : i32
    %slice3A_115 = vector.extract_strided_slice %scan3A_57#0 {offsets = [10], sizes = [1], strides = [1]} : vector<16xi32> to vector<1xi32>
    %squeeze3A_116 = vector.extract %slice3A_115[0] : i32 from vector<1xi32>
    %add3A_117 = arith.addi %add3A_111, %squeeze3A_116 : i32
    %slice3A_118 = vector.extract_strided_slice %scan3A_57#1 {offsets = [10], sizes = [1], strides = [1]} : vector<16xi32> to vector<1xi32>
    %squeeze3A_119 = vector.extract %slice3A_118[0] : i32 from vector<1xi32>
    %add3A_120 = arith.addi %add3A_114, %squeeze3A_119 : i32
    %slice3A_121 = vector.extract_strided_slice %scan3A_57#0 {offsets = [11], sizes = [1], strides = [1]} : vector<16xi32> to vector<1xi32>
    %squeeze3A_122 = vector.extract %slice3A_121[0] : i32 from vector<1xi32>
    %add3A_123 = arith.addi %add3A_117, %squeeze3A_122 : i32
    %slice3A_124 = vector.extract_strided_slice %scan3A_57#1 {offsets = [11], sizes = [1], strides = [1]} : vector<16xi32> to vector<1xi32>
    %squeeze3A_125 = vector.extract %slice3A_124[0] : i32 from vector<1xi32>
    %add3A_126 = arith.addi %add3A_120, %squeeze3A_125 : i32
    %slice3A_127 = vector.extract_strided_slice %scan3A_57#0 {offsets = [12], sizes = [1], strides = [1]} : vector<16xi32> to vector<1xi32>
    %squeeze3A_128 = vector.extract %slice3A_127[0] : i32 from vector<1xi32>
    %add3A_129 = arith.addi %add3A_123, %squeeze3A_128 : i32
    %slice3A_130 = vector.extract_strided_slice %scan3A_57#1 {offsets = [12], sizes = [1], strides = [1]} : vector<16xi32> to vector<1xi32>
    %squeeze3A_131 = vector.extract %slice3A_130[0] : i32 from vector<1xi32>
    %add3A_132 = arith.addi %add3A_126, %squeeze3A_131 : i32
    %slice3A_133 = vector.extract_strided_slice %scan3A_57#0 {offsets = [13], sizes = [1], strides = [1]} : vector<16xi32> to vector<1xi32>
    %squeeze3A_134 = vector.extract %slice3A_133[0] : i32 from vector<1xi32>
    %add3A_135 = arith.addi %add3A_129, %squeeze3A_134 : i32
    %slice3A_136 = vector.extract_strided_slice %scan3A_57#1 {offsets = [13], sizes = [1], strides = [1]} : vector<16xi32> to vector<1xi32>
    %squeeze3A_137 = vector.extract %slice3A_136[0] : i32 from vector<1xi32>
    %add3A_138 = arith.addi %add3A_132, %squeeze3A_137 : i32
    %slice3A_139 = vector.extract_strided_slice %scan3A_57#0 {offsets = [14], sizes = [1], strides = [1]} : vector<16xi32> to vector<1xi32>
    %squeeze3A_140 = vector.extract %slice3A_139[0] : i32 from vector<1xi32>
    %add3A_141 = arith.addi %add3A_135, %squeeze3A_140 : i32
    %slice3A_142 = vector.extract_strided_slice %scan3A_57#1 {offsets = [14], sizes = [1], strides = [1]} : vector<16xi32> to vector<1xi32>
    %squeeze3A_143 = vector.extract %slice3A_142[0] : i32 from vector<1xi32>
    %add3A_144 = arith.addi %add3A_138, %squeeze3A_143 : i32
    %slice3A_145 = vector.extract_strided_slice %scan3A_57#0 {offsets = [15], sizes = [1], strides = [1]} : vector<16xi32> to vector<1xi32>
    %squeeze3A_146 = vector.extract %slice3A_145[0] : i32 from vector<1xi32>
    %add3A_147 = arith.addi %add3A_141, %squeeze3A_146 : i32
    %slice3A_148 = vector.extract_strided_slice %scan3A_57#1 {offsets = [15], sizes = [1], strides = [1]} : vector<16xi32> to vector<1xi32>
    %squeeze3A_149 = vector.extract %slice3A_148[0] : i32 from vector<1xi32>
    %add3A_150 = arith.addi %add3A_144, %squeeze3A_149 : i32
    %add3A_151 = arith.constant 0 : i32
    %add3A_152 = arith.addi %mul3A_2, %add3A_151 : i32
    %add3A_153 = arith.constant 0 : i32
    %add3A_154 = arith.addi %mul3A_2, %add3A_153 : i32
    %dma_wait3A = arith.constant 0 : i32
    %dma_wait3A_155 = arith.constant 0 : i32
    %dma_wait3A_156 = arith.constant 0 : i32
    %dma_wait3A_157 = tpu.memref_slice %arg7[%dma_wait3A, %dma_wait3A_155, %dma_wait3A_156] : memref<3x16x2048xf32, #tpu.memory_space<vmem>> -> memref<1x16x2048xf32, #tpu.memory_space<vmem>>
    %dma_wait3A_158 = tpu.memref_squeeze %dma_wait3A_157 : memref<1x16x2048xf32, #tpu.memory_space<vmem>> -> memref<16x2048xf32, #tpu.memory_space<vmem>>
    %dma_wait3A_159 = arith.constant 0 : i32
    %dma_wait3A_160 = tpu.memref_slice %arg2[%add3A_154, %dma_wait3A_159] : memref<16384x2048xf32, #tpu.memory_space<hbm>> -> memref<16x2048xf32, #tpu.memory_space<hbm>>
    %dma_wait3A_161 = arith.constant 0 : i32
    %dma_wait3A_162 = arith.constant 0 : i32
    %dma_wait3A_163 = tpu.memref_slice %arg7[%dma_wait3A, %dma_wait3A_161, %dma_wait3A_162] : memref<3x16x2048xf32, #tpu.memory_space<vmem>> -> memref<1x16x2048xf32, #tpu.memory_space<vmem>>
    %dma_wait3A_164 = tpu.memref_squeeze %dma_wait3A_163 : memref<1x16x2048xf32, #tpu.memory_space<vmem>> -> memref<16x2048xf32, #tpu.memory_space<vmem>>
    %dma_wait3A_165 = arith.constant 0 : i32
    %dma_wait3A_166 = tpu.memref_slice %arg2[%add3A_154, %dma_wait3A_165] : memref<16384x2048xf32, #tpu.memory_space<hbm>> -> memref<16x2048xf32, #tpu.memory_space<hbm>>
    tpu.wait_dma2 semaphore(%arg9 : memref<!tpu.dma_semaphore, #tpu.memory_space<semaphore_mem>>) src(%dma_wait3A_166 : memref<16x2048xf32, #tpu.memory_space<hbm>>) dst(%dma_wait3A_164 : memref<16x2048xf32, #tpu.memory_space<vmem>>)
    %get3A = arith.index_cast %add3A_147 : i32 to index
    %get3A_167 = tpu.vector_load %arg6[%get3A] {strides = array<i32>} : memref<2064xi32, #tpu.memory_space<vmem>>, vector<16xi32>,
    %get3A_168 = vector.shape_cast %get3A_167 : vector<16xi32> to vector<16xi32>
    %add3A_169 = arith.constant 16 : i32
    %add3A_170 = arith.addi %add3A_152, %add3A_169 : i32
    %broadcast_in_dim3A_171 = vector.broadcast %add3A_170 : i32 to vector<16xi32>
    %lt3A = arith.cmpi slt, %get3A_168, %broadcast_in_dim3A_171 : vector<16xi32>
    %select_n3A = arith.select %lt3A, %broadcast_in_dim3A_51, %broadcast_in_dim3A_53 : vector<16xi1>, vector<16xi32>
    %slice3A_172 = vector.extract_strided_slice %select_n3A {offsets = [0], sizes = [1], strides = [1]} : vector<16xi32> to vector<1xi32>
    %squeeze3A_173 = vector.extract %slice3A_172[0] : i32 from vector<1xi32>
    %slice3A_174 = vector.extract_strided_slice %select_n3A {offsets = [1], sizes = [1], strides = [1]} : vector<16xi32> to vector<1xi32>
    %squeeze3A_175 = vector.extract %slice3A_174[0] : i32 from vector<1xi32>
    %add3A_176 = arith.addi %squeeze3A_173, %squeeze3A_175 : i32
    %slice3A_177 = vector.extract_strided_slice %select_n3A {offsets = [2], sizes = [1], strides = [1]} : vector<16xi32> to vector<1xi32>
    %squeeze3A_178 = vector.extract %slice3A_177[0] : i32 from vector<1xi32>
    %add3A_179 = arith.addi %add3A_176, %squeeze3A_178 : i32
    %slice3A_180 = vector.extract_strided_slice %select_n3A {offsets = [3], sizes = [1], strides = [1]} : vector<16xi32> to vector<1xi32>
    %squeeze3A_181 = vector.extract %slice3A_180[0] : i32 from vector<1xi32>
    %add3A_182 = arith.addi %add3A_179, %squeeze3A_181 : i32
    %slice3A_183 = vector.extract_strided_slice %select_n3A {offsets = [4], sizes = [1], strides = [1]} : vector<16xi32> to vector<1xi32>
    %squeeze3A_184 = vector.extract %slice3A_183[0] : i32 from vector<1xi32>
    %add3A_185 = arith.addi %add3A_182, %squeeze3A_184 : i32
    %slice3A_186 = vector.extract_strided_slice %select_n3A {offsets = [5], sizes = [1], strides = [1]} : vector<16xi32> to vector<1xi32>
    %squeeze3A_187 = vector.extract %slice3A_186[0] : i32 from vector<1xi32>
    %add3A_188 = arith.addi %add3A_185, %squeeze3A_187 : i32
    %slice3A_189 = vector.extract_strided_slice %select_n3A {offsets = [6], sizes = [1], strides = [1]} : vector<16xi32> to vector<1xi32>
    %squeeze3A_190 = vector.extract %slice3A_189[0] : i32 from vector<1xi32>
    %add3A_191 = arith.addi %add3A_188, %squeeze3A_190 : i32
    %slice3A_192 = vector.extract_strided_slice %select_n3A {offsets = [7], sizes = [1], strides = [1]} : vector<16xi32> to vector<1xi32>
    %squeeze3A_193 = vector.extract %slice3A_192[0] : i32 from vector<1xi32>
    %add3A_194 = arith.addi %add3A_191, %squeeze3A_193 : i32
    %slice3A_195 = vector.extract_strided_slice %select_n3A {offsets = [8], sizes = [1], strides = [1]} : vector<16xi32> to vector<1xi32>
    %squeeze3A_196 = vector.extract %slice3A_195[0] : i32 from vector<1xi32>
    %add3A_197 = arith.addi %add3A_194, %squeeze3A_196 : i32
    %slice3A_198 = vector.extract_strided_slice %select_n3A {offsets = [9], sizes = [1], strides = [1]} : vector<16xi32> to vector<1xi32>
    %squeeze3A_199 = vector.extract %slice3A_198[0] : i32 from vector<1xi32>
    %add3A_200 = arith.addi %add3A_197, %squeeze3A_199 : i32
    %slice3A_201 = vector.extract_strided_slice %select_n3A {offsets = [10], sizes = [1], strides = [1]} : vector<16xi32> to vector<1xi32>
    %squeeze3A_202 = vector.extract %slice3A_201[0] : i32 from vector<1xi32>
    %add3A_203 = arith.addi %add3A_200, %squeeze3A_202 : i32
    %slice3A_204 = vector.extract_strided_slice %select_n3A {offsets = [11], sizes = [1], strides = [1]} : vector<16xi32> to vector<1xi32>
    %squeeze3A_205 = vector.extract %slice3A_204[0] : i32 from vector<1xi32>
    %add3A_206 = arith.addi %add3A_203, %squeeze3A_205 : i32
    %slice3A_207 = vector.extract_strided_slice %select_n3A {offsets = [12], sizes = [1], strides = [1]} : vector<16xi32> to vector<1xi32>
    %squeeze3A_208 = vector.extract %slice3A_207[0] : i32 from vector<1xi32>
    %add3A_209 = arith.addi %add3A_206, %squeeze3A_208 : i32
    %slice3A_210 = vector.extract_strided_slice %select_n3A {offsets = [13], sizes = [1], strides = [1]} : vector<16xi32> to vector<1xi32>
    %squeeze3A_211 = vector.extract %slice3A_210[0] : i32 from vector<1xi32>
    %add3A_212 = arith.addi %add3A_209, %squeeze3A_211 : i32
    %slice3A_213 = vector.extract_strided_slice %select_n3A {offsets = [14], sizes = [1], strides = [1]} : vector<16xi32> to vector<1xi32>
    %squeeze3A_214 = vector.extract %slice3A_213[0] : i32 from vector<1xi32>
    %add3A_215 = arith.addi %add3A_212, %squeeze3A_214 : i32
    %slice3A_216 = vector.extract_strided_slice %select_n3A {offsets = [15], sizes = [1], strides = [1]} : vector<16xi32> to vector<1xi32>
    %squeeze3A_217 = vector.extract %slice3A_216[0] : i32 from vector<1xi32>
    %add3A_218 = arith.addi %add3A_215, %squeeze3A_217 : i32
    %sub3A = arith.subi %add3A_150, %add3A_147 : i32
    %min3A = arith.minsi %add3A_218, %sub3A : i32
    %while3A = arith.constant 0 : i32
    %while3A_219 = arith.constant 0 : i32
    %while3A_220 = arith.subi %min3A, %while3A_219 : i32
    %while3A_221 = arith.addi %while3A_219, %while3A_220 : i32
    %while3A_222 = arith.constant 1 : i32
    %while3A_223 = arith.divsi %while3A_220, %while3A_222 : i32
    %while3A_224 = arith.muli %while3A_223, %while3A_222 : i32
    %while3A_225 = arith.addi %while3A_219, %while3A_224 : i32
    %while3A_226 = arith.constant 1 : i32
    scf.for %while3A_805 = %while3A_219 to %while3A_225 step %while3A_226  : i32 {
      %add3A_806 = arith.addi %add3A_147, %while3A_805 : i32
      %get3A_807 = arith.index_cast %add3A_806 : i32 to index
      %get3A_808 = tpu.vector_load %arg6[%get3A_807] {strides = array<i32>} : memref<2064xi32, #tpu.memory_space<vmem>>, vector<16xi32>,
      %get3A_809 = vector.shape_cast %get3A_808 : vector<16xi32> to vector<16xi32>
      %slice3A_810 = vector.extract_strided_slice %get3A_809 {offsets = [0], sizes = [1], strides = [1]} : vector<16xi32> to vector<1xi32>
      %squeeze3A_811 = vector.extract %slice3A_810[0] : i32 from vector<1xi32>
      %sub3A_812 = arith.subi %squeeze3A_811, %add3A_152 : i32
      %add3A_813 = arith.addi %add3A_147, %while3A_805 : i32
      %dma_start3A_814 = arith.constant 0 : i32
      %dma_start3A_815 = arith.constant 0 : i32
      %dma_start3A_816 = arith.constant 0 : i32
      %dma_start3A_817 = tpu.memref_slice %arg7[%dma_start3A_814, %dma_start3A_815, %dma_start3A_816] : memref<3x16x2048xf32, #tpu.memory_space<vmem>> -> memref<1x16x2048xf32, #tpu.memory_space<vmem>>
      %dma_start3A_818 = tpu.memref_squeeze %dma_start3A_817 : memref<1x16x2048xf32, #tpu.memory_space<vmem>> -> memref<16x2048xf32, #tpu.memory_space<vmem>>
      %dma_start3A_819 = arith.constant 0 : i32
      %dma_start3A_820 = tpu.memref_slice %dma_start3A_818[%sub3A_812, %dma_start3A_819] : memref<16x2048xf32, #tpu.memory_space<vmem>> -> memref<1x2048xf32, #tpu.memory_space<vmem>>
      %dma_start3A_821 = arith.constant 0 : i32
      %dma_start3A_822 = tpu.memref_slice %arg3[%add3A_813, %dma_start3A_821] : memref<2048x2048xf32, #tpu.memory_space<hbm>> -> memref<1x2048xf32, #tpu.memory_space<hbm>>
      %dma_start3A_823 = arith.constant 0 : i32
      %dma_start3A_824 = arith.constant 0 : i32
      %dma_start3A_825 = tpu.memref_slice %arg7[%dma_start3A_814, %dma_start3A_823, %dma_start3A_824] : memref<3x16x2048xf32, #tpu.memory_space<vmem>> -> memref<1x16x2048xf32, #tpu.memory_space<vmem>>
      %dma_start3A_826 = tpu.memref_squeeze %dma_start3A_825 : memref<1x16x2048xf32, #tpu.memory_space<vmem>> -> memref<16x2048xf32, #tpu.memory_space<vmem>>
      %dma_start3A_827 = arith.constant 0 : i32
      %dma_start3A_828 = tpu.memref_slice %dma_start3A_826[%sub3A_812, %dma_start3A_827] : memref<16x2048xf32, #tpu.memory_space<vmem>> -> memref<1x2048xf32, #tpu.memory_space<vmem>>
      %dma_start3A_829 = arith.constant 0 : i32
      %dma_start3A_830 = tpu.memref_slice %arg3[%add3A_813, %dma_start3A_829] : memref<2048x2048xf32, #tpu.memory_space<hbm>> -> memref<1x2048xf32, #tpu.memory_space<hbm>>
      tpu.enqueue_dma source(%dma_start3A_830 : memref<1x2048xf32, #tpu.memory_space<hbm>>) target(%dma_start3A_828 : memref<1x2048xf32, #tpu.memory_space<vmem>>) target_semaphore(%arg15 : memref<!tpu.dma_semaphore, #tpu.memory_space<semaphore_mem>>)
    }
    %while3A_227 = arith.constant 1 : i32
    scf.for %while3A_805 = %while3A_225 to %while3A_221 step %while3A_227  : i32 {
      %add3A_806 = arith.addi %add3A_147, %while3A_805 : i32
      %get3A_807 = arith.index_cast %add3A_806 : i32 to index
      %get3A_808 = tpu.vector_load %arg6[%get3A_807] {strides = array<i32>} : memref<2064xi32, #tpu.memory_space<vmem>>, vector<16xi32>,
      %get3A_809 = vector.shape_cast %get3A_808 : vector<16xi32> to vector<16xi32>
      %slice3A_810 = vector.extract_strided_slice %get3A_809 {offsets = [0], sizes = [1], strides = [1]} : vector<16xi32> to vector<1xi32>
      %squeeze3A_811 = vector.extract %slice3A_810[0] : i32 from vector<1xi32>
      %sub3A_812 = arith.subi %squeeze3A_811, %add3A_152 : i32
      %add3A_813 = arith.addi %add3A_147, %while3A_805 : i32
      %dma_start3A_814 = arith.constant 0 : i32
      %dma_start3A_815 = arith.constant 0 : i32
      %dma_start3A_816 = arith.constant 0 : i32
      %dma_start3A_817 = tpu.memref_slice %arg7[%dma_start3A_814, %dma_start3A_815, %dma_start3A_816] : memref<3x16x2048xf32, #tpu.memory_space<vmem>> -> memref<1x16x2048xf32, #tpu.memory_space<vmem>>
      %dma_start3A_818 = tpu.memref_squeeze %dma_start3A_817 : memref<1x16x2048xf32, #tpu.memory_space<vmem>> -> memref<16x2048xf32, #tpu.memory_space<vmem>>
      %dma_start3A_819 = arith.constant 0 : i32
      %dma_start3A_820 = tpu.memref_slice %dma_start3A_818[%sub3A_812, %dma_start3A_819] : memref<16x2048xf32, #tpu.memory_space<vmem>> -> memref<1x2048xf32, #tpu.memory_space<vmem>>
      %dma_start3A_821 = arith.constant 0 : i32
      %dma_start3A_822 = tpu.memref_slice %arg3[%add3A_813, %dma_start3A_821] : memref<2048x2048xf32, #tpu.memory_space<hbm>> -> memref<1x2048xf32, #tpu.memory_space<hbm>>
      %dma_start3A_823 = arith.constant 0 : i32
      %dma_start3A_824 = arith.constant 0 : i32
      %dma_start3A_825 = tpu.memref_slice %arg7[%dma_start3A_814, %dma_start3A_823, %dma_start3A_824] : memref<3x16x2048xf32, #tpu.memory_space<vmem>> -> memref<1x16x2048xf32, #tpu.memory_space<vmem>>
      %dma_start3A_826 = tpu.memref_squeeze %dma_start3A_825 : memref<1x16x2048xf32, #tpu.memory_space<vmem>> -> memref<16x2048xf32, #tpu.memory_space<vmem>>
      %dma_start3A_827 = arith.constant 0 : i32
      %dma_start3A_828 = tpu.memref_slice %dma_start3A_826[%sub3A_812, %dma_start3A_827] : memref<16x2048xf32, #tpu.memory_space<vmem>> -> memref<1x2048xf32, #tpu.memory_space<vmem>>
      %dma_start3A_829 = arith.constant 0 : i32
      %dma_start3A_830 = tpu.memref_slice %arg3[%add3A_813, %dma_start3A_829] : memref<2048x2048xf32, #tpu.memory_space<hbm>> -> memref<1x2048xf32, #tpu.memory_space<hbm>>
      tpu.enqueue_dma source(%dma_start3A_830 : memref<1x2048xf32, #tpu.memory_space<hbm>>) target(%dma_start3A_828 : memref<1x2048xf32, #tpu.memory_space<vmem>>) target_semaphore(%arg15 : memref<!tpu.dma_semaphore, #tpu.memory_space<semaphore_mem>>)
    }
    %while3A_228 = arith.constant 0 : i32
    %while3A_229 = arith.constant 0 : i32
    %while3A_230 = arith.subi %min3A, %while3A_229 : i32
    %while3A_231 = arith.addi %while3A_229, %while3A_230 : i32
    %while3A_232 = arith.constant 1 : i32
    %while3A_233 = arith.divsi %while3A_230, %while3A_232 : i32
    %while3A_234 = arith.muli %while3A_233, %while3A_232 : i32
    %while3A_235 = arith.addi %while3A_229, %while3A_234 : i32
    %while3A_236 = arith.constant 1 : i32
    scf.for %while3A_805 = %while3A_229 to %while3A_235 step %while3A_236  : i32 {
      %dma_wait3A_806 = arith.constant 0 : i32
      %dma_wait3A_807 = arith.constant 0 : i32
      %dma_wait3A_808 = tpu.memref_slice %arg3[%dma_wait3A_806, %dma_wait3A_807] : memref<2048x2048xf32, #tpu.memory_space<hbm>> -> memref<1x2048xf32, #tpu.memory_space<hbm>>
      %dma_wait3A_809 = arith.constant 0 : i32
      %dma_wait3A_810 = arith.constant 0 : i32
      %dma_wait3A_811 = tpu.memref_slice %arg3[%dma_wait3A_809, %dma_wait3A_810] : memref<2048x2048xf32, #tpu.memory_space<hbm>> -> memref<1x2048xf32, #tpu.memory_space<hbm>>
      tpu.wait_dma2 semaphore(%arg15 : memref<!tpu.dma_semaphore, #tpu.memory_space<semaphore_mem>>) src(%dma_wait3A_811 : memref<1x2048xf32, #tpu.memory_space<hbm>>) dst(%arg8 : memref<1x2048xf32, #tpu.memory_space<vmem>>)
    }
    %while3A_237 = arith.constant 1 : i32
    scf.for %while3A_805 = %while3A_235 to %while3A_231 step %while3A_237  : i32 {
      %dma_wait3A_806 = arith.constant 0 : i32
      %dma_wait3A_807 = arith.constant 0 : i32
      %dma_wait3A_808 = tpu.memref_slice %arg3[%dma_wait3A_806, %dma_wait3A_807] : memref<2048x2048xf32, #tpu.memory_space<hbm>> -> memref<1x2048xf32, #tpu.memory_space<hbm>>
      %dma_wait3A_809 = arith.constant 0 : i32
      %dma_wait3A_810 = arith.constant 0 : i32
      %dma_wait3A_811 = tpu.memref_slice %arg3[%dma_wait3A_809, %dma_wait3A_810] : memref<2048x2048xf32, #tpu.memory_space<hbm>> -> memref<1x2048xf32, #tpu.memory_space<hbm>>
      tpu.wait_dma2 semaphore(%arg15 : memref<!tpu.dma_semaphore, #tpu.memory_space<semaphore_mem>>) src(%dma_wait3A_811 : memref<1x2048xf32, #tpu.memory_space<hbm>>) dst(%arg8 : memref<1x2048xf32, #tpu.memory_space<vmem>>)
    }
    %add3A_238 = arith.constant 0 : i32
    %add3A_239 = arith.addi %mul3A_2, %add3A_238 : i32
    %dma_start3A_240 = arith.constant 0 : i32
    %dma_start3A_241 = arith.constant 0 : i32
    %dma_start3A_242 = arith.constant 0 : i32
    %dma_start3A_243 = tpu.memref_slice %arg7[%dma_start3A_240, %dma_start3A_241, %dma_start3A_242] : memref<3x16x2048xf32, #tpu.memory_space<vmem>> -> memref<1x16x2048xf32, #tpu.memory_space<vmem>>
    %dma_start3A_244 = tpu.memref_squeeze %dma_start3A_243 : memref<1x16x2048xf32, #tpu.memory_space<vmem>> -> memref<16x2048xf32, #tpu.memory_space<vmem>>
    %dma_start3A_245 = arith.constant 0 : i32
    %dma_start3A_246 = tpu.memref_slice %arg5[%add3A_239, %dma_start3A_245] : memref<16384x2048xf32, #tpu.memory_space<hbm>> -> memref<16x2048xf32, #tpu.memory_space<hbm>>
    %dma_start3A_247 = arith.constant 0 : i32
    %dma_start3A_248 = tpu.memref_slice %arg5[%add3A_239, %dma_start3A_247] : memref<16384x2048xf32, #tpu.memory_space<hbm>> -> memref<16x2048xf32, #tpu.memory_space<hbm>>
    %dma_start3A_249 = arith.constant 0 : i32
    %dma_start3A_250 = arith.constant 0 : i32
    %dma_start3A_251 = tpu.memref_slice %arg7[%dma_start3A_240, %dma_start3A_249, %dma_start3A_250] : memref<3x16x2048xf32, #tpu.memory_space<vmem>> -> memref<1x16x2048xf32, #tpu.memory_space<vmem>>
    %dma_start3A_252 = tpu.memref_squeeze %dma_start3A_251 : memref<1x16x2048xf32, #tpu.memory_space<vmem>> -> memref<16x2048xf32, #tpu.memory_space<vmem>>
    tpu.enqueue_dma source(%dma_start3A_252 : memref<16x2048xf32, #tpu.memory_space<vmem>>) target(%dma_start3A_248 : memref<16x2048xf32, #tpu.memory_space<hbm>>) target_semaphore(%arg12 : memref<!tpu.dma_semaphore, #tpu.memory_space<semaphore_mem>>)
    %add3A_253 = arith.addi %add3A_147, %min3A : i32
    %scan3A_254 = arith.constant 0 : i32
    %scan3A_255 = arith.constant 9 : i32
    %scan3A_256 = arith.addi %scan3A_254, %scan3A_255 : i32
    %scan3A_257 = arith.constant 1 : i32
    %scan3A_258 = scf.for %scan3A_805 = %scan3A_254 to %scan3A_256 step %scan3A_257 iter_args(%scan3A_806 = %add3A_253) -> (i32)  : i32 {
      %mul3A_807 = arith.constant 3 : i32
      %mul3A_808 = arith.muli %mul3A_807, %scan3A_805 : i32
      %add3A_809 = arith.constant 1 : i32
      %add3A_810 = arith.addi %mul3A_808, %add3A_809 : i32
      %mul3A_811 = arith.constant 16 : i32
      %mul3A_812 = arith.muli %add3A_810, %mul3A_811 : i32
      %add3A_813 = arith.addi %mul3A_2, %mul3A_812 : i32
      %mul3A_814 = arith.constant 16 : i32
      %mul3A_815 = arith.muli %add3A_810, %mul3A_814 : i32
      %add3A_816 = arith.addi %mul3A_2, %mul3A_815 : i32
      %dma_wait3A_817 = arith.constant 1 : i32
      %dma_wait3A_818 = arith.constant 0 : i32
      %dma_wait3A_819 = arith.constant 0 : i32
      %dma_wait3A_820 = tpu.memref_slice %arg7[%dma_wait3A_817, %dma_wait3A_818, %dma_wait3A_819] : memref<3x16x2048xf32, #tpu.memory_space<vmem>> -> memref<1x16x2048xf32, #tpu.memory_space<vmem>>
      %dma_wait3A_821 = tpu.memref_squeeze %dma_wait3A_820 : memref<1x16x2048xf32, #tpu.memory_space<vmem>> -> memref<16x2048xf32, #tpu.memory_space<vmem>>
      %dma_wait3A_822 = arith.constant 0 : i32
      %dma_wait3A_823 = tpu.memref_slice %arg2[%add3A_816, %dma_wait3A_822] : memref<16384x2048xf32, #tpu.memory_space<hbm>> -> memref<16x2048xf32, #tpu.memory_space<hbm>>
      %dma_wait3A_824 = arith.constant 0 : i32
      %dma_wait3A_825 = arith.constant 0 : i32
      %dma_wait3A_826 = tpu.memref_slice %arg7[%dma_wait3A_817, %dma_wait3A_824, %dma_wait3A_825] : memref<3x16x2048xf32, #tpu.memory_space<vmem>> -> memref<1x16x2048xf32, #tpu.memory_space<vmem>>
      %dma_wait3A_827 = tpu.memref_squeeze %dma_wait3A_826 : memref<1x16x2048xf32, #tpu.memory_space<vmem>> -> memref<16x2048xf32, #tpu.memory_space<vmem>>
      %dma_wait3A_828 = arith.constant 0 : i32
      %dma_wait3A_829 = tpu.memref_slice %arg2[%add3A_816, %dma_wait3A_828] : memref<16384x2048xf32, #tpu.memory_space<hbm>> -> memref<16x2048xf32, #tpu.memory_space<hbm>>
      tpu.wait_dma2 semaphore(%arg10 : memref<!tpu.dma_semaphore, #tpu.memory_space<semaphore_mem>>) src(%dma_wait3A_829 : memref<16x2048xf32, #tpu.memory_space<hbm>>) dst(%dma_wait3A_827 : memref<16x2048xf32, #tpu.memory_space<vmem>>)
      %get3A_830 = arith.index_cast %scan3A_806 : i32 to index
      %get3A_831 = tpu.vector_load %arg6[%get3A_830] {strides = array<i32>} : memref<2064xi32, #tpu.memory_space<vmem>>, vector<16xi32>,
      %get3A_832 = vector.shape_cast %get3A_831 : vector<16xi32> to vector<16xi32>
      %add3A_833 = arith.constant 16 : i32
      %add3A_834 = arith.addi %add3A_813, %add3A_833 : i32
      %broadcast_in_dim3A_835 = vector.broadcast %add3A_834 : i32 to vector<16xi32>
      %lt3A_836 = arith.cmpi slt, %get3A_832, %broadcast_in_dim3A_835 : vector<16xi32>
      %select_n3A_837 = arith.select %lt3A_836, %broadcast_in_dim3A_51, %broadcast_in_dim3A_53 : vector<16xi1>, vector<16xi32>
      %slice3A_838 = vector.extract_strided_slice %select_n3A_837 {offsets = [0], sizes = [1], strides = [1]} : vector<16xi32> to vector<1xi32>
      %squeeze3A_839 = vector.extract %slice3A_838[0] : i32 from vector<1xi32>
      %slice3A_840 = vector.extract_strided_slice %select_n3A_837 {offsets = [1], sizes = [1], strides = [1]} : vector<16xi32> to vector<1xi32>
      %squeeze3A_841 = vector.extract %slice3A_840[0] : i32 from vector<1xi32>
      %add3A_842 = arith.addi %squeeze3A_839, %squeeze3A_841 : i32
      %slice3A_843 = vector.extract_strided_slice %select_n3A_837 {offsets = [2], sizes = [1], strides = [1]} : vector<16xi32> to vector<1xi32>
      %squeeze3A_844 = vector.extract %slice3A_843[0] : i32 from vector<1xi32>
      %add3A_845 = arith.addi %add3A_842, %squeeze3A_844 : i32
      %slice3A_846 = vector.extract_strided_slice %select_n3A_837 {offsets = [3], sizes = [1], strides = [1]} : vector<16xi32> to vector<1xi32>
      %squeeze3A_847 = vector.extract %slice3A_846[0] : i32 from vector<1xi32>
      %add3A_848 = arith.addi %add3A_845, %squeeze3A_847 : i32
      %slice3A_849 = vector.extract_strided_slice %select_n3A_837 {offsets = [4], sizes = [1], strides = [1]} : vector<16xi32> to vector<1xi32>
      %squeeze3A_850 = vector.extract %slice3A_849[0] : i32 from vector<1xi32>
      %add3A_851 = arith.addi %add3A_848, %squeeze3A_850 : i32
      %slice3A_852 = vector.extract_strided_slice %select_n3A_837 {offsets = [5], sizes = [1], strides = [1]} : vector<16xi32> to vector<1xi32>
      %squeeze3A_853 = vector.extract %slice3A_852[0] : i32 from vector<1xi32>
      %add3A_854 = arith.addi %add3A_851, %squeeze3A_853 : i32
      %slice3A_855 = vector.extract_strided_slice %select_n3A_837 {offsets = [6], sizes = [1], strides = [1]} : vector<16xi32> to vector<1xi32>
      %squeeze3A_856 = vector.extract %slice3A_855[0] : i32 from vector<1xi32>
      %add3A_857 = arith.addi %add3A_854, %squeeze3A_856 : i32
      %slice3A_858 = vector.extract_strided_slice %select_n3A_837 {offsets = [7], sizes = [1], strides = [1]} : vector<16xi32> to vector<1xi32>
      %squeeze3A_859 = vector.extract %slice3A_858[0] : i32 from vector<1xi32>
      %add3A_860 = arith.addi %add3A_857, %squeeze3A_859 : i32
      %slice3A_861 = vector.extract_strided_slice %select_n3A_837 {offsets = [8], sizes = [1], strides = [1]} : vector<16xi32> to vector<1xi32>
      %squeeze3A_862 = vector.extract %slice3A_861[0] : i32 from vector<1xi32>
      %add3A_863 = arith.addi %add3A_860, %squeeze3A_862 : i32
      %slice3A_864 = vector.extract_strided_slice %select_n3A_837 {offsets = [9], sizes = [1], strides = [1]} : vector<16xi32> to vector<1xi32>
      %squeeze3A_865 = vector.extract %slice3A_864[0] : i32 from vector<1xi32>
      %add3A_866 = arith.addi %add3A_863, %squeeze3A_865 : i32
      %slice3A_867 = vector.extract_strided_slice %select_n3A_837 {offsets = [10], sizes = [1], strides = [1]} : vector<16xi32> to vector<1xi32>
      %squeeze3A_868 = vector.extract %slice3A_867[0] : i32 from vector<1xi32>
      %add3A_869 = arith.addi %add3A_866, %squeeze3A_868 : i32
      %slice3A_870 = vector.extract_strided_slice %select_n3A_837 {offsets = [11], sizes = [1], strides = [1]} : vector<16xi32> to vector<1xi32>
      %squeeze3A_871 = vector.extract %slice3A_870[0] : i32 from vector<1xi32>
      %add3A_872 = arith.addi %add3A_869, %squeeze3A_871 : i32
      %slice3A_873 = vector.extract_strided_slice %select_n3A_837 {offsets = [12], sizes = [1], strides = [1]} : vector<16xi32> to vector<1xi32>
      %squeeze3A_874 = vector.extract %slice3A_873[0] : i32 from vector<1xi32>
      %add3A_875 = arith.addi %add3A_872, %squeeze3A_874 : i32
      %slice3A_876 = vector.extract_strided_slice %select_n3A_837 {offsets = [13], sizes = [1], strides = [1]} : vector<16xi32> to vector<1xi32>
      %squeeze3A_877 = vector.extract %slice3A_876[0] : i32 from vector<1xi32>
      %add3A_878 = arith.addi %add3A_875, %squeeze3A_877 : i32
      %slice3A_879 = vector.extract_strided_slice %select_n3A_837 {offsets = [14], sizes = [1], strides = [1]} : vector<16xi32> to vector<1xi32>
      %squeeze3A_880 = vector.extract %slice3A_879[0] : i32 from vector<1xi32>
      %add3A_881 = arith.addi %add3A_878, %squeeze3A_880 : i32
      %slice3A_882 = vector.extract_strided_slice %select_n3A_837 {offsets = [15], sizes = [1], strides = [1]} : vector<16xi32> to vector<1xi32>
      %squeeze3A_883 = vector.extract %slice3A_882[0] : i32 from vector<1xi32>
      %add3A_884 = arith.addi %add3A_881, %squeeze3A_883 : i32
      %sub3A_885 = arith.subi %add3A_150, %scan3A_806 : i32
      %min3A_886 = arith.minsi %add3A_884, %sub3A_885 : i32
      %while3A_887 = arith.constant 0 : i32
      %while3A_888 = arith.constant 0 : i32
      %while3A_889 = arith.subi %min3A_886, %while3A_888 : i32
      %while3A_890 = arith.addi %while3A_888, %while3A_889 : i32
      %while3A_891 = arith.constant 1 : i32
      %while3A_892 = arith.divsi %while3A_889, %while3A_891 : i32
      %while3A_893 = arith.muli %while3A_892, %while3A_891 : i32
      %while3A_894 = arith.addi %while3A_888, %while3A_893 : i32
      %while3A_895 = arith.constant 1 : i32
      scf.for %while3A_1262 = %while3A_888 to %while3A_894 step %while3A_895  : i32 {
        %add3A_1263 = arith.addi %scan3A_806, %while3A_1262 : i32
        %get3A_1264 = arith.index_cast %add3A_1263 : i32 to index
        %get3A_1265 = tpu.vector_load %arg6[%get3A_1264] {strides = array<i32>} : memref<2064xi32, #tpu.memory_space<vmem>>, vector<16xi32>,
        %get3A_1266 = vector.shape_cast %get3A_1265 : vector<16xi32> to vector<16xi32>
        %slice3A_1267 = vector.extract_strided_slice %get3A_1266 {offsets = [0], sizes = [1], strides = [1]} : vector<16xi32> to vector<1xi32>
        %squeeze3A_1268 = vector.extract %slice3A_1267[0] : i32 from vector<1xi32>
        %sub3A_1269 = arith.subi %squeeze3A_1268, %add3A_813 : i32
        %add3A_1270 = arith.addi %scan3A_806, %while3A_1262 : i32
        %dma_start3A_1271 = arith.constant 1 : i32
        %dma_start3A_1272 = arith.constant 0 : i32
        %dma_start3A_1273 = arith.constant 0 : i32
        %dma_start3A_1274 = tpu.memref_slice %arg7[%dma_start3A_1271, %dma_start3A_1272, %dma_start3A_1273] : memref<3x16x2048xf32, #tpu.memory_space<vmem>> -> memref<1x16x2048xf32, #tpu.memory_space<vmem>>
        %dma_start3A_1275 = tpu.memref_squeeze %dma_start3A_1274 : memref<1x16x2048xf32, #tpu.memory_space<vmem>> -> memref<16x2048xf32, #tpu.memory_space<vmem>>
        %dma_start3A_1276 = arith.constant 0 : i32
        %dma_start3A_1277 = tpu.memref_slice %dma_start3A_1275[%sub3A_1269, %dma_start3A_1276] : memref<16x2048xf32, #tpu.memory_space<vmem>> -> memref<1x2048xf32, #tpu.memory_space<vmem>>
        %dma_start3A_1278 = arith.constant 0 : i32
        %dma_start3A_1279 = tpu.memref_slice %arg3[%add3A_1270, %dma_start3A_1278] : memref<2048x2048xf32, #tpu.memory_space<hbm>> -> memref<1x2048xf32, #tpu.memory_space<hbm>>
        %dma_start3A_1280 = arith.constant 0 : i32
        %dma_start3A_1281 = arith.constant 0 : i32
        %dma_start3A_1282 = tpu.memref_slice %arg7[%dma_start3A_1271, %dma_start3A_1280, %dma_start3A_1281] : memref<3x16x2048xf32, #tpu.memory_space<vmem>> -> memref<1x16x2048xf32, #tpu.memory_space<vmem>>
        %dma_start3A_1283 = tpu.memref_squeeze %dma_start3A_1282 : memref<1x16x2048xf32, #tpu.memory_space<vmem>> -> memref<16x2048xf32, #tpu.memory_space<vmem>>
        %dma_start3A_1284 = arith.constant 0 : i32
        %dma_start3A_1285 = tpu.memref_slice %dma_start3A_1283[%sub3A_1269, %dma_start3A_1284] : memref<16x2048xf32, #tpu.memory_space<vmem>> -> memref<1x2048xf32, #tpu.memory_space<vmem>>
        %dma_start3A_1286 = arith.constant 0 : i32
        %dma_start3A_1287 = tpu.memref_slice %arg3[%add3A_1270, %dma_start3A_1286] : memref<2048x2048xf32, #tpu.memory_space<hbm>> -> memref<1x2048xf32, #tpu.memory_space<hbm>>
        tpu.enqueue_dma source(%dma_start3A_1287 : memref<1x2048xf32, #tpu.memory_space<hbm>>) target(%dma_start3A_1285 : memref<1x2048xf32, #tpu.memory_space<vmem>>) target_semaphore(%arg15 : memref<!tpu.dma_semaphore, #tpu.memory_space<semaphore_mem>>)
      }
      %while3A_896 = arith.constant 1 : i32
      scf.for %while3A_1262 = %while3A_894 to %while3A_890 step %while3A_896  : i32 {
        %add3A_1263 = arith.addi %scan3A_806, %while3A_1262 : i32
        %get3A_1264 = arith.index_cast %add3A_1263 : i32 to index
        %get3A_1265 = tpu.vector_load %arg6[%get3A_1264] {strides = array<i32>} : memref<2064xi32, #tpu.memory_space<vmem>>, vector<16xi32>,
        %get3A_1266 = vector.shape_cast %get3A_1265 : vector<16xi32> to vector<16xi32>
        %slice3A_1267 = vector.extract_strided_slice %get3A_1266 {offsets = [0], sizes = [1], strides = [1]} : vector<16xi32> to vector<1xi32>
        %squeeze3A_1268 = vector.extract %slice3A_1267[0] : i32 from vector<1xi32>
        %sub3A_1269 = arith.subi %squeeze3A_1268, %add3A_813 : i32
        %add3A_1270 = arith.addi %scan3A_806, %while3A_1262 : i32
        %dma_start3A_1271 = arith.constant 1 : i32
        %dma_start3A_1272 = arith.constant 0 : i32
        %dma_start3A_1273 = arith.constant 0 : i32
        %dma_start3A_1274 = tpu.memref_slice %arg7[%dma_start3A_1271, %dma_start3A_1272, %dma_start3A_1273] : memref<3x16x2048xf32, #tpu.memory_space<vmem>> -> memref<1x16x2048xf32, #tpu.memory_space<vmem>>
        %dma_start3A_1275 = tpu.memref_squeeze %dma_start3A_1274 : memref<1x16x2048xf32, #tpu.memory_space<vmem>> -> memref<16x2048xf32, #tpu.memory_space<vmem>>
        %dma_start3A_1276 = arith.constant 0 : i32
        %dma_start3A_1277 = tpu.memref_slice %dma_start3A_1275[%sub3A_1269, %dma_start3A_1276] : memref<16x2048xf32, #tpu.memory_space<vmem>> -> memref<1x2048xf32, #tpu.memory_space<vmem>>
        %dma_start3A_1278 = arith.constant 0 : i32
        %dma_start3A_1279 = tpu.memref_slice %arg3[%add3A_1270, %dma_start3A_1278] : memref<2048x2048xf32, #tpu.memory_space<hbm>> -> memref<1x2048xf32, #tpu.memory_space<hbm>>
        %dma_start3A_1280 = arith.constant 0 : i32
        %dma_start3A_1281 = arith.constant 0 : i32
        %dma_start3A_1282 = tpu.memref_slice %arg7[%dma_start3A_1271, %dma_start3A_1280, %dma_start3A_1281] : memref<3x16x2048xf32, #tpu.memory_space<vmem>> -> memref<1x16x2048xf32, #tpu.memory_space<vmem>>
        %dma_start3A_1283 = tpu.memref_squeeze %dma_start3A_1282 : memref<1x16x2048xf32, #tpu.memory_space<vmem>> -> memref<16x2048xf32, #tpu.memory_space<vmem>>
        %dma_start3A_1284 = arith.constant 0 : i32
        %dma_start3A_1285 = tpu.memref_slice %dma_start3A_1283[%sub3A_1269, %dma_start3A_1284] : memref<16x2048xf32, #tpu.memory_space<vmem>> -> memref<1x2048xf32, #tpu.memory_space<vmem>>
        %dma_start3A_1286 = arith.constant 0 : i32
        %dma_start3A_1287 = tpu.memref_slice %arg3[%add3A_1270, %dma_start3A_1286] : memref<2048x2048xf32, #tpu.memory_space<hbm>> -> memref<1x2048xf32, #tpu.memory_space<hbm>>
        tpu.enqueue_dma source(%dma_start3A_1287 : memref<1x2048xf32, #tpu.memory_space<hbm>>) target(%dma_start3A_1285 : memref<1x2048xf32, #tpu.memory_space<vmem>>) target_semaphore(%arg15 : memref<!tpu.dma_semaphore, #tpu.memory_space<semaphore_mem>>)
      }
      %while3A_897 = arith.constant 0 : i32
      %while3A_898 = arith.constant 0 : i32
      %while3A_899 = arith.subi %min3A_886, %while3A_898 : i32
      %while3A_900 = arith.addi %while3A_898, %while3A_899 : i32
      %while3A_901 = arith.constant 1 : i32
      %while3A_902 = arith.divsi %while3A_899, %while3A_901 : i32
      %while3A_903 = arith.muli %while3A_902, %while3A_901 : i32
      %while3A_904 = arith.addi %while3A_898, %while3A_903 : i32
      %while3A_905 = arith.constant 1 : i32
      scf.for %while3A_1262 = %while3A_898 to %while3A_904 step %while3A_905  : i32 {
        %dma_wait3A_1263 = arith.constant 0 : i32
        %dma_wait3A_1264 = arith.constant 0 : i32
        %dma_wait3A_1265 = tpu.memref_slice %arg3[%dma_wait3A_1263, %dma_wait3A_1264] : memref<2048x2048xf32, #tpu.memory_space<hbm>> -> memref<1x2048xf32, #tpu.memory_space<hbm>>
        %dma_wait3A_1266 = arith.constant 0 : i32
        %dma_wait3A_1267 = arith.constant 0 : i32
        %dma_wait3A_1268 = tpu.memref_slice %arg3[%dma_wait3A_1266, %dma_wait3A_1267] : memref<2048x2048xf32, #tpu.memory_space<hbm>> -> memref<1x2048xf32, #tpu.memory_space<hbm>>
        tpu.wait_dma2 semaphore(%arg15 : memref<!tpu.dma_semaphore, #tpu.memory_space<semaphore_mem>>) src(%dma_wait3A_1268 : memref<1x2048xf32, #tpu.memory_space<hbm>>) dst(%arg8 : memref<1x2048xf32, #tpu.memory_space<vmem>>)
      }
      %while3A_906 = arith.constant 1 : i32
      scf.for %while3A_1262 = %while3A_904 to %while3A_900 step %while3A_906  : i32 {
        %dma_wait3A_1263 = arith.constant 0 : i32
        %dma_wait3A_1264 = arith.constant 0 : i32
        %dma_wait3A_1265 = tpu.memref_slice %arg3[%dma_wait3A_1263, %dma_wait3A_1264] : memref<2048x2048xf32, #tpu.memory_space<hbm>> -> memref<1x2048xf32, #tpu.memory_space<hbm>>
        %dma_wait3A_1266 = arith.constant 0 : i32
        %dma_wait3A_1267 = arith.constant 0 : i32
        %dma_wait3A_1268 = tpu.memref_slice %arg3[%dma_wait3A_1266, %dma_wait3A_1267] : memref<2048x2048xf32, #tpu.memory_space<hbm>> -> memref<1x2048xf32, #tpu.memory_space<hbm>>
        tpu.wait_dma2 semaphore(%arg15 : memref<!tpu.dma_semaphore, #tpu.memory_space<semaphore_mem>>) src(%dma_wait3A_1268 : memref<1x2048xf32, #tpu.memory_space<hbm>>) dst(%arg8 : memref<1x2048xf32, #tpu.memory_space<vmem>>)
      }
      %mul3A_907 = arith.constant 16 : i32
      %mul3A_908 = arith.muli %add3A_810, %mul3A_907 : i32
      %add3A_909 = arith.addi %mul3A_2, %mul3A_908 : i32
      %dma_start3A_910 = arith.constant 1 : i32
      %dma_start3A_911 = arith.constant 0 : i32
      %dma_start3A_912 = arith.constant 0 : i32
      %dma_start3A_913 = tpu.memref_slice %arg7[%dma_start3A_910, %dma_start3A_911, %dma_start3A_912] : memref<3x16x2048xf32, #tpu.memory_space<vmem>> -> memref<1x16x2048xf32, #tpu.memory_space<vmem>>
      %dma_start3A_914 = tpu.memref_squeeze %dma_start3A_913 : memref<1x16x2048xf32, #tpu.memory_space<vmem>> -> memref<16x2048xf32, #tpu.memory_space<vmem>>
      %dma_start3A_915 = arith.constant 0 : i32
      %dma_start3A_916 = tpu.memref_slice %arg5[%add3A_909, %dma_start3A_915] : memref<16384x2048xf32, #tpu.memory_space<hbm>> -> memref<16x2048xf32, #tpu.memory_space<hbm>>
      %dma_start3A_917 = arith.constant 0 : i32
      %dma_start3A_918 = tpu.memref_slice %arg5[%add3A_909, %dma_start3A_917] : memref<16384x2048xf32, #tpu.memory_space<hbm>> -> memref<16x2048xf32, #tpu.memory_space<hbm>>
      %dma_start3A_919 = arith.constant 0 : i32
      %dma_start3A_920 = arith.constant 0 : i32
      %dma_start3A_921 = tpu.memref_slice %arg7[%dma_start3A_910, %dma_start3A_919, %dma_start3A_920] : memref<3x16x2048xf32, #tpu.memory_space<vmem>> -> memref<1x16x2048xf32, #tpu.memory_space<vmem>>
      %dma_start3A_922 = tpu.memref_squeeze %dma_start3A_921 : memref<1x16x2048xf32, #tpu.memory_space<vmem>> -> memref<16x2048xf32, #tpu.memory_space<vmem>>
      tpu.enqueue_dma source(%dma_start3A_922 : memref<16x2048xf32, #tpu.memory_space<vmem>>) target(%dma_start3A_918 : memref<16x2048xf32, #tpu.memory_space<hbm>>) target_semaphore(%arg13 : memref<!tpu.dma_semaphore, #tpu.memory_space<semaphore_mem>>)
      %sub3A_923 = arith.constant 1 : i32
      %sub3A_924 = arith.subi %add3A_810, %sub3A_923 : i32
      %mul3A_925 = arith.constant 16 : i32
      %mul3A_926 = arith.muli %sub3A_924, %mul3A_925 : i32
      %add3A_927 = arith.addi %mul3A_2, %mul3A_926 : i32
      %dma_wait3A_928 = arith.constant 0 : i32
      %dma_wait3A_929 = arith.constant 0 : i32
      %dma_wait3A_930 = arith.constant 0 : i32
      %dma_wait3A_931 = tpu.memref_slice %arg7[%dma_wait3A_928, %dma_wait3A_929, %dma_wait3A_930] : memref<3x16x2048xf32, #tpu.memory_space<vmem>> -> memref<1x16x2048xf32, #tpu.memory_space<vmem>>
      %dma_wait3A_932 = tpu.memref_squeeze %dma_wait3A_931 : memref<1x16x2048xf32, #tpu.memory_space<vmem>> -> memref<16x2048xf32, #tpu.memory_space<vmem>>
      %dma_wait3A_933 = arith.constant 0 : i32
      %dma_wait3A_934 = tpu.memref_slice %arg5[%add3A_927, %dma_wait3A_933] : memref<16384x2048xf32, #tpu.memory_space<hbm>> -> memref<16x2048xf32, #tpu.memory_space<hbm>>
      %dma_wait3A_935 = arith.constant 0 : i32
      %dma_wait3A_936 = tpu.memref_slice %arg5[%add3A_927, %dma_wait3A_935] : memref<16384x2048xf32, #tpu.memory_space<hbm>> -> memref<16x2048xf32, #tpu.memory_space<hbm>>
      %dma_wait3A_937 = arith.constant 0 : i32
      %dma_wait3A_938 = arith.constant 0 : i32
      %dma_wait3A_939 = tpu.memref_slice %arg7[%dma_wait3A_928, %dma_wait3A_937, %dma_wait3A_938] : memref<3x16x2048xf32, #tpu.memory_space<vmem>> -> memref<1x16x2048xf32, #tpu.memory_space<vmem>>
      %dma_wait3A_940 = tpu.memref_squeeze %dma_wait3A_939 : memref<1x16x2048xf32, #tpu.memory_space<vmem>> -> memref<16x2048xf32, #tpu.memory_space<vmem>>
      tpu.wait_dma2 semaphore(%arg12 : memref<!tpu.dma_semaphore, #tpu.memory_space<semaphore_mem>>) src(%dma_wait3A_940 : memref<16x2048xf32, #tpu.memory_space<vmem>>) dst(%dma_wait3A_936 : memref<16x2048xf32, #tpu.memory_space<hbm>>)
      %add3A_941 = arith.constant 2 : i32
      %add3A_942 = arith.addi %add3A_810, %add3A_941 : i32
      %mul3A_943 = arith.constant 16 : i32
      %mul3A_944 = arith.muli %add3A_942, %mul3A_943 : i32
      %add3A_945 = arith.addi %mul3A_2, %mul3A_944 : i32
      %dma_start3A_946 = arith.constant 0 : i32
      %dma_start3A_947 = arith.constant 0 : i32
      %dma_start3A_948 = arith.constant 0 : i32
      %dma_start3A_949 = tpu.memref_slice %arg7[%dma_start3A_946, %dma_start3A_947, %dma_start3A_948] : memref<3x16x2048xf32, #tpu.memory_space<vmem>> -> memref<1x16x2048xf32, #tpu.memory_space<vmem>>
      %dma_start3A_950 = tpu.memref_squeeze %dma_start3A_949 : memref<1x16x2048xf32, #tpu.memory_space<vmem>> -> memref<16x2048xf32, #tpu.memory_space<vmem>>
      %dma_start3A_951 = arith.constant 0 : i32
      %dma_start3A_952 = tpu.memref_slice %arg2[%add3A_945, %dma_start3A_951] : memref<16384x2048xf32, #tpu.memory_space<hbm>> -> memref<16x2048xf32, #tpu.memory_space<hbm>>
      %dma_start3A_953 = arith.constant 0 : i32
      %dma_start3A_954 = arith.constant 0 : i32
      %dma_start3A_955 = tpu.memref_slice %arg7[%dma_start3A_946, %dma_start3A_953, %dma_start3A_954] : memref<3x16x2048xf32, #tpu.memory_space<vmem>> -> memref<1x16x2048xf32, #tpu.memory_space<vmem>>
      %dma_start3A_956 = tpu.memref_squeeze %dma_start3A_955 : memref<1x16x2048xf32, #tpu.memory_space<vmem>> -> memref<16x2048xf32, #tpu.memory_space<vmem>>
      %dma_start3A_957 = arith.constant 0 : i32
      %dma_start3A_958 = tpu.memref_slice %arg2[%add3A_945, %dma_start3A_957] : memref<16384x2048xf32, #tpu.memory_space<hbm>> -> memref<16x2048xf32, #tpu.memory_space<hbm>>
      tpu.enqueue_dma source(%dma_start3A_958 : memref<16x2048xf32, #tpu.memory_space<hbm>>) target(%dma_start3A_956 : memref<16x2048xf32, #tpu.memory_space<vmem>>) target_semaphore(%arg9 : memref<!tpu.dma_semaphore, #tpu.memory_space<semaphore_mem>>)
      %add3A_959 = arith.addi %scan3A_806, %min3A_886 : i32
      %add3A_960 = arith.constant 1 : i32
      %add3A_961 = arith.addi %add3A_810, %add3A_960 : i32
      %mul3A_962 = arith.constant 16 : i32
      %mul3A_963 = arith.muli %add3A_961, %mul3A_962 : i32
      %add3A_964 = arith.addi %mul3A_2, %mul3A_963 : i32
      %mul3A_965 = arith.constant 16 : i32
      %mul3A_966 = arith.muli %add3A_961, %mul3A_965 : i32
      %add3A_967 = arith.addi %mul3A_2, %mul3A_966 : i32
      %dma_wait3A_968 = arith.constant 2 : i32
      %dma_wait3A_969 = arith.constant 0 : i32
      %dma_wait3A_970 = arith.constant 0 : i32
      %dma_wait3A_971 = tpu.memref_slice %arg7[%dma_wait3A_968, %dma_wait3A_969, %dma_wait3A_970] : memref<3x16x2048xf32, #tpu.memory_space<vmem>> -> memref<1x16x2048xf32, #tpu.memory_space<vmem>>
      %dma_wait3A_972 = tpu.memref_squeeze %dma_wait3A_971 : memref<1x16x2048xf32, #tpu.memory_space<vmem>> -> memref<16x2048xf32, #tpu.memory_space<vmem>>
      %dma_wait3A_973 = arith.constant 0 : i32
      %dma_wait3A_974 = tpu.memref_slice %arg2[%add3A_967, %dma_wait3A_973] : memref<16384x2048xf32, #tpu.memory_space<hbm>> -> memref<16x2048xf32, #tpu.memory_space<hbm>>
      %dma_wait3A_975 = arith.constant 0 : i32
      %dma_wait3A_976 = arith.constant 0 : i32
      %dma_wait3A_977 = tpu.memref_slice %arg7[%dma_wait3A_968, %dma_wait3A_975, %dma_wait3A_976] : memref<3x16x2048xf32, #tpu.memory_space<vmem>> -> memref<1x16x2048xf32, #tpu.memory_space<vmem>>
      %dma_wait3A_978 = tpu.memref_squeeze %dma_wait3A_977 : memref<1x16x2048xf32, #tpu.memory_space<vmem>> -> memref<16x2048xf32, #tpu.memory_space<vmem>>
      %dma_wait3A_979 = arith.constant 0 : i32
      %dma_wait3A_980 = tpu.memref_slice %arg2[%add3A_967, %dma_wait3A_979] : memref<16384x2048xf32, #tpu.memory_space<hbm>> -> memref<16x2048xf32, #tpu.memory_space<hbm>>
      tpu.wait_dma2 semaphore(%arg11 : memref<!tpu.dma_semaphore, #tpu.memory_space<semaphore_mem>>) src(%dma_wait3A_980 : memref<16x2048xf32, #tpu.memory_space<hbm>>) dst(%dma_wait3A_978 : memref<16x2048xf32, #tpu.memory_space<vmem>>)
      %get3A_981 = arith.index_cast %add3A_959 : i32 to index
      %get3A_982 = tpu.vector_load %arg6[%get3A_981] {strides = array<i32>} : memref<2064xi32, #tpu.memory_space<vmem>>, vector<16xi32>,
      %get3A_983 = vector.shape_cast %get3A_982 : vector<16xi32> to vector<16xi32>
      %add3A_984 = arith.constant 16 : i32
      %add3A_985 = arith.addi %add3A_964, %add3A_984 : i32
      %broadcast_in_dim3A_986 = vector.broadcast %add3A_985 : i32 to vector<16xi32>
      %lt3A_987 = arith.cmpi slt, %get3A_983, %broadcast_in_dim3A_986 : vector<16xi32>
      %select_n3A_988 = arith.select %lt3A_987, %broadcast_in_dim3A_51, %broadcast_in_dim3A_53 : vector<16xi1>, vector<16xi32>
      %slice3A_989 = vector.extract_strided_slice %select_n3A_988 {offsets = [0], sizes = [1], strides = [1]} : vector<16xi32> to vector<1xi32>
      %squeeze3A_990 = vector.extract %slice3A_989[0] : i32 from vector<1xi32>
      %slice3A_991 = vector.extract_strided_slice %select_n3A_988 {offsets = [1], sizes = [1], strides = [1]} : vector<16xi32> to vector<1xi32>
      %squeeze3A_992 = vector.extract %slice3A_991[0] : i32 from vector<1xi32>
      %add3A_993 = arith.addi %squeeze3A_990, %squeeze3A_992 : i32
      %slice3A_994 = vector.extract_strided_slice %select_n3A_988 {offsets = [2], sizes = [1], strides = [1]} : vector<16xi32> to vector<1xi32>
      %squeeze3A_995 = vector.extract %slice3A_994[0] : i32 from vector<1xi32>
      %add3A_996 = arith.addi %add3A_993, %squeeze3A_995 : i32
      %slice3A_997 = vector.extract_strided_slice %select_n3A_988 {offsets = [3], sizes = [1], strides = [1]} : vector<16xi32> to vector<1xi32>
      %squeeze3A_998 = vector.extract %slice3A_997[0] : i32 from vector<1xi32>
      %add3A_999 = arith.addi %add3A_996, %squeeze3A_998 : i32
      %slice3A_1000 = vector.extract_strided_slice %select_n3A_988 {offsets = [4], sizes = [1], strides = [1]} : vector<16xi32> to vector<1xi32>
      %squeeze3A_1001 = vector.extract %slice3A_1000[0] : i32 from vector<1xi32>
      %add3A_1002 = arith.addi %add3A_999, %squeeze3A_1001 : i32
      %slice3A_1003 = vector.extract_strided_slice %select_n3A_988 {offsets = [5], sizes = [1], strides = [1]} : vector<16xi32> to vector<1xi32>
      %squeeze3A_1004 = vector.extract %slice3A_1003[0] : i32 from vector<1xi32>
      %add3A_1005 = arith.addi %add3A_1002, %squeeze3A_1004 : i32
      %slice3A_1006 = vector.extract_strided_slice %select_n3A_988 {offsets = [6], sizes = [1], strides = [1]} : vector<16xi32> to vector<1xi32>
      %squeeze3A_1007 = vector.extract %slice3A_1006[0] : i32 from vector<1xi32>
      %add3A_1008 = arith.addi %add3A_1005, %squeeze3A_1007 : i32
      %slice3A_1009 = vector.extract_strided_slice %select_n3A_988 {offsets = [7], sizes = [1], strides = [1]} : vector<16xi32> to vector<1xi32>
      %squeeze3A_1010 = vector.extract %slice3A_1009[0] : i32 from vector<1xi32>
      %add3A_1011 = arith.addi %add3A_1008, %squeeze3A_1010 : i32
      %slice3A_1012 = vector.extract_strided_slice %select_n3A_988 {offsets = [8], sizes = [1], strides = [1]} : vector<16xi32> to vector<1xi32>
      %squeeze3A_1013 = vector.extract %slice3A_1012[0] : i32 from vector<1xi32>
      %add3A_1014 = arith.addi %add3A_1011, %squeeze3A_1013 : i32
      %slice3A_1015 = vector.extract_strided_slice %select_n3A_988 {offsets = [9], sizes = [1], strides = [1]} : vector<16xi32> to vector<1xi32>
      %squeeze3A_1016 = vector.extract %slice3A_1015[0] : i32 from vector<1xi32>
      %add3A_1017 = arith.addi %add3A_1014, %squeeze3A_1016 : i32
      %slice3A_1018 = vector.extract_strided_slice %select_n3A_988 {offsets = [10], sizes = [1], strides = [1]} : vector<16xi32> to vector<1xi32>
      %squeeze3A_1019 = vector.extract %slice3A_1018[0] : i32 from vector<1xi32>
      %add3A_1020 = arith.addi %add3A_1017, %squeeze3A_1019 : i32
      %slice3A_1021 = vector.extract_strided_slice %select_n3A_988 {offsets = [11], sizes = [1], strides = [1]} : vector<16xi32> to vector<1xi32>
      %squeeze3A_1022 = vector.extract %slice3A_1021[0] : i32 from vector<1xi32>
      %add3A_1023 = arith.addi %add3A_1020, %squeeze3A_1022 : i32
      %slice3A_1024 = vector.extract_strided_slice %select_n3A_988 {offsets = [12], sizes = [1], strides = [1]} : vector<16xi32> to vector<1xi32>
      %squeeze3A_1025 = vector.extract %slice3A_1024[0] : i32 from vector<1xi32>
      %add3A_1026 = arith.addi %add3A_1023, %squeeze3A_1025 : i32
      %slice3A_1027 = vector.extract_strided_slice %select_n3A_988 {offsets = [13], sizes = [1], strides = [1]} : vector<16xi32> to vector<1xi32>
      %squeeze3A_1028 = vector.extract %slice3A_1027[0] : i32 from vector<1xi32>
      %add3A_1029 = arith.addi %add3A_1026, %squeeze3A_1028 : i32
      %slice3A_1030 = vector.extract_strided_slice %select_n3A_988 {offsets = [14], sizes = [1], strides = [1]} : vector<16xi32> to vector<1xi32>
      %squeeze3A_1031 = vector.extract %slice3A_1030[0] : i32 from vector<1xi32>
      %add3A_1032 = arith.addi %add3A_1029, %squeeze3A_1031 : i32
      %slice3A_1033 = vector.extract_strided_slice %select_n3A_988 {offsets = [15], sizes = [1], strides = [1]} : vector<16xi32> to vector<1xi32>
      %squeeze3A_1034 = vector.extract %slice3A_1033[0] : i32 from vector<1xi32>
      %add3A_1035 = arith.addi %add3A_1032, %squeeze3A_1034 : i32
      %sub3A_1036 = arith.subi %add3A_150, %add3A_959 : i32
      %min3A_1037 = arith.minsi %add3A_1035, %sub3A_1036 : i32
      %while3A_1038 = arith.constant 0 : i32
      %while3A_1039 = arith.constant 0 : i32
      %while3A_1040 = arith.subi %min3A_1037, %while3A_1039 : i32
      %while3A_1041 = arith.addi %while3A_1039, %while3A_1040 : i32
      %while3A_1042 = arith.constant 1 : i32
      %while3A_1043 = arith.divsi %while3A_1040, %while3A_1042 : i32
      %while3A_1044 = arith.muli %while3A_1043, %while3A_1042 : i32
      %while3A_1045 = arith.addi %while3A_1039, %while3A_1044 : i32
      %while3A_1046 = arith.constant 1 : i32
      scf.for %while3A_1262 = %while3A_1039 to %while3A_1045 step %while3A_1046  : i32 {
        %add3A_1263 = arith.addi %add3A_959, %while3A_1262 : i32
        %get3A_1264 = arith.index_cast %add3A_1263 : i32 to index
        %get3A_1265 = tpu.vector_load %arg6[%get3A_1264] {strides = array<i32>} : memref<2064xi32, #tpu.memory_space<vmem>>, vector<16xi32>,
        %get3A_1266 = vector.shape_cast %get3A_1265 : vector<16xi32> to vector<16xi32>
        %slice3A_1267 = vector.extract_strided_slice %get3A_1266 {offsets = [0], sizes = [1], strides = [1]} : vector<16xi32> to vector<1xi32>
        %squeeze3A_1268 = vector.extract %slice3A_1267[0] : i32 from vector<1xi32>
        %sub3A_1269 = arith.subi %squeeze3A_1268, %add3A_964 : i32
        %add3A_1270 = arith.addi %add3A_959, %while3A_1262 : i32
        %dma_start3A_1271 = arith.constant 2 : i32
        %dma_start3A_1272 = arith.constant 0 : i32
        %dma_start3A_1273 = arith.constant 0 : i32
        %dma_start3A_1274 = tpu.memref_slice %arg7[%dma_start3A_1271, %dma_start3A_1272, %dma_start3A_1273] : memref<3x16x2048xf32, #tpu.memory_space<vmem>> -> memref<1x16x2048xf32, #tpu.memory_space<vmem>>
        %dma_start3A_1275 = tpu.memref_squeeze %dma_start3A_1274 : memref<1x16x2048xf32, #tpu.memory_space<vmem>> -> memref<16x2048xf32, #tpu.memory_space<vmem>>
        %dma_start3A_1276 = arith.constant 0 : i32
        %dma_start3A_1277 = tpu.memref_slice %dma_start3A_1275[%sub3A_1269, %dma_start3A_1276] : memref<16x2048xf32, #tpu.memory_space<vmem>> -> memref<1x2048xf32, #tpu.memory_space<vmem>>
        %dma_start3A_1278 = arith.constant 0 : i32
        %dma_start3A_1279 = tpu.memref_slice %arg3[%add3A_1270, %dma_start3A_1278] : memref<2048x2048xf32, #tpu.memory_space<hbm>> -> memref<1x2048xf32, #tpu.memory_space<hbm>>
        %dma_start3A_1280 = arith.constant 0 : i32
        %dma_start3A_1281 = arith.constant 0 : i32
        %dma_start3A_1282 = tpu.memref_slice %arg7[%dma_start3A_1271, %dma_start3A_1280, %dma_start3A_1281] : memref<3x16x2048xf32, #tpu.memory_space<vmem>> -> memref<1x16x2048xf32, #tpu.memory_space<vmem>>
        %dma_start3A_1283 = tpu.memref_squeeze %dma_start3A_1282 : memref<1x16x2048xf32, #tpu.memory_space<vmem>> -> memref<16x2048xf32, #tpu.memory_space<vmem>>
        %dma_start3A_1284 = arith.constant 0 : i32
        %dma_start3A_1285 = tpu.memref_slice %dma_start3A_1283[%sub3A_1269, %dma_start3A_1284] : memref<16x2048xf32, #tpu.memory_space<vmem>> -> memref<1x2048xf32, #tpu.memory_space<vmem>>
        %dma_start3A_1286 = arith.constant 0 : i32
        %dma_start3A_1287 = tpu.memref_slice %arg3[%add3A_1270, %dma_start3A_1286] : memref<2048x2048xf32, #tpu.memory_space<hbm>> -> memref<1x2048xf32, #tpu.memory_space<hbm>>
        tpu.enqueue_dma source(%dma_start3A_1287 : memref<1x2048xf32, #tpu.memory_space<hbm>>) target(%dma_start3A_1285 : memref<1x2048xf32, #tpu.memory_space<vmem>>) target_semaphore(%arg15 : memref<!tpu.dma_semaphore, #tpu.memory_space<semaphore_mem>>)
      }
      %while3A_1047 = arith.constant 1 : i32
      scf.for %while3A_1262 = %while3A_1045 to %while3A_1041 step %while3A_1047  : i32 {
        %add3A_1263 = arith.addi %add3A_959, %while3A_1262 : i32
        %get3A_1264 = arith.index_cast %add3A_1263 : i32 to index
        %get3A_1265 = tpu.vector_load %arg6[%get3A_1264] {strides = array<i32>} : memref<2064xi32, #tpu.memory_space<vmem>>, vector<16xi32>,
        %get3A_1266 = vector.shape_cast %get3A_1265 : vector<16xi32> to vector<16xi32>
        %slice3A_1267 = vector.extract_strided_slice %get3A_1266 {offsets = [0], sizes = [1], strides = [1]} : vector<16xi32> to vector<1xi32>
        %squeeze3A_1268 = vector.extract %slice3A_1267[0] : i32 from vector<1xi32>
        %sub3A_1269 = arith.subi %squeeze3A_1268, %add3A_964 : i32
        %add3A_1270 = arith.addi %add3A_959, %while3A_1262 : i32
        %dma_start3A_1271 = arith.constant 2 : i32
        %dma_start3A_1272 = arith.constant 0 : i32
        %dma_start3A_1273 = arith.constant 0 : i32
        %dma_start3A_1274 = tpu.memref_slice %arg7[%dma_start3A_1271, %dma_start3A_1272, %dma_start3A_1273] : memref<3x16x2048xf32, #tpu.memory_space<vmem>> -> memref<1x16x2048xf32, #tpu.memory_space<vmem>>
        %dma_start3A_1275 = tpu.memref_squeeze %dma_start3A_1274 : memref<1x16x2048xf32, #tpu.memory_space<vmem>> -> memref<16x2048xf32, #tpu.memory_space<vmem>>
        %dma_start3A_1276 = arith.constant 0 : i32
        %dma_start3A_1277 = tpu.memref_slice %dma_start3A_1275[%sub3A_1269, %dma_start3A_1276] : memref<16x2048xf32, #tpu.memory_space<vmem>> -> memref<1x2048xf32, #tpu.memory_space<vmem>>
        %dma_start3A_1278 = arith.constant 0 : i32
        %dma_start3A_1279 = tpu.memref_slice %arg3[%add3A_1270, %dma_start3A_1278] : memref<2048x2048xf32, #tpu.memory_space<hbm>> -> memref<1x2048xf32, #tpu.memory_space<hbm>>
        %dma_start3A_1280 = arith.constant 0 : i32
        %dma_start3A_1281 = arith.constant 0 : i32
        %dma_start3A_1282 = tpu.memref_slice %arg7[%dma_start3A_1271, %dma_start3A_1280, %dma_start3A_1281] : memref<3x16x2048xf32, #tpu.memory_space<vmem>> -> memref<1x16x2048xf32, #tpu.memory_space<vmem>>
        %dma_start3A_1283 = tpu.memref_squeeze %dma_start3A_1282 : memref<1x16x2048xf32, #tpu.memory_space<vmem>> -> memref<16x2048xf32, #tpu.memory_space<vmem>>
        %dma_start3A_1284 = arith.constant 0 : i32
        %dma_start3A_1285 = tpu.memref_slice %dma_start3A_1283[%sub3A_1269, %dma_start3A_1284] : memref<16x2048xf32, #tpu.memory_space<vmem>> -> memref<1x2048xf32, #tpu.memory_space<vmem>>
        %dma_start3A_1286 = arith.constant 0 : i32
        %dma_start3A_1287 = tpu.memref_slice %arg3[%add3A_1270, %dma_start3A_1286] : memref<2048x2048xf32, #tpu.memory_space<hbm>> -> memref<1x2048xf32, #tpu.memory_space<hbm>>
        tpu.enqueue_dma source(%dma_start3A_1287 : memref<1x2048xf32, #tpu.memory_space<hbm>>) target(%dma_start3A_1285 : memref<1x2048xf32, #tpu.memory_space<vmem>>) target_semaphore(%arg15 : memref<!tpu.dma_semaphore, #tpu.memory_space<semaphore_mem>>)
      }
      %while3A_1048 = arith.constant 0 : i32
      %while3A_1049 = arith.constant 0 : i32
      %while3A_1050 = arith.subi %min3A_1037, %while3A_1049 : i32
      %while3A_1051 = arith.addi %while3A_1049, %while3A_1050 : i32
      %while3A_1052 = arith.constant 1 : i32
      %while3A_1053 = arith.divsi %while3A_1050, %while3A_1052 : i32
      %while3A_1054 = arith.muli %while3A_1053, %while3A_1052 : i32
      %while3A_1055 = arith.addi %while3A_1049, %while3A_1054 : i32
      %while3A_1056 = arith.constant 1 : i32
      scf.for %while3A_1262 = %while3A_1049 to %while3A_1055 step %while3A_1056  : i32 {
        %dma_wait3A_1263 = arith.constant 0 : i32
        %dma_wait3A_1264 = arith.constant 0 : i32
        %dma_wait3A_1265 = tpu.memref_slice %arg3[%dma_wait3A_1263, %dma_wait3A_1264] : memref<2048x2048xf32, #tpu.memory_space<hbm>> -> memref<1x2048xf32, #tpu.memory_space<hbm>>
        %dma_wait3A_1266 = arith.constant 0 : i32
        %dma_wait3A_1267 = arith.constant 0 : i32
        %dma_wait3A_1268 = tpu.memref_slice %arg3[%dma_wait3A_1266, %dma_wait3A_1267] : memref<2048x2048xf32, #tpu.memory_space<hbm>> -> memref<1x2048xf32, #tpu.memory_space<hbm>>
        tpu.wait_dma2 semaphore(%arg15 : memref<!tpu.dma_semaphore, #tpu.memory_space<semaphore_mem>>) src(%dma_wait3A_1268 : memref<1x2048xf32, #tpu.memory_space<hbm>>) dst(%arg8 : memref<1x2048xf32, #tpu.memory_space<vmem>>)
      }
      %while3A_1057 = arith.constant 1 : i32
      scf.for %while3A_1262 = %while3A_1055 to %while3A_1051 step %while3A_1057  : i32 {
        %dma_wait3A_1263 = arith.constant 0 : i32
        %dma_wait3A_1264 = arith.constant 0 : i32
        %dma_wait3A_1265 = tpu.memref_slice %arg3[%dma_wait3A_1263, %dma_wait3A_1264] : memref<2048x2048xf32, #tpu.memory_space<hbm>> -> memref<1x2048xf32, #tpu.memory_space<hbm>>
        %dma_wait3A_1266 = arith.constant 0 : i32
        %dma_wait3A_1267 = arith.constant 0 : i32
        %dma_wait3A_1268 = tpu.memref_slice %arg3[%dma_wait3A_1266, %dma_wait3A_1267] : memref<2048x2048xf32, #tpu.memory_space<hbm>> -> memref<1x2048xf32, #tpu.memory_space<hbm>>
        tpu.wait_dma2 semaphore(%arg15 : memref<!tpu.dma_semaphore, #tpu.memory_space<semaphore_mem>>) src(%dma_wait3A_1268 : memref<1x2048xf32, #tpu.memory_space<hbm>>) dst(%arg8 : memref<1x2048xf32, #tpu.memory_space<vmem>>)
      }
      %mul3A_1058 = arith.constant 16 : i32
      %mul3A_1059 = arith.muli %add3A_961, %mul3A_1058 : i32
      %add3A_1060 = arith.addi %mul3A_2, %mul3A_1059 : i32
      %dma_start3A_1061 = arith.constant 2 : i32
      %dma_start3A_1062 = arith.constant 0 : i32
      %dma_start3A_1063 = arith.constant 0 : i32
      %dma_start3A_1064 = tpu.memref_slice %arg7[%dma_start3A_1061, %dma_start3A_1062, %dma_start3A_1063] : memref<3x16x2048xf32, #tpu.memory_space<vmem>> -> memref<1x16x2048xf32, #tpu.memory_space<vmem>>
      %dma_start3A_1065 = tpu.memref_squeeze %dma_start3A_1064 : memref<1x16x2048xf32, #tpu.memory_space<vmem>> -> memref<16x2048xf32, #tpu.memory_space<vmem>>
      %dma_start3A_1066 = arith.constant 0 : i32
      %dma_start3A_1067 = tpu.memref_slice %arg5[%add3A_1060, %dma_start3A_1066] : memref<16384x2048xf32, #tpu.memory_space<hbm>> -> memref<16x2048xf32, #tpu.memory_space<hbm>>
      %dma_start3A_1068 = arith.constant 0 : i32
      %dma_start3A_1069 = tpu.memref_slice %arg5[%add3A_1060, %dma_start3A_1068] : memref<16384x2048xf32, #tpu.memory_space<hbm>> -> memref<16x2048xf32, #tpu.memory_space<hbm>>
      %dma_start3A_1070 = arith.constant 0 : i32
      %dma_start3A_1071 = arith.constant 0 : i32
      %dma_start3A_1072 = tpu.memref_slice %arg7[%dma_start3A_1061, %dma_start3A_1070, %dma_start3A_1071] : memref<3x16x2048xf32, #tpu.memory_space<vmem>> -> memref<1x16x2048xf32, #tpu.memory_space<vmem>>
      %dma_start3A_1073 = tpu.memref_squeeze %dma_start3A_1072 : memref<1x16x2048xf32, #tpu.memory_space<vmem>> -> memref<16x2048xf32, #tpu.memory_space<vmem>>
      tpu.enqueue_dma source(%dma_start3A_1073 : memref<16x2048xf32, #tpu.memory_space<vmem>>) target(%dma_start3A_1069 : memref<16x2048xf32, #tpu.memory_space<hbm>>) target_semaphore(%arg14 : memref<!tpu.dma_semaphore, #tpu.memory_space<semaphore_mem>>)
      %sub3A_1074 = arith.constant 1 : i32
      %sub3A_1075 = arith.subi %add3A_961, %sub3A_1074 : i32
      %mul3A_1076 = arith.constant 16 : i32
      %mul3A_1077 = arith.muli %sub3A_1075, %mul3A_1076 : i32
      %add3A_1078 = arith.addi %mul3A_2, %mul3A_1077 : i32
      %dma_wait3A_1079 = arith.constant 1 : i32
      %dma_wait3A_1080 = arith.constant 0 : i32
      %dma_wait3A_1081 = arith.constant 0 : i32
      %dma_wait3A_1082 = tpu.memref_slice %arg7[%dma_wait3A_1079, %dma_wait3A_1080, %dma_wait3A_1081] : memref<3x16x2048xf32, #tpu.memory_space<vmem>> -> memref<1x16x2048xf32, #tpu.memory_space<vmem>>
      %dma_wait3A_1083 = tpu.memref_squeeze %dma_wait3A_1082 : memref<1x16x2048xf32, #tpu.memory_space<vmem>> -> memref<16x2048xf32, #tpu.memory_space<vmem>>
      %dma_wait3A_1084 = arith.constant 0 : i32
      %dma_wait3A_1085 = tpu.memref_slice %arg5[%add3A_1078, %dma_wait3A_1084] : memref<16384x2048xf32, #tpu.memory_space<hbm>> -> memref<16x2048xf32, #tpu.memory_space<hbm>>
      %dma_wait3A_1086 = arith.constant 0 : i32
      %dma_wait3A_1087 = tpu.memref_slice %arg5[%add3A_1078, %dma_wait3A_1086] : memref<16384x2048xf32, #tpu.memory_space<hbm>> -> memref<16x2048xf32, #tpu.memory_space<hbm>>
      %dma_wait3A_1088 = arith.constant 0 : i32
      %dma_wait3A_1089 = arith.constant 0 : i32
      %dma_wait3A_1090 = tpu.memref_slice %arg7[%dma_wait3A_1079, %dma_wait3A_1088, %dma_wait3A_1089] : memref<3x16x2048xf32, #tpu.memory_space<vmem>> -> memref<1x16x2048xf32, #tpu.memory_space<vmem>>
      %dma_wait3A_1091 = tpu.memref_squeeze %dma_wait3A_1090 : memref<1x16x2048xf32, #tpu.memory_space<vmem>> -> memref<16x2048xf32, #tpu.memory_space<vmem>>
      tpu.wait_dma2 semaphore(%arg13 : memref<!tpu.dma_semaphore, #tpu.memory_space<semaphore_mem>>) src(%dma_wait3A_1091 : memref<16x2048xf32, #tpu.memory_space<vmem>>) dst(%dma_wait3A_1087 : memref<16x2048xf32, #tpu.memory_space<hbm>>)
      %add3A_1092 = arith.constant 2 : i32
      %add3A_1093 = arith.addi %add3A_961, %add3A_1092 : i32
      %mul3A_1094 = arith.constant 16 : i32
      %mul3A_1095 = arith.muli %add3A_1093, %mul3A_1094 : i32
      %add3A_1096 = arith.addi %mul3A_2, %mul3A_1095 : i32
      %dma_start3A_1097 = arith.constant 1 : i32
      %dma_start3A_1098 = arith.constant 0 : i32
      %dma_start3A_1099 = arith.constant 0 : i32
      %dma_start3A_1100 = tpu.memref_slice %arg7[%dma_start3A_1097, %dma_start3A_1098, %dma_start3A_1099] : memref<3x16x2048xf32, #tpu.memory_space<vmem>> -> memref<1x16x2048xf32, #tpu.memory_space<vmem>>
      %dma_start3A_1101 = tpu.memref_squeeze %dma_start3A_1100 : memref<1x16x2048xf32, #tpu.memory_space<vmem>> -> memref<16x2048xf32, #tpu.memory_space<vmem>>
      %dma_start3A_1102 = arith.constant 0 : i32
      %dma_start3A_1103 = tpu.memref_slice %arg2[%add3A_1096, %dma_start3A_1102] : memref<16384x2048xf32, #tpu.memory_space<hbm>> -> memref<16x2048xf32, #tpu.memory_space<hbm>>
      %dma_start3A_1104 = arith.constant 0 : i32
      %dma_start3A_1105 = arith.constant 0 : i32
      %dma_start3A_1106 = tpu.memref_slice %arg7[%dma_start3A_1097, %dma_start3A_1104, %dma_start3A_1105] : memref<3x16x2048xf32, #tpu.memory_space<vmem>> -> memref<1x16x2048xf32, #tpu.memory_space<vmem>>
      %dma_start3A_1107 = tpu.memref_squeeze %dma_start3A_1106 : memref<1x16x2048xf32, #tpu.memory_space<vmem>> -> memref<16x2048xf32, #tpu.memory_space<vmem>>
      %dma_start3A_1108 = arith.constant 0 : i32
      %dma_start3A_1109 = tpu.memref_slice %arg2[%add3A_1096, %dma_start3A_1108] : memref<16384x2048xf32, #tpu.memory_space<hbm>> -> memref<16x2048xf32, #tpu.memory_space<hbm>>
      tpu.enqueue_dma source(%dma_start3A_1109 : memref<16x2048xf32, #tpu.memory_space<hbm>>) target(%dma_start3A_1107 : memref<16x2048xf32, #tpu.memory_space<vmem>>) target_semaphore(%arg10 : memref<!tpu.dma_semaphore, #tpu.memory_space<semaphore_mem>>)
      %add3A_1110 = arith.addi %add3A_959, %min3A_1037 : i32
      %add3A_1111 = arith.constant 2 : i32
      %add3A_1112 = arith.addi %add3A_810, %add3A_1111 : i32
      %mul3A_1113 = arith.constant 16 : i32
      %mul3A_1114 = arith.muli %add3A_1112, %mul3A_1113 : i32
      %add3A_1115 = arith.addi %mul3A_2, %mul3A_1114 : i32
      %mul3A_1116 = arith.constant 16 : i32
      %mul3A_1117 = arith.muli %add3A_1112, %mul3A_1116 : i32
      %add3A_1118 = arith.addi %mul3A_2, %mul3A_1117 : i32
      %dma_wait3A_1119 = arith.constant 0 : i32
      %dma_wait3A_1120 = arith.constant 0 : i32
      %dma_wait3A_1121 = arith.constant 0 : i32
      %dma_wait3A_1122 = tpu.memref_slice %arg7[%dma_wait3A_1119, %dma_wait3A_1120, %dma_wait3A_1121] : memref<3x16x2048xf32, #tpu.memory_space<vmem>> -> memref<1x16x2048xf32, #tpu.memory_space<vmem>>
      %dma_wait3A_1123 = tpu.memref_squeeze %dma_wait3A_1122 : memref<1x16x2048xf32, #tpu.memory_space<vmem>> -> memref<16x2048xf32, #tpu.memory_space<vmem>>
      %dma_wait3A_1124 = arith.constant 0 : i32
      %dma_wait3A_1125 = tpu.memref_slice %arg2[%add3A_1118, %dma_wait3A_1124] : memref<16384x2048xf32, #tpu.memory_space<hbm>> -> memref<16x2048xf32, #tpu.memory_space<hbm>>
      %dma_wait3A_1126 = arith.constant 0 : i32
      %dma_wait3A_1127 = arith.constant 0 : i32
      %dma_wait3A_1128 = tpu.memref_slice %arg7[%dma_wait3A_1119, %dma_wait3A_1126, %dma_wait3A_1127] : memref<3x16x2048xf32, #tpu.memory_space<vmem>> -> memref<1x16x2048xf32, #tpu.memory_space<vmem>>
      %dma_wait3A_1129 = tpu.memref_squeeze %dma_wait3A_1128 : memref<1x16x2048xf32, #tpu.memory_space<vmem>> -> memref<16x2048xf32, #tpu.memory_space<vmem>>
      %dma_wait3A_1130 = arith.constant 0 : i32
      %dma_wait3A_1131 = tpu.memref_slice %arg2[%add3A_1118, %dma_wait3A_1130] : memref<16384x2048xf32, #tpu.memory_space<hbm>> -> memref<16x2048xf32, #tpu.memory_space<hbm>>
      tpu.wait_dma2 semaphore(%arg9 : memref<!tpu.dma_semaphore, #tpu.memory_space<semaphore_mem>>) src(%dma_wait3A_1131 : memref<16x2048xf32, #tpu.memory_space<hbm>>) dst(%dma_wait3A_1129 : memref<16x2048xf32, #tpu.memory_space<vmem>>)
      %get3A_1132 = arith.index_cast %add3A_1110 : i32 to index
      %get3A_1133 = tpu.vector_load %arg6[%get3A_1132] {strides = array<i32>} : memref<2064xi32, #tpu.memory_space<vmem>>, vector<16xi32>,
      %get3A_1134 = vector.shape_cast %get3A_1133 : vector<16xi32> to vector<16xi32>
      %add3A_1135 = arith.constant 16 : i32
      %add3A_1136 = arith.addi %add3A_1115, %add3A_1135 : i32
      %broadcast_in_dim3A_1137 = vector.broadcast %add3A_1136 : i32 to vector<16xi32>
      %lt3A_1138 = arith.cmpi slt, %get3A_1134, %broadcast_in_dim3A_1137 : vector<16xi32>
      %select_n3A_1139 = arith.select %lt3A_1138, %broadcast_in_dim3A_51, %broadcast_in_dim3A_53 : vector<16xi1>, vector<16xi32>
      %slice3A_1140 = vector.extract_strided_slice %select_n3A_1139 {offsets = [0], sizes = [1], strides = [1]} : vector<16xi32> to vector<1xi32>
      %squeeze3A_1141 = vector.extract %slice3A_1140[0] : i32 from vector<1xi32>
      %slice3A_1142 = vector.extract_strided_slice %select_n3A_1139 {offsets = [1], sizes = [1], strides = [1]} : vector<16xi32> to vector<1xi32>
      %squeeze3A_1143 = vector.extract %slice3A_1142[0] : i32 from vector<1xi32>
      %add3A_1144 = arith.addi %squeeze3A_1141, %squeeze3A_1143 : i32
      %slice3A_1145 = vector.extract_strided_slice %select_n3A_1139 {offsets = [2], sizes = [1], strides = [1]} : vector<16xi32> to vector<1xi32>
      %squeeze3A_1146 = vector.extract %slice3A_1145[0] : i32 from vector<1xi32>
      %add3A_1147 = arith.addi %add3A_1144, %squeeze3A_1146 : i32
      %slice3A_1148 = vector.extract_strided_slice %select_n3A_1139 {offsets = [3], sizes = [1], strides = [1]} : vector<16xi32> to vector<1xi32>
      %squeeze3A_1149 = vector.extract %slice3A_1148[0] : i32 from vector<1xi32>
      %add3A_1150 = arith.addi %add3A_1147, %squeeze3A_1149 : i32
      %slice3A_1151 = vector.extract_strided_slice %select_n3A_1139 {offsets = [4], sizes = [1], strides = [1]} : vector<16xi32> to vector<1xi32>
      %squeeze3A_1152 = vector.extract %slice3A_1151[0] : i32 from vector<1xi32>
      %add3A_1153 = arith.addi %add3A_1150, %squeeze3A_1152 : i32
      %slice3A_1154 = vector.extract_strided_slice %select_n3A_1139 {offsets = [5], sizes = [1], strides = [1]} : vector<16xi32> to vector<1xi32>
      %squeeze3A_1155 = vector.extract %slice3A_1154[0] : i32 from vector<1xi32>
      %add3A_1156 = arith.addi %add3A_1153, %squeeze3A_1155 : i32
      %slice3A_1157 = vector.extract_strided_slice %select_n3A_1139 {offsets = [6], sizes = [1], strides = [1]} : vector<16xi32> to vector<1xi32>
      %squeeze3A_1158 = vector.extract %slice3A_1157[0] : i32 from vector<1xi32>
      %add3A_1159 = arith.addi %add3A_1156, %squeeze3A_1158 : i32
      %slice3A_1160 = vector.extract_strided_slice %select_n3A_1139 {offsets = [7], sizes = [1], strides = [1]} : vector<16xi32> to vector<1xi32>
      %squeeze3A_1161 = vector.extract %slice3A_1160[0] : i32 from vector<1xi32>
      %add3A_1162 = arith.addi %add3A_1159, %squeeze3A_1161 : i32
      %slice3A_1163 = vector.extract_strided_slice %select_n3A_1139 {offsets = [8], sizes = [1], strides = [1]} : vector<16xi32> to vector<1xi32>
      %squeeze3A_1164 = vector.extract %slice3A_1163[0] : i32 from vector<1xi32>
      %add3A_1165 = arith.addi %add3A_1162, %squeeze3A_1164 : i32
      %slice3A_1166 = vector.extract_strided_slice %select_n3A_1139 {offsets = [9], sizes = [1], strides = [1]} : vector<16xi32> to vector<1xi32>
      %squeeze3A_1167 = vector.extract %slice3A_1166[0] : i32 from vector<1xi32>
      %add3A_1168 = arith.addi %add3A_1165, %squeeze3A_1167 : i32
      %slice3A_1169 = vector.extract_strided_slice %select_n3A_1139 {offsets = [10], sizes = [1], strides = [1]} : vector<16xi32> to vector<1xi32>
      %squeeze3A_1170 = vector.extract %slice3A_1169[0] : i32 from vector<1xi32>
      %add3A_1171 = arith.addi %add3A_1168, %squeeze3A_1170 : i32
      %slice3A_1172 = vector.extract_strided_slice %select_n3A_1139 {offsets = [11], sizes = [1], strides = [1]} : vector<16xi32> to vector<1xi32>
      %squeeze3A_1173 = vector.extract %slice3A_1172[0] : i32 from vector<1xi32>
      %add3A_1174 = arith.addi %add3A_1171, %squeeze3A_1173 : i32
      %slice3A_1175 = vector.extract_strided_slice %select_n3A_1139 {offsets = [12], sizes = [1], strides = [1]} : vector<16xi32> to vector<1xi32>
      %squeeze3A_1176 = vector.extract %slice3A_1175[0] : i32 from vector<1xi32>
      %add3A_1177 = arith.addi %add3A_1174, %squeeze3A_1176 : i32
      %slice3A_1178 = vector.extract_strided_slice %select_n3A_1139 {offsets = [13], sizes = [1], strides = [1]} : vector<16xi32> to vector<1xi32>
      %squeeze3A_1179 = vector.extract %slice3A_1178[0] : i32 from vector<1xi32>
      %add3A_1180 = arith.addi %add3A_1177, %squeeze3A_1179 : i32
      %slice3A_1181 = vector.extract_strided_slice %select_n3A_1139 {offsets = [14], sizes = [1], strides = [1]} : vector<16xi32> to vector<1xi32>
      %squeeze3A_1182 = vector.extract %slice3A_1181[0] : i32 from vector<1xi32>
      %add3A_1183 = arith.addi %add3A_1180, %squeeze3A_1182 : i32
      %slice3A_1184 = vector.extract_strided_slice %select_n3A_1139 {offsets = [15], sizes = [1], strides = [1]} : vector<16xi32> to vector<1xi32>
      %squeeze3A_1185 = vector.extract %slice3A_1184[0] : i32 from vector<1xi32>
      %add3A_1186 = arith.addi %add3A_1183, %squeeze3A_1185 : i32
      %sub3A_1187 = arith.subi %add3A_150, %add3A_1110 : i32
      %min3A_1188 = arith.minsi %add3A_1186, %sub3A_1187 : i32
      %while3A_1189 = arith.constant 0 : i32
      %while3A_1190 = arith.constant 0 : i32
      %while3A_1191 = arith.subi %min3A_1188, %while3A_1190 : i32
      %while3A_1192 = arith.addi %while3A_1190, %while3A_1191 : i32
      %while3A_1193 = arith.constant 1 : i32
      %while3A_1194 = arith.divsi %while3A_1191, %while3A_1193 : i32
      %while3A_1195 = arith.muli %while3A_1194, %while3A_1193 : i32
      %while3A_1196 = arith.addi %while3A_1190, %while3A_1195 : i32
      %while3A_1197 = arith.constant 1 : i32
      scf.for %while3A_1262 = %while3A_1190 to %while3A_1196 step %while3A_1197  : i32 {
        %add3A_1263 = arith.addi %add3A_1110, %while3A_1262 : i32
        %get3A_1264 = arith.index_cast %add3A_1263 : i32 to index
        %get3A_1265 = tpu.vector_load %arg6[%get3A_1264] {strides = array<i32>} : memref<2064xi32, #tpu.memory_space<vmem>>, vector<16xi32>,
        %get3A_1266 = vector.shape_cast %get3A_1265 : vector<16xi32> to vector<16xi32>
        %slice3A_1267 = vector.extract_strided_slice %get3A_1266 {offsets = [0], sizes = [1], strides = [1]} : vector<16xi32> to vector<1xi32>
        %squeeze3A_1268 = vector.extract %slice3A_1267[0] : i32 from vector<1xi32>
        %sub3A_1269 = arith.subi %squeeze3A_1268, %add3A_1115 : i32
        %add3A_1270 = arith.addi %add3A_1110, %while3A_1262 : i32
        %dma_start3A_1271 = arith.constant 0 : i32
        %dma_start3A_1272 = arith.constant 0 : i32
        %dma_start3A_1273 = arith.constant 0 : i32
        %dma_start3A_1274 = tpu.memref_slice %arg7[%dma_start3A_1271, %dma_start3A_1272, %dma_start3A_1273] : memref<3x16x2048xf32, #tpu.memory_space<vmem>> -> memref<1x16x2048xf32, #tpu.memory_space<vmem>>
        %dma_start3A_1275 = tpu.memref_squeeze %dma_start3A_1274 : memref<1x16x2048xf32, #tpu.memory_space<vmem>> -> memref<16x2048xf32, #tpu.memory_space<vmem>>
        %dma_start3A_1276 = arith.constant 0 : i32
        %dma_start3A_1277 = tpu.memref_slice %dma_start3A_1275[%sub3A_1269, %dma_start3A_1276] : memref<16x2048xf32, #tpu.memory_space<vmem>> -> memref<1x2048xf32, #tpu.memory_space<vmem>>
        %dma_start3A_1278 = arith.constant 0 : i32
        %dma_start3A_1279 = tpu.memref_slice %arg3[%add3A_1270, %dma_start3A_1278] : memref<2048x2048xf32, #tpu.memory_space<hbm>> -> memref<1x2048xf32, #tpu.memory_space<hbm>>
        %dma_start3A_1280 = arith.constant 0 : i32
        %dma_start3A_1281 = arith.constant 0 : i32
        %dma_start3A_1282 = tpu.memref_slice %arg7[%dma_start3A_1271, %dma_start3A_1280, %dma_start3A_1281] : memref<3x16x2048xf32, #tpu.memory_space<vmem>> -> memref<1x16x2048xf32, #tpu.memory_space<vmem>>
        %dma_start3A_1283 = tpu.memref_squeeze %dma_start3A_1282 : memref<1x16x2048xf32, #tpu.memory_space<vmem>> -> memref<16x2048xf32, #tpu.memory_space<vmem>>
        %dma_start3A_1284 = arith.constant 0 : i32
        %dma_start3A_1285 = tpu.memref_slice %dma_start3A_1283[%sub3A_1269, %dma_start3A_1284] : memref<16x2048xf32, #tpu.memory_space<vmem>> -> memref<1x2048xf32, #tpu.memory_space<vmem>>
        %dma_start3A_1286 = arith.constant 0 : i32
        %dma_start3A_1287 = tpu.memref_slice %arg3[%add3A_1270, %dma_start3A_1286] : memref<2048x2048xf32, #tpu.memory_space<hbm>> -> memref<1x2048xf32, #tpu.memory_space<hbm>>
        tpu.enqueue_dma source(%dma_start3A_1287 : memref<1x2048xf32, #tpu.memory_space<hbm>>) target(%dma_start3A_1285 : memref<1x2048xf32, #tpu.memory_space<vmem>>) target_semaphore(%arg15 : memref<!tpu.dma_semaphore, #tpu.memory_space<semaphore_mem>>)
      }
      %while3A_1198 = arith.constant 1 : i32
      scf.for %while3A_1262 = %while3A_1196 to %while3A_1192 step %while3A_1198  : i32 {
        %add3A_1263 = arith.addi %add3A_1110, %while3A_1262 : i32
        %get3A_1264 = arith.index_cast %add3A_1263 : i32 to index
        %get3A_1265 = tpu.vector_load %arg6[%get3A_1264] {strides = array<i32>} : memref<2064xi32, #tpu.memory_space<vmem>>, vector<16xi32>,
        %get3A_1266 = vector.shape_cast %get3A_1265 : vector<16xi32> to vector<16xi32>
        %slice3A_1267 = vector.extract_strided_slice %get3A_1266 {offsets = [0], sizes = [1], strides = [1]} : vector<16xi32> to vector<1xi32>
        %squeeze3A_1268 = vector.extract %slice3A_1267[0] : i32 from vector<1xi32>
        %sub3A_1269 = arith.subi %squeeze3A_1268, %add3A_1115 : i32
        %add3A_1270 = arith.addi %add3A_1110, %while3A_1262 : i32
        %dma_start3A_1271 = arith.constant 0 : i32
        %dma_start3A_1272 = arith.constant 0 : i32
        %dma_start3A_1273 = arith.constant 0 : i32
        %dma_start3A_1274 = tpu.memref_slice %arg7[%dma_start3A_1271, %dma_start3A_1272, %dma_start3A_1273] : memref<3x16x2048xf32, #tpu.memory_space<vmem>> -> memref<1x16x2048xf32, #tpu.memory_space<vmem>>
        %dma_start3A_1275 = tpu.memref_squeeze %dma_start3A_1274 : memref<1x16x2048xf32, #tpu.memory_space<vmem>> -> memref<16x2048xf32, #tpu.memory_space<vmem>>
        %dma_start3A_1276 = arith.constant 0 : i32
        %dma_start3A_1277 = tpu.memref_slice %dma_start3A_1275[%sub3A_1269, %dma_start3A_1276] : memref<16x2048xf32, #tpu.memory_space<vmem>> -> memref<1x2048xf32, #tpu.memory_space<vmem>>
        %dma_start3A_1278 = arith.constant 0 : i32
        %dma_start3A_1279 = tpu.memref_slice %arg3[%add3A_1270, %dma_start3A_1278] : memref<2048x2048xf32, #tpu.memory_space<hbm>> -> memref<1x2048xf32, #tpu.memory_space<hbm>>
        %dma_start3A_1280 = arith.constant 0 : i32
        %dma_start3A_1281 = arith.constant 0 : i32
        %dma_start3A_1282 = tpu.memref_slice %arg7[%dma_start3A_1271, %dma_start3A_1280, %dma_start3A_1281] : memref<3x16x2048xf32, #tpu.memory_space<vmem>> -> memref<1x16x2048xf32, #tpu.memory_space<vmem>>
        %dma_start3A_1283 = tpu.memref_squeeze %dma_start3A_1282 : memref<1x16x2048xf32, #tpu.memory_space<vmem>> -> memref<16x2048xf32, #tpu.memory_space<vmem>>
        %dma_start3A_1284 = arith.constant 0 : i32
        %dma_start3A_1285 = tpu.memref_slice %dma_start3A_1283[%sub3A_1269, %dma_start3A_1284] : memref<16x2048xf32, #tpu.memory_space<vmem>> -> memref<1x2048xf32, #tpu.memory_space<vmem>>
        %dma_start3A_1286 = arith.constant 0 : i32
        %dma_start3A_1287 = tpu.memref_slice %arg3[%add3A_1270, %dma_start3A_1286] : memref<2048x2048xf32, #tpu.memory_space<hbm>> -> memref<1x2048xf32, #tpu.memory_space<hbm>>
        tpu.enqueue_dma source(%dma_start3A_1287 : memref<1x2048xf32, #tpu.memory_space<hbm>>) target(%dma_start3A_1285 : memref<1x2048xf32, #tpu.memory_space<vmem>>) target_semaphore(%arg15 : memref<!tpu.dma_semaphore, #tpu.memory_space<semaphore_mem>>)
      }
      %while3A_1199 = arith.constant 0 : i32
      %while3A_1200 = arith.constant 0 : i32
      %while3A_1201 = arith.subi %min3A_1188, %while3A_1200 : i32
      %while3A_1202 = arith.addi %while3A_1200, %while3A_1201 : i32
      %while3A_1203 = arith.constant 1 : i32
      %while3A_1204 = arith.divsi %while3A_1201, %while3A_1203 : i32
      %while3A_1205 = arith.muli %while3A_1204, %while3A_1203 : i32
      %while3A_1206 = arith.addi %while3A_1200, %while3A_1205 : i32
      %while3A_1207 = arith.constant 1 : i32
      scf.for %while3A_1262 = %while3A_1200 to %while3A_1206 step %while3A_1207  : i32 {
        %dma_wait3A_1263 = arith.constant 0 : i32
        %dma_wait3A_1264 = arith.constant 0 : i32
        %dma_wait3A_1265 = tpu.memref_slice %arg3[%dma_wait3A_1263, %dma_wait3A_1264] : memref<2048x2048xf32, #tpu.memory_space<hbm>> -> memref<1x2048xf32, #tpu.memory_space<hbm>>
        %dma_wait3A_1266 = arith.constant 0 : i32
        %dma_wait3A_1267 = arith.constant 0 : i32
        %dma_wait3A_1268 = tpu.memref_slice %arg3[%dma_wait3A_1266, %dma_wait3A_1267] : memref<2048x2048xf32, #tpu.memory_space<hbm>> -> memref<1x2048xf32, #tpu.memory_space<hbm>>
        tpu.wait_dma2 semaphore(%arg15 : memref<!tpu.dma_semaphore, #tpu.memory_space<semaphore_mem>>) src(%dma_wait3A_1268 : memref<1x2048xf32, #tpu.memory_space<hbm>>) dst(%arg8 : memref<1x2048xf32, #tpu.memory_space<vmem>>)
      }
      %while3A_1208 = arith.constant 1 : i32
      scf.for %while3A_1262 = %while3A_1206 to %while3A_1202 step %while3A_1208  : i32 {
        %dma_wait3A_1263 = arith.constant 0 : i32
        %dma_wait3A_1264 = arith.constant 0 : i32
        %dma_wait3A_1265 = tpu.memref_slice %arg3[%dma_wait3A_1263, %dma_wait3A_1264] : memref<2048x2048xf32, #tpu.memory_space<hbm>> -> memref<1x2048xf32, #tpu.memory_space<hbm>>
        %dma_wait3A_1266 = arith.constant 0 : i32
        %dma_wait3A_1267 = arith.constant 0 : i32
        %dma_wait3A_1268 = tpu.memref_slice %arg3[%dma_wait3A_1266, %dma_wait3A_1267] : memref<2048x2048xf32, #tpu.memory_space<hbm>> -> memref<1x2048xf32, #tpu.memory_space<hbm>>
        tpu.wait_dma2 semaphore(%arg15 : memref<!tpu.dma_semaphore, #tpu.memory_space<semaphore_mem>>) src(%dma_wait3A_1268 : memref<1x2048xf32, #tpu.memory_space<hbm>>) dst(%arg8 : memref<1x2048xf32, #tpu.memory_space<vmem>>)
      }
      %mul3A_1209 = arith.constant 16 : i32
      %mul3A_1210 = arith.muli %add3A_1112, %mul3A_1209 : i32
      %add3A_1211 = arith.addi %mul3A_2, %mul3A_1210 : i32
      %dma_start3A_1212 = arith.constant 0 : i32
      %dma_start3A_1213 = arith.constant 0 : i32
      %dma_start3A_1214 = arith.constant 0 : i32
      %dma_start3A_1215 = tpu.memref_slice %arg7[%dma_start3A_1212, %dma_start3A_1213, %dma_start3A_1214] : memref<3x16x2048xf32, #tpu.memory_space<vmem>> -> memref<1x16x2048xf32, #tpu.memory_space<vmem>>
      %dma_start3A_1216 = tpu.memref_squeeze %dma_start3A_1215 : memref<1x16x2048xf32, #tpu.memory_space<vmem>> -> memref<16x2048xf32, #tpu.memory_space<vmem>>
      %dma_start3A_1217 = arith.constant 0 : i32
      %dma_start3A_1218 = tpu.memref_slice %arg5[%add3A_1211, %dma_start3A_1217] : memref<16384x2048xf32, #tpu.memory_space<hbm>> -> memref<16x2048xf32, #tpu.memory_space<hbm>>
      %dma_start3A_1219 = arith.constant 0 : i32
      %dma_start3A_1220 = tpu.memref_slice %arg5[%add3A_1211, %dma_start3A_1219] : memref<16384x2048xf32, #tpu.memory_space<hbm>> -> memref<16x2048xf32, #tpu.memory_space<hbm>>
      %dma_start3A_1221 = arith.constant 0 : i32
      %dma_start3A_1222 = arith.constant 0 : i32
      %dma_start3A_1223 = tpu.memref_slice %arg7[%dma_start3A_1212, %dma_start3A_1221, %dma_start3A_1222] : memref<3x16x2048xf32, #tpu.memory_space<vmem>> -> memref<1x16x2048xf32, #tpu.memory_space<vmem>>
      %dma_start3A_1224 = tpu.memref_squeeze %dma_start3A_1223 : memref<1x16x2048xf32, #tpu.memory_space<vmem>> -> memref<16x2048xf32, #tpu.memory_space<vmem>>
      tpu.enqueue_dma source(%dma_start3A_1224 : memref<16x2048xf32, #tpu.memory_space<vmem>>) target(%dma_start3A_1220 : memref<16x2048xf32, #tpu.memory_space<hbm>>) target_semaphore(%arg12 : memref<!tpu.dma_semaphore, #tpu.memory_space<semaphore_mem>>)
      %sub3A_1225 = arith.constant 1 : i32
      %sub3A_1226 = arith.subi %add3A_1112, %sub3A_1225 : i32
      %mul3A_1227 = arith.constant 16 : i32
      %mul3A_1228 = arith.muli %sub3A_1226, %mul3A_1227 : i32
      %add3A_1229 = arith.addi %mul3A_2, %mul3A_1228 : i32
      %dma_wait3A_1230 = arith.constant 2 : i32
      %dma_wait3A_1231 = arith.constant 0 : i32
      %dma_wait3A_1232 = arith.constant 0 : i32
      %dma_wait3A_1233 = tpu.memref_slice %arg7[%dma_wait3A_1230, %dma_wait3A_1231, %dma_wait3A_1232] : memref<3x16x2048xf32, #tpu.memory_space<vmem>> -> memref<1x16x2048xf32, #tpu.memory_space<vmem>>
      %dma_wait3A_1234 = tpu.memref_squeeze %dma_wait3A_1233 : memref<1x16x2048xf32, #tpu.memory_space<vmem>> -> memref<16x2048xf32, #tpu.memory_space<vmem>>
      %dma_wait3A_1235 = arith.constant 0 : i32
      %dma_wait3A_1236 = tpu.memref_slice %arg5[%add3A_1229, %dma_wait3A_1235] : memref<16384x2048xf32, #tpu.memory_space<hbm>> -> memref<16x2048xf32, #tpu.memory_space<hbm>>
      %dma_wait3A_1237 = arith.constant 0 : i32
      %dma_wait3A_1238 = tpu.memref_slice %arg5[%add3A_1229, %dma_wait3A_1237] : memref<16384x2048xf32, #tpu.memory_space<hbm>> -> memref<16x2048xf32, #tpu.memory_space<hbm>>
      %dma_wait3A_1239 = arith.constant 0 : i32
      %dma_wait3A_1240 = arith.constant 0 : i32
      %dma_wait3A_1241 = tpu.memref_slice %arg7[%dma_wait3A_1230, %dma_wait3A_1239, %dma_wait3A_1240] : memref<3x16x2048xf32, #tpu.memory_space<vmem>> -> memref<1x16x2048xf32, #tpu.memory_space<vmem>>
      %dma_wait3A_1242 = tpu.memref_squeeze %dma_wait3A_1241 : memref<1x16x2048xf32, #tpu.memory_space<vmem>> -> memref<16x2048xf32, #tpu.memory_space<vmem>>
      tpu.wait_dma2 semaphore(%arg14 : memref<!tpu.dma_semaphore, #tpu.memory_space<semaphore_mem>>) src(%dma_wait3A_1242 : memref<16x2048xf32, #tpu.memory_space<vmem>>) dst(%dma_wait3A_1238 : memref<16x2048xf32, #tpu.memory_space<hbm>>)
      %add3A_1243 = arith.constant 2 : i32
      %add3A_1244 = arith.addi %add3A_1112, %add3A_1243 : i32
      %mul3A_1245 = arith.constant 16 : i32
      %mul3A_1246 = arith.muli %add3A_1244, %mul3A_1245 : i32
      %add3A_1247 = arith.addi %mul3A_2, %mul3A_1246 : i32
      %dma_start3A_1248 = arith.constant 2 : i32
      %dma_start3A_1249 = arith.constant 0 : i32
      %dma_start3A_1250 = arith.constant 0 : i32
      %dma_start3A_1251 = tpu.memref_slice %arg7[%dma_start3A_1248, %dma_start3A_1249, %dma_start3A_1250] : memref<3x16x2048xf32, #tpu.memory_space<vmem>> -> memref<1x16x2048xf32, #tpu.memory_space<vmem>>
      %dma_start3A_1252 = tpu.memref_squeeze %dma_start3A_1251 : memref<1x16x2048xf32, #tpu.memory_space<vmem>> -> memref<16x2048xf32, #tpu.memory_space<vmem>>
      %dma_start3A_1253 = arith.constant 0 : i32
      %dma_start3A_1254 = tpu.memref_slice %arg2[%add3A_1247, %dma_start3A_1253] : memref<16384x2048xf32, #tpu.memory_space<hbm>> -> memref<16x2048xf32, #tpu.memory_space<hbm>>
      %dma_start3A_1255 = arith.constant 0 : i32
      %dma_start3A_1256 = arith.constant 0 : i32
      %dma_start3A_1257 = tpu.memref_slice %arg7[%dma_start3A_1248, %dma_start3A_1255, %dma_start3A_1256] : memref<3x16x2048xf32, #tpu.memory_space<vmem>> -> memref<1x16x2048xf32, #tpu.memory_space<vmem>>
      %dma_start3A_1258 = tpu.memref_squeeze %dma_start3A_1257 : memref<1x16x2048xf32, #tpu.memory_space<vmem>> -> memref<16x2048xf32, #tpu.memory_space<vmem>>
      %dma_start3A_1259 = arith.constant 0 : i32
      %dma_start3A_1260 = tpu.memref_slice %arg2[%add3A_1247, %dma_start3A_1259] : memref<16384x2048xf32, #tpu.memory_space<hbm>> -> memref<16x2048xf32, #tpu.memory_space<hbm>>
      tpu.enqueue_dma source(%dma_start3A_1260 : memref<16x2048xf32, #tpu.memory_space<hbm>>) target(%dma_start3A_1258 : memref<16x2048xf32, #tpu.memory_space<vmem>>) target_semaphore(%arg11 : memref<!tpu.dma_semaphore, #tpu.memory_space<semaphore_mem>>)
      %add3A_1261 = arith.addi %add3A_1110, %min3A_1188 : i32
      scf.yield %add3A_1261 : i32
    }
    %scan3A_259 = arith.constant 9 : i32
    %add3A_260 = arith.constant 448 : i32
    %add3A_261 = arith.addi %mul3A_2, %add3A_260 : i32
    %add3A_262 = arith.constant 448 : i32
    %add3A_263 = arith.addi %mul3A_2, %add3A_262 : i32
    %dma_wait3A_264 = arith.constant 1 : i32
    %dma_wait3A_265 = arith.constant 0 : i32
    %dma_wait3A_266 = arith.constant 0 : i32
    %dma_wait3A_267 = tpu.memref_slice %arg7[%dma_wait3A_264, %dma_wait3A_265, %dma_wait3A_266] : memref<3x16x2048xf32, #tpu.memory_space<vmem>> -> memref<1x16x2048xf32, #tpu.memory_space<vmem>>
    %dma_wait3A_268 = tpu.memref_squeeze %dma_wait3A_267 : memref<1x16x2048xf32, #tpu.memory_space<vmem>> -> memref<16x2048xf32, #tpu.memory_space<vmem>>
    %dma_wait3A_269 = arith.constant 0 : i32
    %dma_wait3A_270 = tpu.memref_slice %arg2[%add3A_263, %dma_wait3A_269] : memref<16384x2048xf32, #tpu.memory_space<hbm>> -> memref<16x2048xf32, #tpu.memory_space<hbm>>
    %dma_wait3A_271 = arith.constant 0 : i32
    %dma_wait3A_272 = arith.constant 0 : i32
    %dma_wait3A_273 = tpu.memref_slice %arg7[%dma_wait3A_264, %dma_wait3A_271, %dma_wait3A_272] : memref<3x16x2048xf32, #tpu.memory_space<vmem>> -> memref<1x16x2048xf32, #tpu.memory_space<vmem>>
    %dma_wait3A_274 = tpu.memref_squeeze %dma_wait3A_273 : memref<1x16x2048xf32, #tpu.memory_space<vmem>> -> memref<16x2048xf32, #tpu.memory_space<vmem>>
    %dma_wait3A_275 = arith.constant 0 : i32
    %dma_wait3A_276 = tpu.memref_slice %arg2[%add3A_263, %dma_wait3A_275] : memref<16384x2048xf32, #tpu.memory_space<hbm>> -> memref<16x2048xf32, #tpu.memory_space<hbm>>
    tpu.wait_dma2 semaphore(%arg10 : memref<!tpu.dma_semaphore, #tpu.memory_space<semaphore_mem>>) src(%dma_wait3A_276 : memref<16x2048xf32, #tpu.memory_space<hbm>>) dst(%dma_wait3A_274 : memref<16x2048xf32, #tpu.memory_space<vmem>>)
    %get3A_277 = arith.index_cast %scan3A_258 : i32 to index
    %get3A_278 = tpu.vector_load %arg6[%get3A_277] {strides = array<i32>} : memref<2064xi32, #tpu.memory_space<vmem>>, vector<16xi32>,
    %get3A_279 = vector.shape_cast %get3A_278 : vector<16xi32> to vector<16xi32>
    %add3A_280 = arith.constant 16 : i32
    %add3A_281 = arith.addi %add3A_261, %add3A_280 : i32
    %broadcast_in_dim3A_282 = vector.broadcast %add3A_281 : i32 to vector<16xi32>
    %lt3A_283 = arith.cmpi slt, %get3A_279, %broadcast_in_dim3A_282 : vector<16xi32>
    %select_n3A_284 = arith.select %lt3A_283, %broadcast_in_dim3A_51, %broadcast_in_dim3A_53 : vector<16xi1>, vector<16xi32>
    %slice3A_285 = vector.extract_strided_slice %select_n3A_284 {offsets = [0], sizes = [1], strides = [1]} : vector<16xi32> to vector<1xi32>
    %squeeze3A_286 = vector.extract %slice3A_285[0] : i32 from vector<1xi32>
    %slice3A_287 = vector.extract_strided_slice %select_n3A_284 {offsets = [1], sizes = [1], strides = [1]} : vector<16xi32> to vector<1xi32>
    %squeeze3A_288 = vector.extract %slice3A_287[0] : i32 from vector<1xi32>
    %add3A_289 = arith.addi %squeeze3A_286, %squeeze3A_288 : i32
    %slice3A_290 = vector.extract_strided_slice %select_n3A_284 {offsets = [2], sizes = [1], strides = [1]} : vector<16xi32> to vector<1xi32>
    %squeeze3A_291 = vector.extract %slice3A_290[0] : i32 from vector<1xi32>
    %add3A_292 = arith.addi %add3A_289, %squeeze3A_291 : i32
    %slice3A_293 = vector.extract_strided_slice %select_n3A_284 {offsets = [3], sizes = [1], strides = [1]} : vector<16xi32> to vector<1xi32>
    %squeeze3A_294 = vector.extract %slice3A_293[0] : i32 from vector<1xi32>
    %add3A_295 = arith.addi %add3A_292, %squeeze3A_294 : i32
    %slice3A_296 = vector.extract_strided_slice %select_n3A_284 {offsets = [4], sizes = [1], strides = [1]} : vector<16xi32> to vector<1xi32>
    %squeeze3A_297 = vector.extract %slice3A_296[0] : i32 from vector<1xi32>
    %add3A_298 = arith.addi %add3A_295, %squeeze3A_297 : i32
    %slice3A_299 = vector.extract_strided_slice %select_n3A_284 {offsets = [5], sizes = [1], strides = [1]} : vector<16xi32> to vector<1xi32>
    %squeeze3A_300 = vector.extract %slice3A_299[0] : i32 from vector<1xi32>
    %add3A_301 = arith.addi %add3A_298, %squeeze3A_300 : i32
    %slice3A_302 = vector.extract_strided_slice %select_n3A_284 {offsets = [6], sizes = [1], strides = [1]} : vector<16xi32> to vector<1xi32>
    %squeeze3A_303 = vector.extract %slice3A_302[0] : i32 from vector<1xi32>
    %add3A_304 = arith.addi %add3A_301, %squeeze3A_303 : i32
    %slice3A_305 = vector.extract_strided_slice %select_n3A_284 {offsets = [7], sizes = [1], strides = [1]} : vector<16xi32> to vector<1xi32>
    %squeeze3A_306 = vector.extract %slice3A_305[0] : i32 from vector<1xi32>
    %add3A_307 = arith.addi %add3A_304, %squeeze3A_306 : i32
    %slice3A_308 = vector.extract_strided_slice %select_n3A_284 {offsets = [8], sizes = [1], strides = [1]} : vector<16xi32> to vector<1xi32>
    %squeeze3A_309 = vector.extract %slice3A_308[0] : i32 from vector<1xi32>
    %add3A_310 = arith.addi %add3A_307, %squeeze3A_309 : i32
    %slice3A_311 = vector.extract_strided_slice %select_n3A_284 {offsets = [9], sizes = [1], strides = [1]} : vector<16xi32> to vector<1xi32>
    %squeeze3A_312 = vector.extract %slice3A_311[0] : i32 from vector<1xi32>
    %add3A_313 = arith.addi %add3A_310, %squeeze3A_312 : i32
    %slice3A_314 = vector.extract_strided_slice %select_n3A_284 {offsets = [10], sizes = [1], strides = [1]} : vector<16xi32> to vector<1xi32>
    %squeeze3A_315 = vector.extract %slice3A_314[0] : i32 from vector<1xi32>
    %add3A_316 = arith.addi %add3A_313, %squeeze3A_315 : i32
    %slice3A_317 = vector.extract_strided_slice %select_n3A_284 {offsets = [11], sizes = [1], strides = [1]} : vector<16xi32> to vector<1xi32>
    %squeeze3A_318 = vector.extract %slice3A_317[0] : i32 from vector<1xi32>
    %add3A_319 = arith.addi %add3A_316, %squeeze3A_318 : i32
    %slice3A_320 = vector.extract_strided_slice %select_n3A_284 {offsets = [12], sizes = [1], strides = [1]} : vector<16xi32> to vector<1xi32>
    %squeeze3A_321 = vector.extract %slice3A_320[0] : i32 from vector<1xi32>
    %add3A_322 = arith.addi %add3A_319, %squeeze3A_321 : i32
    %slice3A_323 = vector.extract_strided_slice %select_n3A_284 {offsets = [13], sizes = [1], strides = [1]} : vector<16xi32> to vector<1xi32>
    %squeeze3A_324 = vector.extract %slice3A_323[0] : i32 from vector<1xi32>
    %add3A_325 = arith.addi %add3A_322, %squeeze3A_324 : i32
    %slice3A_326 = vector.extract_strided_slice %select_n3A_284 {offsets = [14], sizes = [1], strides = [1]} : vector<16xi32> to vector<1xi32>
    %squeeze3A_327 = vector.extract %slice3A_326[0] : i32 from vector<1xi32>
    %add3A_328 = arith.addi %add3A_325, %squeeze3A_327 : i32
    %slice3A_329 = vector.extract_strided_slice %select_n3A_284 {offsets = [15], sizes = [1], strides = [1]} : vector<16xi32> to vector<1xi32>
    %squeeze3A_330 = vector.extract %slice3A_329[0] : i32 from vector<1xi32>
    %add3A_331 = arith.addi %add3A_328, %squeeze3A_330 : i32
    %sub3A_332 = arith.subi %add3A_150, %scan3A_258 : i32
    %min3A_333 = arith.minsi %add3A_331, %sub3A_332 : i32
    %while3A_334 = arith.constant 0 : i32
    %while3A_335 = arith.constant 0 : i32
    %while3A_336 = arith.subi %min3A_333, %while3A_335 : i32
    %while3A_337 = arith.addi %while3A_335, %while3A_336 : i32
    %while3A_338 = arith.constant 1 : i32
    %while3A_339 = arith.divsi %while3A_336, %while3A_338 : i32
    %while3A_340 = arith.muli %while3A_339, %while3A_338 : i32
    %while3A_341 = arith.addi %while3A_335, %while3A_340 : i32
    %while3A_342 = arith.constant 1 : i32
    scf.for %while3A_805 = %while3A_335 to %while3A_341 step %while3A_342  : i32 {
      %add3A_806 = arith.addi %scan3A_258, %while3A_805 : i32
      %get3A_807 = arith.index_cast %add3A_806 : i32 to index
      %get3A_808 = tpu.vector_load %arg6[%get3A_807] {strides = array<i32>} : memref<2064xi32, #tpu.memory_space<vmem>>, vector<16xi32>,
      %get3A_809 = vector.shape_cast %get3A_808 : vector<16xi32> to vector<16xi32>
      %slice3A_810 = vector.extract_strided_slice %get3A_809 {offsets = [0], sizes = [1], strides = [1]} : vector<16xi32> to vector<1xi32>
      %squeeze3A_811 = vector.extract %slice3A_810[0] : i32 from vector<1xi32>
      %sub3A_812 = arith.subi %squeeze3A_811, %add3A_261 : i32
      %add3A_813 = arith.addi %scan3A_258, %while3A_805 : i32
      %dma_start3A_814 = arith.constant 1 : i32
      %dma_start3A_815 = arith.constant 0 : i32
      %dma_start3A_816 = arith.constant 0 : i32
      %dma_start3A_817 = tpu.memref_slice %arg7[%dma_start3A_814, %dma_start3A_815, %dma_start3A_816] : memref<3x16x2048xf32, #tpu.memory_space<vmem>> -> memref<1x16x2048xf32, #tpu.memory_space<vmem>>
      %dma_start3A_818 = tpu.memref_squeeze %dma_start3A_817 : memref<1x16x2048xf32, #tpu.memory_space<vmem>> -> memref<16x2048xf32, #tpu.memory_space<vmem>>
      %dma_start3A_819 = arith.constant 0 : i32
      %dma_start3A_820 = tpu.memref_slice %dma_start3A_818[%sub3A_812, %dma_start3A_819] : memref<16x2048xf32, #tpu.memory_space<vmem>> -> memref<1x2048xf32, #tpu.memory_space<vmem>>
      %dma_start3A_821 = arith.constant 0 : i32
      %dma_start3A_822 = tpu.memref_slice %arg3[%add3A_813, %dma_start3A_821] : memref<2048x2048xf32, #tpu.memory_space<hbm>> -> memref<1x2048xf32, #tpu.memory_space<hbm>>
      %dma_start3A_823 = arith.constant 0 : i32
      %dma_start3A_824 = arith.constant 0 : i32
      %dma_start3A_825 = tpu.memref_slice %arg7[%dma_start3A_814, %dma_start3A_823, %dma_start3A_824] : memref<3x16x2048xf32, #tpu.memory_space<vmem>> -> memref<1x16x2048xf32, #tpu.memory_space<vmem>>
      %dma_start3A_826 = tpu.memref_squeeze %dma_start3A_825 : memref<1x16x2048xf32, #tpu.memory_space<vmem>> -> memref<16x2048xf32, #tpu.memory_space<vmem>>
      %dma_start3A_827 = arith.constant 0 : i32
      %dma_start3A_828 = tpu.memref_slice %dma_start3A_826[%sub3A_812, %dma_start3A_827] : memref<16x2048xf32, #tpu.memory_space<vmem>> -> memref<1x2048xf32, #tpu.memory_space<vmem>>
      %dma_start3A_829 = arith.constant 0 : i32
      %dma_start3A_830 = tpu.memref_slice %arg3[%add3A_813, %dma_start3A_829] : memref<2048x2048xf32, #tpu.memory_space<hbm>> -> memref<1x2048xf32, #tpu.memory_space<hbm>>
      tpu.enqueue_dma source(%dma_start3A_830 : memref<1x2048xf32, #tpu.memory_space<hbm>>) target(%dma_start3A_828 : memref<1x2048xf32, #tpu.memory_space<vmem>>) target_semaphore(%arg15 : memref<!tpu.dma_semaphore, #tpu.memory_space<semaphore_mem>>)
    }
    %while3A_343 = arith.constant 1 : i32
    scf.for %while3A_805 = %while3A_341 to %while3A_337 step %while3A_343  : i32 {
      %add3A_806 = arith.addi %scan3A_258, %while3A_805 : i32
      %get3A_807 = arith.index_cast %add3A_806 : i32 to index
      %get3A_808 = tpu.vector_load %arg6[%get3A_807] {strides = array<i32>} : memref<2064xi32, #tpu.memory_space<vmem>>, vector<16xi32>,
      %get3A_809 = vector.shape_cast %get3A_808 : vector<16xi32> to vector<16xi32>
      %slice3A_810 = vector.extract_strided_slice %get3A_809 {offsets = [0], sizes = [1], strides = [1]} : vector<16xi32> to vector<1xi32>
      %squeeze3A_811 = vector.extract %slice3A_810[0] : i32 from vector<1xi32>
      %sub3A_812 = arith.subi %squeeze3A_811, %add3A_261 : i32
      %add3A_813 = arith.addi %scan3A_258, %while3A_805 : i32
      %dma_start3A_814 = arith.constant 1 : i32
      %dma_start3A_815 = arith.constant 0 : i32
      %dma_start3A_816 = arith.constant 0 : i32
      %dma_start3A_817 = tpu.memref_slice %arg7[%dma_start3A_814, %dma_start3A_815, %dma_start3A_816] : memref<3x16x2048xf32, #tpu.memory_space<vmem>> -> memref<1x16x2048xf32, #tpu.memory_space<vmem>>
      %dma_start3A_818 = tpu.memref_squeeze %dma_start3A_817 : memref<1x16x2048xf32, #tpu.memory_space<vmem>> -> memref<16x2048xf32, #tpu.memory_space<vmem>>
      %dma_start3A_819 = arith.constant 0 : i32
      %dma_start3A_820 = tpu.memref_slice %dma_start3A_818[%sub3A_812, %dma_start3A_819] : memref<16x2048xf32, #tpu.memory_space<vmem>> -> memref<1x2048xf32, #tpu.memory_space<vmem>>
      %dma_start3A_821 = arith.constant 0 : i32
      %dma_start3A_822 = tpu.memref_slice %arg3[%add3A_813, %dma_start3A_821] : memref<2048x2048xf32, #tpu.memory_space<hbm>> -> memref<1x2048xf32, #tpu.memory_space<hbm>>
      %dma_start3A_823 = arith.constant 0 : i32
      %dma_start3A_824 = arith.constant 0 : i32
      %dma_start3A_825 = tpu.memref_slice %arg7[%dma_start3A_814, %dma_start3A_823, %dma_start3A_824] : memref<3x16x2048xf32, #tpu.memory_space<vmem>> -> memref<1x16x2048xf32, #tpu.memory_space<vmem>>
      %dma_start3A_826 = tpu.memref_squeeze %dma_start3A_825 : memref<1x16x2048xf32, #tpu.memory_space<vmem>> -> memref<16x2048xf32, #tpu.memory_space<vmem>>
      %dma_start3A_827 = arith.constant 0 : i32
      %dma_start3A_828 = tpu.memref_slice %dma_start3A_826[%sub3A_812, %dma_start3A_827] : memref<16x2048xf32, #tpu.memory_space<vmem>> -> memref<1x2048xf32, #tpu.memory_space<vmem>>
      %dma_start3A_829 = arith.constant 0 : i32
      %dma_start3A_830 = tpu.memref_slice %arg3[%add3A_813, %dma_start3A_829] : memref<2048x2048xf32, #tpu.memory_space<hbm>> -> memref<1x2048xf32, #tpu.memory_space<hbm>>
      tpu.enqueue_dma source(%dma_start3A_830 : memref<1x2048xf32, #tpu.memory_space<hbm>>) target(%dma_start3A_828 : memref<1x2048xf32, #tpu.memory_space<vmem>>) target_semaphore(%arg15 : memref<!tpu.dma_semaphore, #tpu.memory_space<semaphore_mem>>)
    }
    %while3A_344 = arith.constant 0 : i32
    %while3A_345 = arith.constant 0 : i32
    %while3A_346 = arith.subi %min3A_333, %while3A_345 : i32
    %while3A_347 = arith.addi %while3A_345, %while3A_346 : i32
    %while3A_348 = arith.constant 1 : i32
    %while3A_349 = arith.divsi %while3A_346, %while3A_348 : i32
    %while3A_350 = arith.muli %while3A_349, %while3A_348 : i32
    %while3A_351 = arith.addi %while3A_345, %while3A_350 : i32
    %while3A_352 = arith.constant 1 : i32
    scf.for %while3A_805 = %while3A_345 to %while3A_351 step %while3A_352  : i32 {
      %dma_wait3A_806 = arith.constant 0 : i32
      %dma_wait3A_807 = arith.constant 0 : i32
      %dma_wait3A_808 = tpu.memref_slice %arg3[%dma_wait3A_806, %dma_wait3A_807] : memref<2048x2048xf32, #tpu.memory_space<hbm>> -> memref<1x2048xf32, #tpu.memory_space<hbm>>
      %dma_wait3A_809 = arith.constant 0 : i32
      %dma_wait3A_810 = arith.constant 0 : i32
      %dma_wait3A_811 = tpu.memref_slice %arg3[%dma_wait3A_809, %dma_wait3A_810] : memref<2048x2048xf32, #tpu.memory_space<hbm>> -> memref<1x2048xf32, #tpu.memory_space<hbm>>
      tpu.wait_dma2 semaphore(%arg15 : memref<!tpu.dma_semaphore, #tpu.memory_space<semaphore_mem>>) src(%dma_wait3A_811 : memref<1x2048xf32, #tpu.memory_space<hbm>>) dst(%arg8 : memref<1x2048xf32, #tpu.memory_space<vmem>>)
    }
    %while3A_353 = arith.constant 1 : i32
    scf.for %while3A_805 = %while3A_351 to %while3A_347 step %while3A_353  : i32 {
      %dma_wait3A_806 = arith.constant 0 : i32
      %dma_wait3A_807 = arith.constant 0 : i32
      %dma_wait3A_808 = tpu.memref_slice %arg3[%dma_wait3A_806, %dma_wait3A_807] : memref<2048x2048xf32, #tpu.memory_space<hbm>> -> memref<1x2048xf32, #tpu.memory_space<hbm>>
      %dma_wait3A_809 = arith.constant 0 : i32
      %dma_wait3A_810 = arith.constant 0 : i32
      %dma_wait3A_811 = tpu.memref_slice %arg3[%dma_wait3A_809, %dma_wait3A_810] : memref<2048x2048xf32, #tpu.memory_space<hbm>> -> memref<1x2048xf32, #tpu.memory_space<hbm>>
      tpu.wait_dma2 semaphore(%arg15 : memref<!tpu.dma_semaphore, #tpu.memory_space<semaphore_mem>>) src(%dma_wait3A_811 : memref<1x2048xf32, #tpu.memory_space<hbm>>) dst(%arg8 : memref<1x2048xf32, #tpu.memory_space<vmem>>)
    }
    %add3A_354 = arith.constant 448 : i32
    %add3A_355 = arith.addi %mul3A_2, %add3A_354 : i32
    %dma_start3A_356 = arith.constant 1 : i32
    %dma_start3A_357 = arith.constant 0 : i32
    %dma_start3A_358 = arith.constant 0 : i32
    %dma_start3A_359 = tpu.memref_slice %arg7[%dma_start3A_356, %dma_start3A_357, %dma_start3A_358] : memref<3x16x2048xf32, #tpu.memory_space<vmem>> -> memref<1x16x2048xf32, #tpu.memory_space<vmem>>
    %dma_start3A_360 = tpu.memref_squeeze %dma_start3A_359 : memref<1x16x2048xf32, #tpu.memory_space<vmem>> -> memref<16x2048xf32, #tpu.memory_space<vmem>>
    %dma_start3A_361 = arith.constant 0 : i32
    %dma_start3A_362 = tpu.memref_slice %arg5[%add3A_355, %dma_start3A_361] : memref<16384x2048xf32, #tpu.memory_space<hbm>> -> memref<16x2048xf32, #tpu.memory_space<hbm>>
    %dma_start3A_363 = arith.constant 0 : i32
    %dma_start3A_364 = tpu.memref_slice %arg5[%add3A_355, %dma_start3A_363] : memref<16384x2048xf32, #tpu.memory_space<hbm>> -> memref<16x2048xf32, #tpu.memory_space<hbm>>
    %dma_start3A_365 = arith.constant 0 : i32
    %dma_start3A_366 = arith.constant 0 : i32
    %dma_start3A_367 = tpu.memref_slice %arg7[%dma_start3A_356, %dma_start3A_365, %dma_start3A_366] : memref<3x16x2048xf32, #tpu.memory_space<vmem>> -> memref<1x16x2048xf32, #tpu.memory_space<vmem>>
    %dma_start3A_368 = tpu.memref_squeeze %dma_start3A_367 : memref<1x16x2048xf32, #tpu.memory_space<vmem>> -> memref<16x2048xf32, #tpu.memory_space<vmem>>
    tpu.enqueue_dma source(%dma_start3A_368 : memref<16x2048xf32, #tpu.memory_space<vmem>>) target(%dma_start3A_364 : memref<16x2048xf32, #tpu.memory_space<hbm>>) target_semaphore(%arg13 : memref<!tpu.dma_semaphore, #tpu.memory_space<semaphore_mem>>)
    %add3A_369 = arith.constant 432 : i32
    %add3A_370 = arith.addi %mul3A_2, %add3A_369 : i32
    %dma_wait3A_371 = arith.constant 0 : i32
    %dma_wait3A_372 = arith.constant 0 : i32
    %dma_wait3A_373 = arith.constant 0 : i32
    %dma_wait3A_374 = tpu.memref_slice %arg7[%dma_wait3A_371, %dma_wait3A_372, %dma_wait3A_373] : memref<3x16x2048xf32, #tpu.memory_space<vmem>> -> memref<1x16x2048xf32, #tpu.memory_space<vmem>>
    %dma_wait3A_375 = tpu.memref_squeeze %dma_wait3A_374 : memref<1x16x2048xf32, #tpu.memory_space<vmem>> -> memref<16x2048xf32, #tpu.memory_space<vmem>>
    %dma_wait3A_376 = arith.constant 0 : i32
    %dma_wait3A_377 = tpu.memref_slice %arg5[%add3A_370, %dma_wait3A_376] : memref<16384x2048xf32, #tpu.memory_space<hbm>> -> memref<16x2048xf32, #tpu.memory_space<hbm>>
    %dma_wait3A_378 = arith.constant 0 : i32
    %dma_wait3A_379 = tpu.memref_slice %arg5[%add3A_370, %dma_wait3A_378] : memref<16384x2048xf32, #tpu.memory_space<hbm>> -> memref<16x2048xf32, #tpu.memory_space<hbm>>
    %dma_wait3A_380 = arith.constant 0 : i32
    %dma_wait3A_381 = arith.constant 0 : i32
    %dma_wait3A_382 = tpu.memref_slice %arg7[%dma_wait3A_371, %dma_wait3A_380, %dma_wait3A_381] : memref<3x16x2048xf32, #tpu.memory_space<vmem>> -> memref<1x16x2048xf32, #tpu.memory_space<vmem>>
    %dma_wait3A_383 = tpu.memref_squeeze %dma_wait3A_382 : memref<1x16x2048xf32, #tpu.memory_space<vmem>> -> memref<16x2048xf32, #tpu.memory_space<vmem>>
    tpu.wait_dma2 semaphore(%arg12 : memref<!tpu.dma_semaphore, #tpu.memory_space<semaphore_mem>>) src(%dma_wait3A_383 : memref<16x2048xf32, #tpu.memory_space<vmem>>) dst(%dma_wait3A_379 : memref<16x2048xf32, #tpu.memory_space<hbm>>)
    %add3A_384 = arith.constant 480 : i32
    %add3A_385 = arith.addi %mul3A_2, %add3A_384 : i32
    %dma_start3A_386 = arith.constant 0 : i32
    %dma_start3A_387 = arith.constant 0 : i32
    %dma_start3A_388 = arith.constant 0 : i32
    %dma_start3A_389 = tpu.memref_slice %arg7[%dma_start3A_386, %dma_start3A_387, %dma_start3A_388] : memref<3x16x2048xf32, #tpu.memory_space<vmem>> -> memref<1x16x2048xf32, #tpu.memory_space<vmem>>
    %dma_start3A_390 = tpu.memref_squeeze %dma_start3A_389 : memref<1x16x2048xf32, #tpu.memory_space<vmem>> -> memref<16x2048xf32, #tpu.memory_space<vmem>>
    %dma_start3A_391 = arith.constant 0 : i32
    %dma_start3A_392 = tpu.memref_slice %arg2[%add3A_385, %dma_start3A_391] : memref<16384x2048xf32, #tpu.memory_space<hbm>> -> memref<16x2048xf32, #tpu.memory_space<hbm>>
    %dma_start3A_393 = arith.constant 0 : i32
    %dma_start3A_394 = arith.constant 0 : i32
    %dma_start3A_395 = tpu.memref_slice %arg7[%dma_start3A_386, %dma_start3A_393, %dma_start3A_394] : memref<3x16x2048xf32, #tpu.memory_space<vmem>> -> memref<1x16x2048xf32, #tpu.memory_space<vmem>>
    %dma_start3A_396 = tpu.memref_squeeze %dma_start3A_395 : memref<1x16x2048xf32, #tpu.memory_space<vmem>> -> memref<16x2048xf32, #tpu.memory_space<vmem>>
    %dma_start3A_397 = arith.constant 0 : i32
    %dma_start3A_398 = tpu.memref_slice %arg2[%add3A_385, %dma_start3A_397] : memref<16384x2048xf32, #tpu.memory_space<hbm>> -> memref<16x2048xf32, #tpu.memory_space<hbm>>
    tpu.enqueue_dma source(%dma_start3A_398 : memref<16x2048xf32, #tpu.memory_space<hbm>>) target(%dma_start3A_396 : memref<16x2048xf32, #tpu.memory_space<vmem>>) target_semaphore(%arg9 : memref<!tpu.dma_semaphore, #tpu.memory_space<semaphore_mem>>)
    %add3A_399 = arith.addi %scan3A_258, %min3A_333 : i32
    %add3A_400 = arith.constant 464 : i32
    %add3A_401 = arith.addi %mul3A_2, %add3A_400 : i32
    %add3A_402 = arith.constant 464 : i32
    %add3A_403 = arith.addi %mul3A_2, %add3A_402 : i32
    %dma_wait3A_404 = arith.constant 2 : i32
    %dma_wait3A_405 = arith.constant 0 : i32
    %dma_wait3A_406 = arith.constant 0 : i32
    %dma_wait3A_407 = tpu.memref_slice %arg7[%dma_wait3A_404, %dma_wait3A_405, %dma_wait3A_406] : memref<3x16x2048xf32, #tpu.memory_space<vmem>> -> memref<1x16x2048xf32, #tpu.memory_space<vmem>>
    %dma_wait3A_408 = tpu.memref_squeeze %dma_wait3A_407 : memref<1x16x2048xf32, #tpu.memory_space<vmem>> -> memref<16x2048xf32, #tpu.memory_space<vmem>>
    %dma_wait3A_409 = arith.constant 0 : i32
    %dma_wait3A_410 = tpu.memref_slice %arg2[%add3A_403, %dma_wait3A_409] : memref<16384x2048xf32, #tpu.memory_space<hbm>> -> memref<16x2048xf32, #tpu.memory_space<hbm>>
    %dma_wait3A_411 = arith.constant 0 : i32
    %dma_wait3A_412 = arith.constant 0 : i32
    %dma_wait3A_413 = tpu.memref_slice %arg7[%dma_wait3A_404, %dma_wait3A_411, %dma_wait3A_412] : memref<3x16x2048xf32, #tpu.memory_space<vmem>> -> memref<1x16x2048xf32, #tpu.memory_space<vmem>>
    %dma_wait3A_414 = tpu.memref_squeeze %dma_wait3A_413 : memref<1x16x2048xf32, #tpu.memory_space<vmem>> -> memref<16x2048xf32, #tpu.memory_space<vmem>>
    %dma_wait3A_415 = arith.constant 0 : i32
    %dma_wait3A_416 = tpu.memref_slice %arg2[%add3A_403, %dma_wait3A_415] : memref<16384x2048xf32, #tpu.memory_space<hbm>> -> memref<16x2048xf32, #tpu.memory_space<hbm>>
    tpu.wait_dma2 semaphore(%arg11 : memref<!tpu.dma_semaphore, #tpu.memory_space<semaphore_mem>>) src(%dma_wait3A_416 : memref<16x2048xf32, #tpu.memory_space<hbm>>) dst(%dma_wait3A_414 : memref<16x2048xf32, #tpu.memory_space<vmem>>)
    %get3A_417 = arith.index_cast %add3A_399 : i32 to index
    %get3A_418 = tpu.vector_load %arg6[%get3A_417] {strides = array<i32>} : memref<2064xi32, #tpu.memory_space<vmem>>, vector<16xi32>,
    %get3A_419 = vector.shape_cast %get3A_418 : vector<16xi32> to vector<16xi32>
    %add3A_420 = arith.constant 16 : i32
    %add3A_421 = arith.addi %add3A_401, %add3A_420 : i32
    %broadcast_in_dim3A_422 = vector.broadcast %add3A_421 : i32 to vector<16xi32>
    %lt3A_423 = arith.cmpi slt, %get3A_419, %broadcast_in_dim3A_422 : vector<16xi32>
    %select_n3A_424 = arith.select %lt3A_423, %broadcast_in_dim3A_51, %broadcast_in_dim3A_53 : vector<16xi1>, vector<16xi32>
    %slice3A_425 = vector.extract_strided_slice %select_n3A_424 {offsets = [0], sizes = [1], strides = [1]} : vector<16xi32> to vector<1xi32>
    %squeeze3A_426 = vector.extract %slice3A_425[0] : i32 from vector<1xi32>
    %slice3A_427 = vector.extract_strided_slice %select_n3A_424 {offsets = [1], sizes = [1], strides = [1]} : vector<16xi32> to vector<1xi32>
    %squeeze3A_428 = vector.extract %slice3A_427[0] : i32 from vector<1xi32>
    %add3A_429 = arith.addi %squeeze3A_426, %squeeze3A_428 : i32
    %slice3A_430 = vector.extract_strided_slice %select_n3A_424 {offsets = [2], sizes = [1], strides = [1]} : vector<16xi32> to vector<1xi32>
    %squeeze3A_431 = vector.extract %slice3A_430[0] : i32 from vector<1xi32>
    %add3A_432 = arith.addi %add3A_429, %squeeze3A_431 : i32
    %slice3A_433 = vector.extract_strided_slice %select_n3A_424 {offsets = [3], sizes = [1], strides = [1]} : vector<16xi32> to vector<1xi32>
    %squeeze3A_434 = vector.extract %slice3A_433[0] : i32 from vector<1xi32>
    %add3A_435 = arith.addi %add3A_432, %squeeze3A_434 : i32
    %slice3A_436 = vector.extract_strided_slice %select_n3A_424 {offsets = [4], sizes = [1], strides = [1]} : vector<16xi32> to vector<1xi32>
    %squeeze3A_437 = vector.extract %slice3A_436[0] : i32 from vector<1xi32>
    %add3A_438 = arith.addi %add3A_435, %squeeze3A_437 : i32
    %slice3A_439 = vector.extract_strided_slice %select_n3A_424 {offsets = [5], sizes = [1], strides = [1]} : vector<16xi32> to vector<1xi32>
    %squeeze3A_440 = vector.extract %slice3A_439[0] : i32 from vector<1xi32>
    %add3A_441 = arith.addi %add3A_438, %squeeze3A_440 : i32
    %slice3A_442 = vector.extract_strided_slice %select_n3A_424 {offsets = [6], sizes = [1], strides = [1]} : vector<16xi32> to vector<1xi32>
    %squeeze3A_443 = vector.extract %slice3A_442[0] : i32 from vector<1xi32>
    %add3A_444 = arith.addi %add3A_441, %squeeze3A_443 : i32
    %slice3A_445 = vector.extract_strided_slice %select_n3A_424 {offsets = [7], sizes = [1], strides = [1]} : vector<16xi32> to vector<1xi32>
    %squeeze3A_446 = vector.extract %slice3A_445[0] : i32 from vector<1xi32>
    %add3A_447 = arith.addi %add3A_444, %squeeze3A_446 : i32
    %slice3A_448 = vector.extract_strided_slice %select_n3A_424 {offsets = [8], sizes = [1], strides = [1]} : vector<16xi32> to vector<1xi32>
    %squeeze3A_449 = vector.extract %slice3A_448[0] : i32 from vector<1xi32>
    %add3A_450 = arith.addi %add3A_447, %squeeze3A_449 : i32
    %slice3A_451 = vector.extract_strided_slice %select_n3A_424 {offsets = [9], sizes = [1], strides = [1]} : vector<16xi32> to vector<1xi32>
    %squeeze3A_452 = vector.extract %slice3A_451[0] : i32 from vector<1xi32>
    %add3A_453 = arith.addi %add3A_450, %squeeze3A_452 : i32
    %slice3A_454 = vector.extract_strided_slice %select_n3A_424 {offsets = [10], sizes = [1], strides = [1]} : vector<16xi32> to vector<1xi32>
    %squeeze3A_455 = vector.extract %slice3A_454[0] : i32 from vector<1xi32>
    %add3A_456 = arith.addi %add3A_453, %squeeze3A_455 : i32
    %slice3A_457 = vector.extract_strided_slice %select_n3A_424 {offsets = [11], sizes = [1], strides = [1]} : vector<16xi32> to vector<1xi32>
    %squeeze3A_458 = vector.extract %slice3A_457[0] : i32 from vector<1xi32>
    %add3A_459 = arith.addi %add3A_456, %squeeze3A_458 : i32
    %slice3A_460 = vector.extract_strided_slice %select_n3A_424 {offsets = [12], sizes = [1], strides = [1]} : vector<16xi32> to vector<1xi32>
    %squeeze3A_461 = vector.extract %slice3A_460[0] : i32 from vector<1xi32>
    %add3A_462 = arith.addi %add3A_459, %squeeze3A_461 : i32
    %slice3A_463 = vector.extract_strided_slice %select_n3A_424 {offsets = [13], sizes = [1], strides = [1]} : vector<16xi32> to vector<1xi32>
    %squeeze3A_464 = vector.extract %slice3A_463[0] : i32 from vector<1xi32>
    %add3A_465 = arith.addi %add3A_462, %squeeze3A_464 : i32
    %slice3A_466 = vector.extract_strided_slice %select_n3A_424 {offsets = [14], sizes = [1], strides = [1]} : vector<16xi32> to vector<1xi32>
    %squeeze3A_467 = vector.extract %slice3A_466[0] : i32 from vector<1xi32>
    %add3A_468 = arith.addi %add3A_465, %squeeze3A_467 : i32
    %slice3A_469 = vector.extract_strided_slice %select_n3A_424 {offsets = [15], sizes = [1], strides = [1]} : vector<16xi32> to vector<1xi32>
    %squeeze3A_470 = vector.extract %slice3A_469[0] : i32 from vector<1xi32>
    %add3A_471 = arith.addi %add3A_468, %squeeze3A_470 : i32
    %sub3A_472 = arith.subi %add3A_150, %add3A_399 : i32
    %min3A_473 = arith.minsi %add3A_471, %sub3A_472 : i32
    %while3A_474 = arith.constant 0 : i32
    %while3A_475 = arith.constant 0 : i32
    %while3A_476 = arith.subi %min3A_473, %while3A_475 : i32
    %while3A_477 = arith.addi %while3A_475, %while3A_476 : i32
    %while3A_478 = arith.constant 1 : i32
    %while3A_479 = arith.divsi %while3A_476, %while3A_478 : i32
    %while3A_480 = arith.muli %while3A_479, %while3A_478 : i32
    %while3A_481 = arith.addi %while3A_475, %while3A_480 : i32
    %while3A_482 = arith.constant 1 : i32
    scf.for %while3A_805 = %while3A_475 to %while3A_481 step %while3A_482  : i32 {
      %add3A_806 = arith.addi %add3A_399, %while3A_805 : i32
      %get3A_807 = arith.index_cast %add3A_806 : i32 to index
      %get3A_808 = tpu.vector_load %arg6[%get3A_807] {strides = array<i32>} : memref<2064xi32, #tpu.memory_space<vmem>>, vector<16xi32>,
      %get3A_809 = vector.shape_cast %get3A_808 : vector<16xi32> to vector<16xi32>
      %slice3A_810 = vector.extract_strided_slice %get3A_809 {offsets = [0], sizes = [1], strides = [1]} : vector<16xi32> to vector<1xi32>
      %squeeze3A_811 = vector.extract %slice3A_810[0] : i32 from vector<1xi32>
      %sub3A_812 = arith.subi %squeeze3A_811, %add3A_401 : i32
      %add3A_813 = arith.addi %add3A_399, %while3A_805 : i32
      %dma_start3A_814 = arith.constant 2 : i32
      %dma_start3A_815 = arith.constant 0 : i32
      %dma_start3A_816 = arith.constant 0 : i32
      %dma_start3A_817 = tpu.memref_slice %arg7[%dma_start3A_814, %dma_start3A_815, %dma_start3A_816] : memref<3x16x2048xf32, #tpu.memory_space<vmem>> -> memref<1x16x2048xf32, #tpu.memory_space<vmem>>
      %dma_start3A_818 = tpu.memref_squeeze %dma_start3A_817 : memref<1x16x2048xf32, #tpu.memory_space<vmem>> -> memref<16x2048xf32, #tpu.memory_space<vmem>>
      %dma_start3A_819 = arith.constant 0 : i32
      %dma_start3A_820 = tpu.memref_slice %dma_start3A_818[%sub3A_812, %dma_start3A_819] : memref<16x2048xf32, #tpu.memory_space<vmem>> -> memref<1x2048xf32, #tpu.memory_space<vmem>>
      %dma_start3A_821 = arith.constant 0 : i32
      %dma_start3A_822 = tpu.memref_slice %arg3[%add3A_813, %dma_start3A_821] : memref<2048x2048xf32, #tpu.memory_space<hbm>> -> memref<1x2048xf32, #tpu.memory_space<hbm>>
      %dma_start3A_823 = arith.constant 0 : i32
      %dma_start3A_824 = arith.constant 0 : i32
      %dma_start3A_825 = tpu.memref_slice %arg7[%dma_start3A_814, %dma_start3A_823, %dma_start3A_824] : memref<3x16x2048xf32, #tpu.memory_space<vmem>> -> memref<1x16x2048xf32, #tpu.memory_space<vmem>>
      %dma_start3A_826 = tpu.memref_squeeze %dma_start3A_825 : memref<1x16x2048xf32, #tpu.memory_space<vmem>> -> memref<16x2048xf32, #tpu.memory_space<vmem>>
      %dma_start3A_827 = arith.constant 0 : i32
      %dma_start3A_828 = tpu.memref_slice %dma_start3A_826[%sub3A_812, %dma_start3A_827] : memref<16x2048xf32, #tpu.memory_space<vmem>> -> memref<1x2048xf32, #tpu.memory_space<vmem>>
      %dma_start3A_829 = arith.constant 0 : i32
      %dma_start3A_830 = tpu.memref_slice %arg3[%add3A_813, %dma_start3A_829] : memref<2048x2048xf32, #tpu.memory_space<hbm>> -> memref<1x2048xf32, #tpu.memory_space<hbm>>
      tpu.enqueue_dma source(%dma_start3A_830 : memref<1x2048xf32, #tpu.memory_space<hbm>>) target(%dma_start3A_828 : memref<1x2048xf32, #tpu.memory_space<vmem>>) target_semaphore(%arg15 : memref<!tpu.dma_semaphore, #tpu.memory_space<semaphore_mem>>)
    }
    %while3A_483 = arith.constant 1 : i32
    scf.for %while3A_805 = %while3A_481 to %while3A_477 step %while3A_483  : i32 {
      %add3A_806 = arith.addi %add3A_399, %while3A_805 : i32
      %get3A_807 = arith.index_cast %add3A_806 : i32 to index
      %get3A_808 = tpu.vector_load %arg6[%get3A_807] {strides = array<i32>} : memref<2064xi32, #tpu.memory_space<vmem>>, vector<16xi32>,
      %get3A_809 = vector.shape_cast %get3A_808 : vector<16xi32> to vector<16xi32>
      %slice3A_810 = vector.extract_strided_slice %get3A_809 {offsets = [0], sizes = [1], strides = [1]} : vector<16xi32> to vector<1xi32>
      %squeeze3A_811 = vector.extract %slice3A_810[0] : i32 from vector<1xi32>
      %sub3A_812 = arith.subi %squeeze3A_811, %add3A_401 : i32
      %add3A_813 = arith.addi %add3A_399, %while3A_805 : i32
      %dma_start3A_814 = arith.constant 2 : i32
      %dma_start3A_815 = arith.constant 0 : i32
      %dma_start3A_816 = arith.constant 0 : i32
      %dma_start3A_817 = tpu.memref_slice %arg7[%dma_start3A_814, %dma_start3A_815, %dma_start3A_816] : memref<3x16x2048xf32, #tpu.memory_space<vmem>> -> memref<1x16x2048xf32, #tpu.memory_space<vmem>>
      %dma_start3A_818 = tpu.memref_squeeze %dma_start3A_817 : memref<1x16x2048xf32, #tpu.memory_space<vmem>> -> memref<16x2048xf32, #tpu.memory_space<vmem>>
      %dma_start3A_819 = arith.constant 0 : i32
      %dma_start3A_820 = tpu.memref_slice %dma_start3A_818[%sub3A_812, %dma_start3A_819] : memref<16x2048xf32, #tpu.memory_space<vmem>> -> memref<1x2048xf32, #tpu.memory_space<vmem>>
      %dma_start3A_821 = arith.constant 0 : i32
      %dma_start3A_822 = tpu.memref_slice %arg3[%add3A_813, %dma_start3A_821] : memref<2048x2048xf32, #tpu.memory_space<hbm>> -> memref<1x2048xf32, #tpu.memory_space<hbm>>
      %dma_start3A_823 = arith.constant 0 : i32
      %dma_start3A_824 = arith.constant 0 : i32
      %dma_start3A_825 = tpu.memref_slice %arg7[%dma_start3A_814, %dma_start3A_823, %dma_start3A_824] : memref<3x16x2048xf32, #tpu.memory_space<vmem>> -> memref<1x16x2048xf32, #tpu.memory_space<vmem>>
      %dma_start3A_826 = tpu.memref_squeeze %dma_start3A_825 : memref<1x16x2048xf32, #tpu.memory_space<vmem>> -> memref<16x2048xf32, #tpu.memory_space<vmem>>
      %dma_start3A_827 = arith.constant 0 : i32
      %dma_start3A_828 = tpu.memref_slice %dma_start3A_826[%sub3A_812, %dma_start3A_827] : memref<16x2048xf32, #tpu.memory_space<vmem>> -> memref<1x2048xf32, #tpu.memory_space<vmem>>
      %dma_start3A_829 = arith.constant 0 : i32
      %dma_start3A_830 = tpu.memref_slice %arg3[%add3A_813, %dma_start3A_829] : memref<2048x2048xf32, #tpu.memory_space<hbm>> -> memref<1x2048xf32, #tpu.memory_space<hbm>>
      tpu.enqueue_dma source(%dma_start3A_830 : memref<1x2048xf32, #tpu.memory_space<hbm>>) target(%dma_start3A_828 : memref<1x2048xf32, #tpu.memory_space<vmem>>) target_semaphore(%arg15 : memref<!tpu.dma_semaphore, #tpu.memory_space<semaphore_mem>>)
    }
    %while3A_484 = arith.constant 0 : i32
    %while3A_485 = arith.constant 0 : i32
    %while3A_486 = arith.subi %min3A_473, %while3A_485 : i32
    %while3A_487 = arith.addi %while3A_485, %while3A_486 : i32
    %while3A_488 = arith.constant 1 : i32
    %while3A_489 = arith.divsi %while3A_486, %while3A_488 : i32
    %while3A_490 = arith.muli %while3A_489, %while3A_488 : i32
    %while3A_491 = arith.addi %while3A_485, %while3A_490 : i32
    %while3A_492 = arith.constant 1 : i32
    scf.for %while3A_805 = %while3A_485 to %while3A_491 step %while3A_492  : i32 {
      %dma_wait3A_806 = arith.constant 0 : i32
      %dma_wait3A_807 = arith.constant 0 : i32
      %dma_wait3A_808 = tpu.memref_slice %arg3[%dma_wait3A_806, %dma_wait3A_807] : memref<2048x2048xf32, #tpu.memory_space<hbm>> -> memref<1x2048xf32, #tpu.memory_space<hbm>>
      %dma_wait3A_809 = arith.constant 0 : i32
      %dma_wait3A_810 = arith.constant 0 : i32
      %dma_wait3A_811 = tpu.memref_slice %arg3[%dma_wait3A_809, %dma_wait3A_810] : memref<2048x2048xf32, #tpu.memory_space<hbm>> -> memref<1x2048xf32, #tpu.memory_space<hbm>>
      tpu.wait_dma2 semaphore(%arg15 : memref<!tpu.dma_semaphore, #tpu.memory_space<semaphore_mem>>) src(%dma_wait3A_811 : memref<1x2048xf32, #tpu.memory_space<hbm>>) dst(%arg8 : memref<1x2048xf32, #tpu.memory_space<vmem>>)
    }
    %while3A_493 = arith.constant 1 : i32
    scf.for %while3A_805 = %while3A_491 to %while3A_487 step %while3A_493  : i32 {
      %dma_wait3A_806 = arith.constant 0 : i32
      %dma_wait3A_807 = arith.constant 0 : i32
      %dma_wait3A_808 = tpu.memref_slice %arg3[%dma_wait3A_806, %dma_wait3A_807] : memref<2048x2048xf32, #tpu.memory_space<hbm>> -> memref<1x2048xf32, #tpu.memory_space<hbm>>
      %dma_wait3A_809 = arith.constant 0 : i32
      %dma_wait3A_810 = arith.constant 0 : i32
      %dma_wait3A_811 = tpu.memref_slice %arg3[%dma_wait3A_809, %dma_wait3A_810] : memref<2048x2048xf32, #tpu.memory_space<hbm>> -> memref<1x2048xf32, #tpu.memory_space<hbm>>
      tpu.wait_dma2 semaphore(%arg15 : memref<!tpu.dma_semaphore, #tpu.memory_space<semaphore_mem>>) src(%dma_wait3A_811 : memref<1x2048xf32, #tpu.memory_space<hbm>>) dst(%arg8 : memref<1x2048xf32, #tpu.memory_space<vmem>>)
    }
    %add3A_494 = arith.constant 464 : i32
    %add3A_495 = arith.addi %mul3A_2, %add3A_494 : i32
    %dma_start3A_496 = arith.constant 2 : i32
    %dma_start3A_497 = arith.constant 0 : i32
    %dma_start3A_498 = arith.constant 0 : i32
    %dma_start3A_499 = tpu.memref_slice %arg7[%dma_start3A_496, %dma_start3A_497, %dma_start3A_498] : memref<3x16x2048xf32, #tpu.memory_space<vmem>> -> memref<1x16x2048xf32, #tpu.memory_space<vmem>>
    %dma_start3A_500 = tpu.memref_squeeze %dma_start3A_499 : memref<1x16x2048xf32, #tpu.memory_space<vmem>> -> memref<16x2048xf32, #tpu.memory_space<vmem>>
    %dma_start3A_501 = arith.constant 0 : i32
    %dma_start3A_502 = tpu.memref_slice %arg5[%add3A_495, %dma_start3A_501] : memref<16384x2048xf32, #tpu.memory_space<hbm>> -> memref<16x2048xf32, #tpu.memory_space<hbm>>
    %dma_start3A_503 = arith.constant 0 : i32
    %dma_start3A_504 = tpu.memref_slice %arg5[%add3A_495, %dma_start3A_503] : memref<16384x2048xf32, #tpu.memory_space<hbm>> -> memref<16x2048xf32, #tpu.memory_space<hbm>>
    %dma_start3A_505 = arith.constant 0 : i32
    %dma_start3A_506 = arith.constant 0 : i32
    %dma_start3A_507 = tpu.memref_slice %arg7[%dma_start3A_496, %dma_start3A_505, %dma_start3A_506] : memref<3x16x2048xf32, #tpu.memory_space<vmem>> -> memref<1x16x2048xf32, #tpu.memory_space<vmem>>
    %dma_start3A_508 = tpu.memref_squeeze %dma_start3A_507 : memref<1x16x2048xf32, #tpu.memory_space<vmem>> -> memref<16x2048xf32, #tpu.memory_space<vmem>>
    tpu.enqueue_dma source(%dma_start3A_508 : memref<16x2048xf32, #tpu.memory_space<vmem>>) target(%dma_start3A_504 : memref<16x2048xf32, #tpu.memory_space<hbm>>) target_semaphore(%arg14 : memref<!tpu.dma_semaphore, #tpu.memory_space<semaphore_mem>>)
    %add3A_509 = arith.constant 448 : i32
    %add3A_510 = arith.addi %mul3A_2, %add3A_509 : i32
    %dma_wait3A_511 = arith.constant 1 : i32
    %dma_wait3A_512 = arith.constant 0 : i32
    %dma_wait3A_513 = arith.constant 0 : i32
    %dma_wait3A_514 = tpu.memref_slice %arg7[%dma_wait3A_511, %dma_wait3A_512, %dma_wait3A_513] : memref<3x16x2048xf32, #tpu.memory_space<vmem>> -> memref<1x16x2048xf32, #tpu.memory_space<vmem>>
    %dma_wait3A_515 = tpu.memref_squeeze %dma_wait3A_514 : memref<1x16x2048xf32, #tpu.memory_space<vmem>> -> memref<16x2048xf32, #tpu.memory_space<vmem>>
    %dma_wait3A_516 = arith.constant 0 : i32
    %dma_wait3A_517 = tpu.memref_slice %arg5[%add3A_510, %dma_wait3A_516] : memref<16384x2048xf32, #tpu.memory_space<hbm>> -> memref<16x2048xf32, #tpu.memory_space<hbm>>
    %dma_wait3A_518 = arith.constant 0 : i32
    %dma_wait3A_519 = tpu.memref_slice %arg5[%add3A_510, %dma_wait3A_518] : memref<16384x2048xf32, #tpu.memory_space<hbm>> -> memref<16x2048xf32, #tpu.memory_space<hbm>>
    %dma_wait3A_520 = arith.constant 0 : i32
    %dma_wait3A_521 = arith.constant 0 : i32
    %dma_wait3A_522 = tpu.memref_slice %arg7[%dma_wait3A_511, %dma_wait3A_520, %dma_wait3A_521] : memref<3x16x2048xf32, #tpu.memory_space<vmem>> -> memref<1x16x2048xf32, #tpu.memory_space<vmem>>
    %dma_wait3A_523 = tpu.memref_squeeze %dma_wait3A_522 : memref<1x16x2048xf32, #tpu.memory_space<vmem>> -> memref<16x2048xf32, #tpu.memory_space<vmem>>
    tpu.wait_dma2 semaphore(%arg13 : memref<!tpu.dma_semaphore, #tpu.memory_space<semaphore_mem>>) src(%dma_wait3A_523 : memref<16x2048xf32, #tpu.memory_space<vmem>>) dst(%dma_wait3A_519 : memref<16x2048xf32, #tpu.memory_space<hbm>>)
    %add3A_524 = arith.constant 496 : i32
    %add3A_525 = arith.addi %mul3A_2, %add3A_524 : i32
    %dma_start3A_526 = arith.constant 1 : i32
    %dma_start3A_527 = arith.constant 0 : i32
    %dma_start3A_528 = arith.constant 0 : i32
    %dma_start3A_529 = tpu.memref_slice %arg7[%dma_start3A_526, %dma_start3A_527, %dma_start3A_528] : memref<3x16x2048xf32, #tpu.memory_space<vmem>> -> memref<1x16x2048xf32, #tpu.memory_space<vmem>>
    %dma_start3A_530 = tpu.memref_squeeze %dma_start3A_529 : memref<1x16x2048xf32, #tpu.memory_space<vmem>> -> memref<16x2048xf32, #tpu.memory_space<vmem>>
    %dma_start3A_531 = arith.constant 0 : i32
    %dma_start3A_532 = tpu.memref_slice %arg2[%add3A_525, %dma_start3A_531] : memref<16384x2048xf32, #tpu.memory_space<hbm>> -> memref<16x2048xf32, #tpu.memory_space<hbm>>
    %dma_start3A_533 = arith.constant 0 : i32
    %dma_start3A_534 = arith.constant 0 : i32
    %dma_start3A_535 = tpu.memref_slice %arg7[%dma_start3A_526, %dma_start3A_533, %dma_start3A_534] : memref<3x16x2048xf32, #tpu.memory_space<vmem>> -> memref<1x16x2048xf32, #tpu.memory_space<vmem>>
    %dma_start3A_536 = tpu.memref_squeeze %dma_start3A_535 : memref<1x16x2048xf32, #tpu.memory_space<vmem>> -> memref<16x2048xf32, #tpu.memory_space<vmem>>
    %dma_start3A_537 = arith.constant 0 : i32
    %dma_start3A_538 = tpu.memref_slice %arg2[%add3A_525, %dma_start3A_537] : memref<16384x2048xf32, #tpu.memory_space<hbm>> -> memref<16x2048xf32, #tpu.memory_space<hbm>>
    tpu.enqueue_dma source(%dma_start3A_538 : memref<16x2048xf32, #tpu.memory_space<hbm>>) target(%dma_start3A_536 : memref<16x2048xf32, #tpu.memory_space<vmem>>) target_semaphore(%arg10 : memref<!tpu.dma_semaphore, #tpu.memory_space<semaphore_mem>>)
    %add3A_539 = arith.addi %add3A_399, %min3A_473 : i32
    %add3A_540 = arith.constant 480 : i32
    %add3A_541 = arith.addi %mul3A_2, %add3A_540 : i32
    %add3A_542 = arith.constant 480 : i32
    %add3A_543 = arith.addi %mul3A_2, %add3A_542 : i32
    %dma_wait3A_544 = arith.constant 0 : i32
    %dma_wait3A_545 = arith.constant 0 : i32
    %dma_wait3A_546 = arith.constant 0 : i32
    %dma_wait3A_547 = tpu.memref_slice %arg7[%dma_wait3A_544, %dma_wait3A_545, %dma_wait3A_546] : memref<3x16x2048xf32, #tpu.memory_space<vmem>> -> memref<1x16x2048xf32, #tpu.memory_space<vmem>>
    %dma_wait3A_548 = tpu.memref_squeeze %dma_wait3A_547 : memref<1x16x2048xf32, #tpu.memory_space<vmem>> -> memref<16x2048xf32, #tpu.memory_space<vmem>>
    %dma_wait3A_549 = arith.constant 0 : i32
    %dma_wait3A_550 = tpu.memref_slice %arg2[%add3A_543, %dma_wait3A_549] : memref<16384x2048xf32, #tpu.memory_space<hbm>> -> memref<16x2048xf32, #tpu.memory_space<hbm>>
    %dma_wait3A_551 = arith.constant 0 : i32
    %dma_wait3A_552 = arith.constant 0 : i32
    %dma_wait3A_553 = tpu.memref_slice %arg7[%dma_wait3A_544, %dma_wait3A_551, %dma_wait3A_552] : memref<3x16x2048xf32, #tpu.memory_space<vmem>> -> memref<1x16x2048xf32, #tpu.memory_space<vmem>>
    %dma_wait3A_554 = tpu.memref_squeeze %dma_wait3A_553 : memref<1x16x2048xf32, #tpu.memory_space<vmem>> -> memref<16x2048xf32, #tpu.memory_space<vmem>>
    %dma_wait3A_555 = arith.constant 0 : i32
    %dma_wait3A_556 = tpu.memref_slice %arg2[%add3A_543, %dma_wait3A_555] : memref<16384x2048xf32, #tpu.memory_space<hbm>> -> memref<16x2048xf32, #tpu.memory_space<hbm>>
    tpu.wait_dma2 semaphore(%arg9 : memref<!tpu.dma_semaphore, #tpu.memory_space<semaphore_mem>>) src(%dma_wait3A_556 : memref<16x2048xf32, #tpu.memory_space<hbm>>) dst(%dma_wait3A_554 : memref<16x2048xf32, #tpu.memory_space<vmem>>)
    %get3A_557 = arith.index_cast %add3A_539 : i32 to index
    %get3A_558 = tpu.vector_load %arg6[%get3A_557] {strides = array<i32>} : memref<2064xi32, #tpu.memory_space<vmem>>, vector<16xi32>,
    %get3A_559 = vector.shape_cast %get3A_558 : vector<16xi32> to vector<16xi32>
    %add3A_560 = arith.constant 16 : i32
    %add3A_561 = arith.addi %add3A_541, %add3A_560 : i32
    %broadcast_in_dim3A_562 = vector.broadcast %add3A_561 : i32 to vector<16xi32>
    %lt3A_563 = arith.cmpi slt, %get3A_559, %broadcast_in_dim3A_562 : vector<16xi32>
    %select_n3A_564 = arith.select %lt3A_563, %broadcast_in_dim3A_51, %broadcast_in_dim3A_53 : vector<16xi1>, vector<16xi32>
    %slice3A_565 = vector.extract_strided_slice %select_n3A_564 {offsets = [0], sizes = [1], strides = [1]} : vector<16xi32> to vector<1xi32>
    %squeeze3A_566 = vector.extract %slice3A_565[0] : i32 from vector<1xi32>
    %slice3A_567 = vector.extract_strided_slice %select_n3A_564 {offsets = [1], sizes = [1], strides = [1]} : vector<16xi32> to vector<1xi32>
    %squeeze3A_568 = vector.extract %slice3A_567[0] : i32 from vector<1xi32>
    %add3A_569 = arith.addi %squeeze3A_566, %squeeze3A_568 : i32
    %slice3A_570 = vector.extract_strided_slice %select_n3A_564 {offsets = [2], sizes = [1], strides = [1]} : vector<16xi32> to vector<1xi32>
    %squeeze3A_571 = vector.extract %slice3A_570[0] : i32 from vector<1xi32>
    %add3A_572 = arith.addi %add3A_569, %squeeze3A_571 : i32
    %slice3A_573 = vector.extract_strided_slice %select_n3A_564 {offsets = [3], sizes = [1], strides = [1]} : vector<16xi32> to vector<1xi32>
    %squeeze3A_574 = vector.extract %slice3A_573[0] : i32 from vector<1xi32>
    %add3A_575 = arith.addi %add3A_572, %squeeze3A_574 : i32
    %slice3A_576 = vector.extract_strided_slice %select_n3A_564 {offsets = [4], sizes = [1], strides = [1]} : vector<16xi32> to vector<1xi32>
    %squeeze3A_577 = vector.extract %slice3A_576[0] : i32 from vector<1xi32>
    %add3A_578 = arith.addi %add3A_575, %squeeze3A_577 : i32
    %slice3A_579 = vector.extract_strided_slice %select_n3A_564 {offsets = [5], sizes = [1], strides = [1]} : vector<16xi32> to vector<1xi32>
    %squeeze3A_580 = vector.extract %slice3A_579[0] : i32 from vector<1xi32>
    %add3A_581 = arith.addi %add3A_578, %squeeze3A_580 : i32
    %slice3A_582 = vector.extract_strided_slice %select_n3A_564 {offsets = [6], sizes = [1], strides = [1]} : vector<16xi32> to vector<1xi32>
    %squeeze3A_583 = vector.extract %slice3A_582[0] : i32 from vector<1xi32>
    %add3A_584 = arith.addi %add3A_581, %squeeze3A_583 : i32
    %slice3A_585 = vector.extract_strided_slice %select_n3A_564 {offsets = [7], sizes = [1], strides = [1]} : vector<16xi32> to vector<1xi32>
    %squeeze3A_586 = vector.extract %slice3A_585[0] : i32 from vector<1xi32>
    %add3A_587 = arith.addi %add3A_584, %squeeze3A_586 : i32
    %slice3A_588 = vector.extract_strided_slice %select_n3A_564 {offsets = [8], sizes = [1], strides = [1]} : vector<16xi32> to vector<1xi32>
    %squeeze3A_589 = vector.extract %slice3A_588[0] : i32 from vector<1xi32>
    %add3A_590 = arith.addi %add3A_587, %squeeze3A_589 : i32
    %slice3A_591 = vector.extract_strided_slice %select_n3A_564 {offsets = [9], sizes = [1], strides = [1]} : vector<16xi32> to vector<1xi32>
    %squeeze3A_592 = vector.extract %slice3A_591[0] : i32 from vector<1xi32>
    %add3A_593 = arith.addi %add3A_590, %squeeze3A_592 : i32
    %slice3A_594 = vector.extract_strided_slice %select_n3A_564 {offsets = [10], sizes = [1], strides = [1]} : vector<16xi32> to vector<1xi32>
    %squeeze3A_595 = vector.extract %slice3A_594[0] : i32 from vector<1xi32>
    %add3A_596 = arith.addi %add3A_593, %squeeze3A_595 : i32
    %slice3A_597 = vector.extract_strided_slice %select_n3A_564 {offsets = [11], sizes = [1], strides = [1]} : vector<16xi32> to vector<1xi32>
    %squeeze3A_598 = vector.extract %slice3A_597[0] : i32 from vector<1xi32>
    %add3A_599 = arith.addi %add3A_596, %squeeze3A_598 : i32
    %slice3A_600 = vector.extract_strided_slice %select_n3A_564 {offsets = [12], sizes = [1], strides = [1]} : vector<16xi32> to vector<1xi32>
    %squeeze3A_601 = vector.extract %slice3A_600[0] : i32 from vector<1xi32>
    %add3A_602 = arith.addi %add3A_599, %squeeze3A_601 : i32
    %slice3A_603 = vector.extract_strided_slice %select_n3A_564 {offsets = [13], sizes = [1], strides = [1]} : vector<16xi32> to vector<1xi32>
    %squeeze3A_604 = vector.extract %slice3A_603[0] : i32 from vector<1xi32>
    %add3A_605 = arith.addi %add3A_602, %squeeze3A_604 : i32
    %slice3A_606 = vector.extract_strided_slice %select_n3A_564 {offsets = [14], sizes = [1], strides = [1]} : vector<16xi32> to vector<1xi32>
    %squeeze3A_607 = vector.extract %slice3A_606[0] : i32 from vector<1xi32>
    %add3A_608 = arith.addi %add3A_605, %squeeze3A_607 : i32
    %slice3A_609 = vector.extract_strided_slice %select_n3A_564 {offsets = [15], sizes = [1], strides = [1]} : vector<16xi32> to vector<1xi32>
    %squeeze3A_610 = vector.extract %slice3A_609[0] : i32 from vector<1xi32>
    %add3A_611 = arith.addi %add3A_608, %squeeze3A_610 : i32
    %sub3A_612 = arith.subi %add3A_150, %add3A_539 : i32
    %min3A_613 = arith.minsi %add3A_611, %sub3A_612 : i32
    %while3A_614 = arith.constant 0 : i32
    %while3A_615 = arith.constant 0 : i32
    %while3A_616 = arith.subi %min3A_613, %while3A_615 : i32
    %while3A_617 = arith.addi %while3A_615, %while3A_616 : i32
    %while3A_618 = arith.constant 1 : i32
    %while3A_619 = arith.divsi %while3A_616, %while3A_618 : i32
    %while3A_620 = arith.muli %while3A_619, %while3A_618 : i32
    %while3A_621 = arith.addi %while3A_615, %while3A_620 : i32
    %while3A_622 = arith.constant 1 : i32
    scf.for %while3A_805 = %while3A_615 to %while3A_621 step %while3A_622  : i32 {
      %add3A_806 = arith.addi %add3A_539, %while3A_805 : i32
      %get3A_807 = arith.index_cast %add3A_806 : i32 to index
      %get3A_808 = tpu.vector_load %arg6[%get3A_807] {strides = array<i32>} : memref<2064xi32, #tpu.memory_space<vmem>>, vector<16xi32>,
      %get3A_809 = vector.shape_cast %get3A_808 : vector<16xi32> to vector<16xi32>
      %slice3A_810 = vector.extract_strided_slice %get3A_809 {offsets = [0], sizes = [1], strides = [1]} : vector<16xi32> to vector<1xi32>
      %squeeze3A_811 = vector.extract %slice3A_810[0] : i32 from vector<1xi32>
      %sub3A_812 = arith.subi %squeeze3A_811, %add3A_541 : i32
      %add3A_813 = arith.addi %add3A_539, %while3A_805 : i32
      %dma_start3A_814 = arith.constant 0 : i32
      %dma_start3A_815 = arith.constant 0 : i32
      %dma_start3A_816 = arith.constant 0 : i32
      %dma_start3A_817 = tpu.memref_slice %arg7[%dma_start3A_814, %dma_start3A_815, %dma_start3A_816] : memref<3x16x2048xf32, #tpu.memory_space<vmem>> -> memref<1x16x2048xf32, #tpu.memory_space<vmem>>
      %dma_start3A_818 = tpu.memref_squeeze %dma_start3A_817 : memref<1x16x2048xf32, #tpu.memory_space<vmem>> -> memref<16x2048xf32, #tpu.memory_space<vmem>>
      %dma_start3A_819 = arith.constant 0 : i32
      %dma_start3A_820 = tpu.memref_slice %dma_start3A_818[%sub3A_812, %dma_start3A_819] : memref<16x2048xf32, #tpu.memory_space<vmem>> -> memref<1x2048xf32, #tpu.memory_space<vmem>>
      %dma_start3A_821 = arith.constant 0 : i32
      %dma_start3A_822 = tpu.memref_slice %arg3[%add3A_813, %dma_start3A_821] : memref<2048x2048xf32, #tpu.memory_space<hbm>> -> memref<1x2048xf32, #tpu.memory_space<hbm>>
      %dma_start3A_823 = arith.constant 0 : i32
      %dma_start3A_824 = arith.constant 0 : i32
      %dma_start3A_825 = tpu.memref_slice %arg7[%dma_start3A_814, %dma_start3A_823, %dma_start3A_824] : memref<3x16x2048xf32, #tpu.memory_space<vmem>> -> memref<1x16x2048xf32, #tpu.memory_space<vmem>>
      %dma_start3A_826 = tpu.memref_squeeze %dma_start3A_825 : memref<1x16x2048xf32, #tpu.memory_space<vmem>> -> memref<16x2048xf32, #tpu.memory_space<vmem>>
      %dma_start3A_827 = arith.constant 0 : i32
      %dma_start3A_828 = tpu.memref_slice %dma_start3A_826[%sub3A_812, %dma_start3A_827] : memref<16x2048xf32, #tpu.memory_space<vmem>> -> memref<1x2048xf32, #tpu.memory_space<vmem>>
      %dma_start3A_829 = arith.constant 0 : i32
      %dma_start3A_830 = tpu.memref_slice %arg3[%add3A_813, %dma_start3A_829] : memref<2048x2048xf32, #tpu.memory_space<hbm>> -> memref<1x2048xf32, #tpu.memory_space<hbm>>
      tpu.enqueue_dma source(%dma_start3A_830 : memref<1x2048xf32, #tpu.memory_space<hbm>>) target(%dma_start3A_828 : memref<1x2048xf32, #tpu.memory_space<vmem>>) target_semaphore(%arg15 : memref<!tpu.dma_semaphore, #tpu.memory_space<semaphore_mem>>)
    }
    %while3A_623 = arith.constant 1 : i32
    scf.for %while3A_805 = %while3A_621 to %while3A_617 step %while3A_623  : i32 {
      %add3A_806 = arith.addi %add3A_539, %while3A_805 : i32
      %get3A_807 = arith.index_cast %add3A_806 : i32 to index
      %get3A_808 = tpu.vector_load %arg6[%get3A_807] {strides = array<i32>} : memref<2064xi32, #tpu.memory_space<vmem>>, vector<16xi32>,
      %get3A_809 = vector.shape_cast %get3A_808 : vector<16xi32> to vector<16xi32>
      %slice3A_810 = vector.extract_strided_slice %get3A_809 {offsets = [0], sizes = [1], strides = [1]} : vector<16xi32> to vector<1xi32>
      %squeeze3A_811 = vector.extract %slice3A_810[0] : i32 from vector<1xi32>
      %sub3A_812 = arith.subi %squeeze3A_811, %add3A_541 : i32
      %add3A_813 = arith.addi %add3A_539, %while3A_805 : i32
      %dma_start3A_814 = arith.constant 0 : i32
      %dma_start3A_815 = arith.constant 0 : i32
      %dma_start3A_816 = arith.constant 0 : i32
      %dma_start3A_817 = tpu.memref_slice %arg7[%dma_start3A_814, %dma_start3A_815, %dma_start3A_816] : memref<3x16x2048xf32, #tpu.memory_space<vmem>> -> memref<1x16x2048xf32, #tpu.memory_space<vmem>>
      %dma_start3A_818 = tpu.memref_squeeze %dma_start3A_817 : memref<1x16x2048xf32, #tpu.memory_space<vmem>> -> memref<16x2048xf32, #tpu.memory_space<vmem>>
      %dma_start3A_819 = arith.constant 0 : i32
      %dma_start3A_820 = tpu.memref_slice %dma_start3A_818[%sub3A_812, %dma_start3A_819] : memref<16x2048xf32, #tpu.memory_space<vmem>> -> memref<1x2048xf32, #tpu.memory_space<vmem>>
      %dma_start3A_821 = arith.constant 0 : i32
      %dma_start3A_822 = tpu.memref_slice %arg3[%add3A_813, %dma_start3A_821] : memref<2048x2048xf32, #tpu.memory_space<hbm>> -> memref<1x2048xf32, #tpu.memory_space<hbm>>
      %dma_start3A_823 = arith.constant 0 : i32
      %dma_start3A_824 = arith.constant 0 : i32
      %dma_start3A_825 = tpu.memref_slice %arg7[%dma_start3A_814, %dma_start3A_823, %dma_start3A_824] : memref<3x16x2048xf32, #tpu.memory_space<vmem>> -> memref<1x16x2048xf32, #tpu.memory_space<vmem>>
      %dma_start3A_826 = tpu.memref_squeeze %dma_start3A_825 : memref<1x16x2048xf32, #tpu.memory_space<vmem>> -> memref<16x2048xf32, #tpu.memory_space<vmem>>
      %dma_start3A_827 = arith.constant 0 : i32
      %dma_start3A_828 = tpu.memref_slice %dma_start3A_826[%sub3A_812, %dma_start3A_827] : memref<16x2048xf32, #tpu.memory_space<vmem>> -> memref<1x2048xf32, #tpu.memory_space<vmem>>
      %dma_start3A_829 = arith.constant 0 : i32
      %dma_start3A_830 = tpu.memref_slice %arg3[%add3A_813, %dma_start3A_829] : memref<2048x2048xf32, #tpu.memory_space<hbm>> -> memref<1x2048xf32, #tpu.memory_space<hbm>>
      tpu.enqueue_dma source(%dma_start3A_830 : memref<1x2048xf32, #tpu.memory_space<hbm>>) target(%dma_start3A_828 : memref<1x2048xf32, #tpu.memory_space<vmem>>) target_semaphore(%arg15 : memref<!tpu.dma_semaphore, #tpu.memory_space<semaphore_mem>>)
    }
    %while3A_624 = arith.constant 0 : i32
    %while3A_625 = arith.constant 0 : i32
    %while3A_626 = arith.subi %min3A_613, %while3A_625 : i32
    %while3A_627 = arith.addi %while3A_625, %while3A_626 : i32
    %while3A_628 = arith.constant 1 : i32
    %while3A_629 = arith.divsi %while3A_626, %while3A_628 : i32
    %while3A_630 = arith.muli %while3A_629, %while3A_628 : i32
    %while3A_631 = arith.addi %while3A_625, %while3A_630 : i32
    %while3A_632 = arith.constant 1 : i32
    scf.for %while3A_805 = %while3A_625 to %while3A_631 step %while3A_632  : i32 {
      %dma_wait3A_806 = arith.constant 0 : i32
      %dma_wait3A_807 = arith.constant 0 : i32
      %dma_wait3A_808 = tpu.memref_slice %arg3[%dma_wait3A_806, %dma_wait3A_807] : memref<2048x2048xf32, #tpu.memory_space<hbm>> -> memref<1x2048xf32, #tpu.memory_space<hbm>>
      %dma_wait3A_809 = arith.constant 0 : i32
      %dma_wait3A_810 = arith.constant 0 : i32
      %dma_wait3A_811 = tpu.memref_slice %arg3[%dma_wait3A_809, %dma_wait3A_810] : memref<2048x2048xf32, #tpu.memory_space<hbm>> -> memref<1x2048xf32, #tpu.memory_space<hbm>>
      tpu.wait_dma2 semaphore(%arg15 : memref<!tpu.dma_semaphore, #tpu.memory_space<semaphore_mem>>) src(%dma_wait3A_811 : memref<1x2048xf32, #tpu.memory_space<hbm>>) dst(%arg8 : memref<1x2048xf32, #tpu.memory_space<vmem>>)
    }
    %while3A_633 = arith.constant 1 : i32
    scf.for %while3A_805 = %while3A_631 to %while3A_627 step %while3A_633  : i32 {
      %dma_wait3A_806 = arith.constant 0 : i32
      %dma_wait3A_807 = arith.constant 0 : i32
      %dma_wait3A_808 = tpu.memref_slice %arg3[%dma_wait3A_806, %dma_wait3A_807] : memref<2048x2048xf32, #tpu.memory_space<hbm>> -> memref<1x2048xf32, #tpu.memory_space<hbm>>
      %dma_wait3A_809 = arith.constant 0 : i32
      %dma_wait3A_810 = arith.constant 0 : i32
      %dma_wait3A_811 = tpu.memref_slice %arg3[%dma_wait3A_809, %dma_wait3A_810] : memref<2048x2048xf32, #tpu.memory_space<hbm>> -> memref<1x2048xf32, #tpu.memory_space<hbm>>
      tpu.wait_dma2 semaphore(%arg15 : memref<!tpu.dma_semaphore, #tpu.memory_space<semaphore_mem>>) src(%dma_wait3A_811 : memref<1x2048xf32, #tpu.memory_space<hbm>>) dst(%arg8 : memref<1x2048xf32, #tpu.memory_space<vmem>>)
    }
    %add3A_634 = arith.constant 480 : i32
    %add3A_635 = arith.addi %mul3A_2, %add3A_634 : i32
    %dma_start3A_636 = arith.constant 0 : i32
    %dma_start3A_637 = arith.constant 0 : i32
    %dma_start3A_638 = arith.constant 0 : i32
    %dma_start3A_639 = tpu.memref_slice %arg7[%dma_start3A_636, %dma_start3A_637, %dma_start3A_638] : memref<3x16x2048xf32, #tpu.memory_space<vmem>> -> memref<1x16x2048xf32, #tpu.memory_space<vmem>>
    %dma_start3A_640 = tpu.memref_squeeze %dma_start3A_639 : memref<1x16x2048xf32, #tpu.memory_space<vmem>> -> memref<16x2048xf32, #tpu.memory_space<vmem>>
    %dma_start3A_641 = arith.constant 0 : i32
    %dma_start3A_642 = tpu.memref_slice %arg5[%add3A_635, %dma_start3A_641] : memref<16384x2048xf32, #tpu.memory_space<hbm>> -> memref<16x2048xf32, #tpu.memory_space<hbm>>
    %dma_start3A_643 = arith.constant 0 : i32
    %dma_start3A_644 = tpu.memref_slice %arg5[%add3A_635, %dma_start3A_643] : memref<16384x2048xf32, #tpu.memory_space<hbm>> -> memref<16x2048xf32, #tpu.memory_space<hbm>>
    %dma_start3A_645 = arith.constant 0 : i32
    %dma_start3A_646 = arith.constant 0 : i32
    %dma_start3A_647 = tpu.memref_slice %arg7[%dma_start3A_636, %dma_start3A_645, %dma_start3A_646] : memref<3x16x2048xf32, #tpu.memory_space<vmem>> -> memref<1x16x2048xf32, #tpu.memory_space<vmem>>
    %dma_start3A_648 = tpu.memref_squeeze %dma_start3A_647 : memref<1x16x2048xf32, #tpu.memory_space<vmem>> -> memref<16x2048xf32, #tpu.memory_space<vmem>>
    tpu.enqueue_dma source(%dma_start3A_648 : memref<16x2048xf32, #tpu.memory_space<vmem>>) target(%dma_start3A_644 : memref<16x2048xf32, #tpu.memory_space<hbm>>) target_semaphore(%arg12 : memref<!tpu.dma_semaphore, #tpu.memory_space<semaphore_mem>>)
    %add3A_649 = arith.addi %add3A_539, %min3A_613 : i32
    %add3A_650 = arith.constant 496 : i32
    %add3A_651 = arith.addi %mul3A_2, %add3A_650 : i32
    %add3A_652 = arith.constant 496 : i32
    %add3A_653 = arith.addi %mul3A_2, %add3A_652 : i32
    %dma_wait3A_654 = arith.constant 1 : i32
    %dma_wait3A_655 = arith.constant 0 : i32
    %dma_wait3A_656 = arith.constant 0 : i32
    %dma_wait3A_657 = tpu.memref_slice %arg7[%dma_wait3A_654, %dma_wait3A_655, %dma_wait3A_656] : memref<3x16x2048xf32, #tpu.memory_space<vmem>> -> memref<1x16x2048xf32, #tpu.memory_space<vmem>>
    %dma_wait3A_658 = tpu.memref_squeeze %dma_wait3A_657 : memref<1x16x2048xf32, #tpu.memory_space<vmem>> -> memref<16x2048xf32, #tpu.memory_space<vmem>>
    %dma_wait3A_659 = arith.constant 0 : i32
    %dma_wait3A_660 = tpu.memref_slice %arg2[%add3A_653, %dma_wait3A_659] : memref<16384x2048xf32, #tpu.memory_space<hbm>> -> memref<16x2048xf32, #tpu.memory_space<hbm>>
    %dma_wait3A_661 = arith.constant 0 : i32
    %dma_wait3A_662 = arith.constant 0 : i32
    %dma_wait3A_663 = tpu.memref_slice %arg7[%dma_wait3A_654, %dma_wait3A_661, %dma_wait3A_662] : memref<3x16x2048xf32, #tpu.memory_space<vmem>> -> memref<1x16x2048xf32, #tpu.memory_space<vmem>>
    %dma_wait3A_664 = tpu.memref_squeeze %dma_wait3A_663 : memref<1x16x2048xf32, #tpu.memory_space<vmem>> -> memref<16x2048xf32, #tpu.memory_space<vmem>>
    %dma_wait3A_665 = arith.constant 0 : i32
    %dma_wait3A_666 = tpu.memref_slice %arg2[%add3A_653, %dma_wait3A_665] : memref<16384x2048xf32, #tpu.memory_space<hbm>> -> memref<16x2048xf32, #tpu.memory_space<hbm>>
    tpu.wait_dma2 semaphore(%arg10 : memref<!tpu.dma_semaphore, #tpu.memory_space<semaphore_mem>>) src(%dma_wait3A_666 : memref<16x2048xf32, #tpu.memory_space<hbm>>) dst(%dma_wait3A_664 : memref<16x2048xf32, #tpu.memory_space<vmem>>)
    %get3A_667 = arith.index_cast %add3A_649 : i32 to index
    %get3A_668 = tpu.vector_load %arg6[%get3A_667] {strides = array<i32>} : memref<2064xi32, #tpu.memory_space<vmem>>, vector<16xi32>,
    %get3A_669 = vector.shape_cast %get3A_668 : vector<16xi32> to vector<16xi32>
    %add3A_670 = arith.constant 16 : i32
    %add3A_671 = arith.addi %add3A_651, %add3A_670 : i32
    %broadcast_in_dim3A_672 = vector.broadcast %add3A_671 : i32 to vector<16xi32>
    %lt3A_673 = arith.cmpi slt, %get3A_669, %broadcast_in_dim3A_672 : vector<16xi32>
    %select_n3A_674 = arith.select %lt3A_673, %broadcast_in_dim3A_51, %broadcast_in_dim3A_53 : vector<16xi1>, vector<16xi32>
    %slice3A_675 = vector.extract_strided_slice %select_n3A_674 {offsets = [0], sizes = [1], strides = [1]} : vector<16xi32> to vector<1xi32>
    %squeeze3A_676 = vector.extract %slice3A_675[0] : i32 from vector<1xi32>
    %slice3A_677 = vector.extract_strided_slice %select_n3A_674 {offsets = [1], sizes = [1], strides = [1]} : vector<16xi32> to vector<1xi32>
    %squeeze3A_678 = vector.extract %slice3A_677[0] : i32 from vector<1xi32>
    %add3A_679 = arith.addi %squeeze3A_676, %squeeze3A_678 : i32
    %slice3A_680 = vector.extract_strided_slice %select_n3A_674 {offsets = [2], sizes = [1], strides = [1]} : vector<16xi32> to vector<1xi32>
    %squeeze3A_681 = vector.extract %slice3A_680[0] : i32 from vector<1xi32>
    %add3A_682 = arith.addi %add3A_679, %squeeze3A_681 : i32
    %slice3A_683 = vector.extract_strided_slice %select_n3A_674 {offsets = [3], sizes = [1], strides = [1]} : vector<16xi32> to vector<1xi32>
    %squeeze3A_684 = vector.extract %slice3A_683[0] : i32 from vector<1xi32>
    %add3A_685 = arith.addi %add3A_682, %squeeze3A_684 : i32
    %slice3A_686 = vector.extract_strided_slice %select_n3A_674 {offsets = [4], sizes = [1], strides = [1]} : vector<16xi32> to vector<1xi32>
    %squeeze3A_687 = vector.extract %slice3A_686[0] : i32 from vector<1xi32>
    %add3A_688 = arith.addi %add3A_685, %squeeze3A_687 : i32
    %slice3A_689 = vector.extract_strided_slice %select_n3A_674 {offsets = [5], sizes = [1], strides = [1]} : vector<16xi32> to vector<1xi32>
    %squeeze3A_690 = vector.extract %slice3A_689[0] : i32 from vector<1xi32>
    %add3A_691 = arith.addi %add3A_688, %squeeze3A_690 : i32
    %slice3A_692 = vector.extract_strided_slice %select_n3A_674 {offsets = [6], sizes = [1], strides = [1]} : vector<16xi32> to vector<1xi32>
    %squeeze3A_693 = vector.extract %slice3A_692[0] : i32 from vector<1xi32>
    %add3A_694 = arith.addi %add3A_691, %squeeze3A_693 : i32
    %slice3A_695 = vector.extract_strided_slice %select_n3A_674 {offsets = [7], sizes = [1], strides = [1]} : vector<16xi32> to vector<1xi32>
    %squeeze3A_696 = vector.extract %slice3A_695[0] : i32 from vector<1xi32>
    %add3A_697 = arith.addi %add3A_694, %squeeze3A_696 : i32
    %slice3A_698 = vector.extract_strided_slice %select_n3A_674 {offsets = [8], sizes = [1], strides = [1]} : vector<16xi32> to vector<1xi32>
    %squeeze3A_699 = vector.extract %slice3A_698[0] : i32 from vector<1xi32>
    %add3A_700 = arith.addi %add3A_697, %squeeze3A_699 : i32
    %slice3A_701 = vector.extract_strided_slice %select_n3A_674 {offsets = [9], sizes = [1], strides = [1]} : vector<16xi32> to vector<1xi32>
    %squeeze3A_702 = vector.extract %slice3A_701[0] : i32 from vector<1xi32>
    %add3A_703 = arith.addi %add3A_700, %squeeze3A_702 : i32
    %slice3A_704 = vector.extract_strided_slice %select_n3A_674 {offsets = [10], sizes = [1], strides = [1]} : vector<16xi32> to vector<1xi32>
    %squeeze3A_705 = vector.extract %slice3A_704[0] : i32 from vector<1xi32>
    %add3A_706 = arith.addi %add3A_703, %squeeze3A_705 : i32
    %slice3A_707 = vector.extract_strided_slice %select_n3A_674 {offsets = [11], sizes = [1], strides = [1]} : vector<16xi32> to vector<1xi32>
    %squeeze3A_708 = vector.extract %slice3A_707[0] : i32 from vector<1xi32>
    %add3A_709 = arith.addi %add3A_706, %squeeze3A_708 : i32
    %slice3A_710 = vector.extract_strided_slice %select_n3A_674 {offsets = [12], sizes = [1], strides = [1]} : vector<16xi32> to vector<1xi32>
    %squeeze3A_711 = vector.extract %slice3A_710[0] : i32 from vector<1xi32>
    %add3A_712 = arith.addi %add3A_709, %squeeze3A_711 : i32
    %slice3A_713 = vector.extract_strided_slice %select_n3A_674 {offsets = [13], sizes = [1], strides = [1]} : vector<16xi32> to vector<1xi32>
    %squeeze3A_714 = vector.extract %slice3A_713[0] : i32 from vector<1xi32>
    %add3A_715 = arith.addi %add3A_712, %squeeze3A_714 : i32
    %slice3A_716 = vector.extract_strided_slice %select_n3A_674 {offsets = [14], sizes = [1], strides = [1]} : vector<16xi32> to vector<1xi32>
    %squeeze3A_717 = vector.extract %slice3A_716[0] : i32 from vector<1xi32>
    %add3A_718 = arith.addi %add3A_715, %squeeze3A_717 : i32
    %slice3A_719 = vector.extract_strided_slice %select_n3A_674 {offsets = [15], sizes = [1], strides = [1]} : vector<16xi32> to vector<1xi32>
    %squeeze3A_720 = vector.extract %slice3A_719[0] : i32 from vector<1xi32>
    %add3A_721 = arith.addi %add3A_718, %squeeze3A_720 : i32
    %sub3A_722 = arith.subi %add3A_150, %add3A_649 : i32
    %min3A_723 = arith.minsi %add3A_721, %sub3A_722 : i32
    %while3A_724 = arith.constant 0 : i32
    %while3A_725 = arith.constant 0 : i32
    %while3A_726 = arith.subi %min3A_723, %while3A_725 : i32
    %while3A_727 = arith.addi %while3A_725, %while3A_726 : i32
    %while3A_728 = arith.constant 1 : i32
    %while3A_729 = arith.divsi %while3A_726, %while3A_728 : i32
    %while3A_730 = arith.muli %while3A_729, %while3A_728 : i32
    %while3A_731 = arith.addi %while3A_725, %while3A_730 : i32
    %while3A_732 = arith.constant 1 : i32
    scf.for %while3A_805 = %while3A_725 to %while3A_731 step %while3A_732  : i32 {
      %add3A_806 = arith.addi %add3A_649, %while3A_805 : i32
      %get3A_807 = arith.index_cast %add3A_806 : i32 to index
      %get3A_808 = tpu.vector_load %arg6[%get3A_807] {strides = array<i32>} : memref<2064xi32, #tpu.memory_space<vmem>>, vector<16xi32>,
      %get3A_809 = vector.shape_cast %get3A_808 : vector<16xi32> to vector<16xi32>
      %slice3A_810 = vector.extract_strided_slice %get3A_809 {offsets = [0], sizes = [1], strides = [1]} : vector<16xi32> to vector<1xi32>
      %squeeze3A_811 = vector.extract %slice3A_810[0] : i32 from vector<1xi32>
      %sub3A_812 = arith.subi %squeeze3A_811, %add3A_651 : i32
      %add3A_813 = arith.addi %add3A_649, %while3A_805 : i32
      %dma_start3A_814 = arith.constant 1 : i32
      %dma_start3A_815 = arith.constant 0 : i32
      %dma_start3A_816 = arith.constant 0 : i32
      %dma_start3A_817 = tpu.memref_slice %arg7[%dma_start3A_814, %dma_start3A_815, %dma_start3A_816] : memref<3x16x2048xf32, #tpu.memory_space<vmem>> -> memref<1x16x2048xf32, #tpu.memory_space<vmem>>
      %dma_start3A_818 = tpu.memref_squeeze %dma_start3A_817 : memref<1x16x2048xf32, #tpu.memory_space<vmem>> -> memref<16x2048xf32, #tpu.memory_space<vmem>>
      %dma_start3A_819 = arith.constant 0 : i32
      %dma_start3A_820 = tpu.memref_slice %dma_start3A_818[%sub3A_812, %dma_start3A_819] : memref<16x2048xf32, #tpu.memory_space<vmem>> -> memref<1x2048xf32, #tpu.memory_space<vmem>>
      %dma_start3A_821 = arith.constant 0 : i32
      %dma_start3A_822 = tpu.memref_slice %arg3[%add3A_813, %dma_start3A_821] : memref<2048x2048xf32, #tpu.memory_space<hbm>> -> memref<1x2048xf32, #tpu.memory_space<hbm>>
      %dma_start3A_823 = arith.constant 0 : i32
      %dma_start3A_824 = arith.constant 0 : i32
      %dma_start3A_825 = tpu.memref_slice %arg7[%dma_start3A_814, %dma_start3A_823, %dma_start3A_824] : memref<3x16x2048xf32, #tpu.memory_space<vmem>> -> memref<1x16x2048xf32, #tpu.memory_space<vmem>>
      %dma_start3A_826 = tpu.memref_squeeze %dma_start3A_825 : memref<1x16x2048xf32, #tpu.memory_space<vmem>> -> memref<16x2048xf32, #tpu.memory_space<vmem>>
      %dma_start3A_827 = arith.constant 0 : i32
      %dma_start3A_828 = tpu.memref_slice %dma_start3A_826[%sub3A_812, %dma_start3A_827] : memref<16x2048xf32, #tpu.memory_space<vmem>> -> memref<1x2048xf32, #tpu.memory_space<vmem>>
      %dma_start3A_829 = arith.constant 0 : i32
      %dma_start3A_830 = tpu.memref_slice %arg3[%add3A_813, %dma_start3A_829] : memref<2048x2048xf32, #tpu.memory_space<hbm>> -> memref<1x2048xf32, #tpu.memory_space<hbm>>
      tpu.enqueue_dma source(%dma_start3A_830 : memref<1x2048xf32, #tpu.memory_space<hbm>>) target(%dma_start3A_828 : memref<1x2048xf32, #tpu.memory_space<vmem>>) target_semaphore(%arg15 : memref<!tpu.dma_semaphore, #tpu.memory_space<semaphore_mem>>)
    }
    %while3A_733 = arith.constant 1 : i32
    scf.for %while3A_805 = %while3A_731 to %while3A_727 step %while3A_733  : i32 {
      %add3A_806 = arith.addi %add3A_649, %while3A_805 : i32
      %get3A_807 = arith.index_cast %add3A_806 : i32 to index
      %get3A_808 = tpu.vector_load %arg6[%get3A_807] {strides = array<i32>} : memref<2064xi32, #tpu.memory_space<vmem>>, vector<16xi32>,
      %get3A_809 = vector.shape_cast %get3A_808 : vector<16xi32> to vector<16xi32>
      %slice3A_810 = vector.extract_strided_slice %get3A_809 {offsets = [0], sizes = [1], strides = [1]} : vector<16xi32> to vector<1xi32>
      %squeeze3A_811 = vector.extract %slice3A_810[0] : i32 from vector<1xi32>
      %sub3A_812 = arith.subi %squeeze3A_811, %add3A_651 : i32
      %add3A_813 = arith.addi %add3A_649, %while3A_805 : i32
      %dma_start3A_814 = arith.constant 1 : i32
      %dma_start3A_815 = arith.constant 0 : i32
      %dma_start3A_816 = arith.constant 0 : i32
      %dma_start3A_817 = tpu.memref_slice %arg7[%dma_start3A_814, %dma_start3A_815, %dma_start3A_816] : memref<3x16x2048xf32, #tpu.memory_space<vmem>> -> memref<1x16x2048xf32, #tpu.memory_space<vmem>>
      %dma_start3A_818 = tpu.memref_squeeze %dma_start3A_817 : memref<1x16x2048xf32, #tpu.memory_space<vmem>> -> memref<16x2048xf32, #tpu.memory_space<vmem>>
      %dma_start3A_819 = arith.constant 0 : i32
      %dma_start3A_820 = tpu.memref_slice %dma_start3A_818[%sub3A_812, %dma_start3A_819] : memref<16x2048xf32, #tpu.memory_space<vmem>> -> memref<1x2048xf32, #tpu.memory_space<vmem>>
      %dma_start3A_821 = arith.constant 0 : i32
      %dma_start3A_822 = tpu.memref_slice %arg3[%add3A_813, %dma_start3A_821] : memref<2048x2048xf32, #tpu.memory_space<hbm>> -> memref<1x2048xf32, #tpu.memory_space<hbm>>
      %dma_start3A_823 = arith.constant 0 : i32
      %dma_start3A_824 = arith.constant 0 : i32
      %dma_start3A_825 = tpu.memref_slice %arg7[%dma_start3A_814, %dma_start3A_823, %dma_start3A_824] : memref<3x16x2048xf32, #tpu.memory_space<vmem>> -> memref<1x16x2048xf32, #tpu.memory_space<vmem>>
      %dma_start3A_826 = tpu.memref_squeeze %dma_start3A_825 : memref<1x16x2048xf32, #tpu.memory_space<vmem>> -> memref<16x2048xf32, #tpu.memory_space<vmem>>
      %dma_start3A_827 = arith.constant 0 : i32
      %dma_start3A_828 = tpu.memref_slice %dma_start3A_826[%sub3A_812, %dma_start3A_827] : memref<16x2048xf32, #tpu.memory_space<vmem>> -> memref<1x2048xf32, #tpu.memory_space<vmem>>
      %dma_start3A_829 = arith.constant 0 : i32
      %dma_start3A_830 = tpu.memref_slice %arg3[%add3A_813, %dma_start3A_829] : memref<2048x2048xf32, #tpu.memory_space<hbm>> -> memref<1x2048xf32, #tpu.memory_space<hbm>>
      tpu.enqueue_dma source(%dma_start3A_830 : memref<1x2048xf32, #tpu.memory_space<hbm>>) target(%dma_start3A_828 : memref<1x2048xf32, #tpu.memory_space<vmem>>) target_semaphore(%arg15 : memref<!tpu.dma_semaphore, #tpu.memory_space<semaphore_mem>>)
    }
    %while3A_734 = arith.constant 0 : i32
    %while3A_735 = arith.constant 0 : i32
    %while3A_736 = arith.subi %min3A_723, %while3A_735 : i32
    %while3A_737 = arith.addi %while3A_735, %while3A_736 : i32
    %while3A_738 = arith.constant 1 : i32
    %while3A_739 = arith.divsi %while3A_736, %while3A_738 : i32
    %while3A_740 = arith.muli %while3A_739, %while3A_738 : i32
    %while3A_741 = arith.addi %while3A_735, %while3A_740 : i32
    %while3A_742 = arith.constant 1 : i32
    scf.for %while3A_805 = %while3A_735 to %while3A_741 step %while3A_742  : i32 {
      %dma_wait3A_806 = arith.constant 0 : i32
      %dma_wait3A_807 = arith.constant 0 : i32
      %dma_wait3A_808 = tpu.memref_slice %arg3[%dma_wait3A_806, %dma_wait3A_807] : memref<2048x2048xf32, #tpu.memory_space<hbm>> -> memref<1x2048xf32, #tpu.memory_space<hbm>>
      %dma_wait3A_809 = arith.constant 0 : i32
      %dma_wait3A_810 = arith.constant 0 : i32
      %dma_wait3A_811 = tpu.memref_slice %arg3[%dma_wait3A_809, %dma_wait3A_810] : memref<2048x2048xf32, #tpu.memory_space<hbm>> -> memref<1x2048xf32, #tpu.memory_space<hbm>>
      tpu.wait_dma2 semaphore(%arg15 : memref<!tpu.dma_semaphore, #tpu.memory_space<semaphore_mem>>) src(%dma_wait3A_811 : memref<1x2048xf32, #tpu.memory_space<hbm>>) dst(%arg8 : memref<1x2048xf32, #tpu.memory_space<vmem>>)
    }
    %while3A_743 = arith.constant 1 : i32
    scf.for %while3A_805 = %while3A_741 to %while3A_737 step %while3A_743  : i32 {
      %dma_wait3A_806 = arith.constant 0 : i32
      %dma_wait3A_807 = arith.constant 0 : i32
      %dma_wait3A_808 = tpu.memref_slice %arg3[%dma_wait3A_806, %dma_wait3A_807] : memref<2048x2048xf32, #tpu.memory_space<hbm>> -> memref<1x2048xf32, #tpu.memory_space<hbm>>
      %dma_wait3A_809 = arith.constant 0 : i32
      %dma_wait3A_810 = arith.constant 0 : i32
      %dma_wait3A_811 = tpu.memref_slice %arg3[%dma_wait3A_809, %dma_wait3A_810] : memref<2048x2048xf32, #tpu.memory_space<hbm>> -> memref<1x2048xf32, #tpu.memory_space<hbm>>
      tpu.wait_dma2 semaphore(%arg15 : memref<!tpu.dma_semaphore, #tpu.memory_space<semaphore_mem>>) src(%dma_wait3A_811 : memref<1x2048xf32, #tpu.memory_space<hbm>>) dst(%arg8 : memref<1x2048xf32, #tpu.memory_space<vmem>>)
    }
    %add3A_744 = arith.constant 496 : i32
    %add3A_745 = arith.addi %mul3A_2, %add3A_744 : i32
    %dma_start3A_746 = arith.constant 1 : i32
    %dma_start3A_747 = arith.constant 0 : i32
    %dma_start3A_748 = arith.constant 0 : i32
    %dma_start3A_749 = tpu.memref_slice %arg7[%dma_start3A_746, %dma_start3A_747, %dma_start3A_748] : memref<3x16x2048xf32, #tpu.memory_space<vmem>> -> memref<1x16x2048xf32, #tpu.memory_space<vmem>>
    %dma_start3A_750 = tpu.memref_squeeze %dma_start3A_749 : memref<1x16x2048xf32, #tpu.memory_space<vmem>> -> memref<16x2048xf32, #tpu.memory_space<vmem>>
    %dma_start3A_751 = arith.constant 0 : i32
    %dma_start3A_752 = tpu.memref_slice %arg5[%add3A_745, %dma_start3A_751] : memref<16384x2048xf32, #tpu.memory_space<hbm>> -> memref<16x2048xf32, #tpu.memory_space<hbm>>
    %dma_start3A_753 = arith.constant 0 : i32
    %dma_start3A_754 = tpu.memref_slice %arg5[%add3A_745, %dma_start3A_753] : memref<16384x2048xf32, #tpu.memory_space<hbm>> -> memref<16x2048xf32, #tpu.memory_space<hbm>>
    %dma_start3A_755 = arith.constant 0 : i32
    %dma_start3A_756 = arith.constant 0 : i32
    %dma_start3A_757 = tpu.memref_slice %arg7[%dma_start3A_746, %dma_start3A_755, %dma_start3A_756] : memref<3x16x2048xf32, #tpu.memory_space<vmem>> -> memref<1x16x2048xf32, #tpu.memory_space<vmem>>
    %dma_start3A_758 = tpu.memref_squeeze %dma_start3A_757 : memref<1x16x2048xf32, #tpu.memory_space<vmem>> -> memref<16x2048xf32, #tpu.memory_space<vmem>>
    tpu.enqueue_dma source(%dma_start3A_758 : memref<16x2048xf32, #tpu.memory_space<vmem>>) target(%dma_start3A_754 : memref<16x2048xf32, #tpu.memory_space<hbm>>) target_semaphore(%arg13 : memref<!tpu.dma_semaphore, #tpu.memory_space<semaphore_mem>>)
    %add3A_759 = arith.addi %add3A_649, %min3A_723 : i32
    %add3A_760 = arith.constant 464 : i32
    %add3A_761 = arith.addi %mul3A_2, %add3A_760 : i32
    %dma_wait3A_762 = arith.constant 2 : i32
    %dma_wait3A_763 = arith.constant 0 : i32
    %dma_wait3A_764 = arith.constant 0 : i32
    %dma_wait3A_765 = tpu.memref_slice %arg7[%dma_wait3A_762, %dma_wait3A_763, %dma_wait3A_764] : memref<3x16x2048xf32, #tpu.memory_space<vmem>> -> memref<1x16x2048xf32, #tpu.memory_space<vmem>>
    %dma_wait3A_766 = tpu.memref_squeeze %dma_wait3A_765 : memref<1x16x2048xf32, #tpu.memory_space<vmem>> -> memref<16x2048xf32, #tpu.memory_space<vmem>>
    %dma_wait3A_767 = arith.constant 0 : i32
    %dma_wait3A_768 = tpu.memref_slice %arg5[%add3A_761, %dma_wait3A_767] : memref<16384x2048xf32, #tpu.memory_space<hbm>> -> memref<16x2048xf32, #tpu.memory_space<hbm>>
    %dma_wait3A_769 = arith.constant 0 : i32
    %dma_wait3A_770 = tpu.memref_slice %arg5[%add3A_761, %dma_wait3A_769] : memref<16384x2048xf32, #tpu.memory_space<hbm>> -> memref<16x2048xf32, #tpu.memory_space<hbm>>
    %dma_wait3A_771 = arith.constant 0 : i32
    %dma_wait3A_772 = arith.constant 0 : i32
    %dma_wait3A_773 = tpu.memref_slice %arg7[%dma_wait3A_762, %dma_wait3A_771, %dma_wait3A_772] : memref<3x16x2048xf32, #tpu.memory_space<vmem>> -> memref<1x16x2048xf32, #tpu.memory_space<vmem>>
    %dma_wait3A_774 = tpu.memref_squeeze %dma_wait3A_773 : memref<1x16x2048xf32, #tpu.memory_space<vmem>> -> memref<16x2048xf32, #tpu.memory_space<vmem>>
    tpu.wait_dma2 semaphore(%arg14 : memref<!tpu.dma_semaphore, #tpu.memory_space<semaphore_mem>>) src(%dma_wait3A_774 : memref<16x2048xf32, #tpu.memory_space<vmem>>) dst(%dma_wait3A_770 : memref<16x2048xf32, #tpu.memory_space<hbm>>)
    %add3A_775 = arith.constant 480 : i32
    %add3A_776 = arith.addi %mul3A_2, %add3A_775 : i32
    %dma_wait3A_777 = arith.constant 0 : i32
    %dma_wait3A_778 = arith.constant 0 : i32
    %dma_wait3A_779 = arith.constant 0 : i32
    %dma_wait3A_780 = tpu.memref_slice %arg7[%dma_wait3A_777, %dma_wait3A_778, %dma_wait3A_779] : memref<3x16x2048xf32, #tpu.memory_space<vmem>> -> memref<1x16x2048xf32, #tpu.memory_space<vmem>>
    %dma_wait3A_781 = tpu.memref_squeeze %dma_wait3A_780 : memref<1x16x2048xf32, #tpu.memory_space<vmem>> -> memref<16x2048xf32, #tpu.memory_space<vmem>>
    %dma_wait3A_782 = arith.constant 0 : i32
    %dma_wait3A_783 = tpu.memref_slice %arg5[%add3A_776, %dma_wait3A_782] : memref<16384x2048xf32, #tpu.memory_space<hbm>> -> memref<16x2048xf32, #tpu.memory_space<hbm>>
    %dma_wait3A_784 = arith.constant 0 : i32
    %dma_wait3A_785 = tpu.memref_slice %arg5[%add3A_776, %dma_wait3A_784] : memref<16384x2048xf32, #tpu.memory_space<hbm>> -> memref<16x2048xf32, #tpu.memory_space<hbm>>
    %dma_wait3A_786 = arith.constant 0 : i32
    %dma_wait3A_787 = arith.constant 0 : i32
    %dma_wait3A_788 = tpu.memref_slice %arg7[%dma_wait3A_777, %dma_wait3A_786, %dma_wait3A_787] : memref<3x16x2048xf32, #tpu.memory_space<vmem>> -> memref<1x16x2048xf32, #tpu.memory_space<vmem>>
    %dma_wait3A_789 = tpu.memref_squeeze %dma_wait3A_788 : memref<1x16x2048xf32, #tpu.memory_space<vmem>> -> memref<16x2048xf32, #tpu.memory_space<vmem>>
    tpu.wait_dma2 semaphore(%arg12 : memref<!tpu.dma_semaphore, #tpu.memory_space<semaphore_mem>>) src(%dma_wait3A_789 : memref<16x2048xf32, #tpu.memory_space<vmem>>) dst(%dma_wait3A_785 : memref<16x2048xf32, #tpu.memory_space<hbm>>)
    %add3A_790 = arith.constant 496 : i32
    %add3A_791 = arith.addi %mul3A_2, %add3A_790 : i32
    %dma_wait3A_792 = arith.constant 1 : i32
    %dma_wait3A_793 = arith.constant 0 : i32
    %dma_wait3A_794 = arith.constant 0 : i32
    %dma_wait3A_795 = tpu.memref_slice %arg7[%dma_wait3A_792, %dma_wait3A_793, %dma_wait3A_794] : memref<3x16x2048xf32, #tpu.memory_space<vmem>> -> memref<1x16x2048xf32, #tpu.memory_space<vmem>>
    %dma_wait3A_796 = tpu.memref_squeeze %dma_wait3A_795 : memref<1x16x2048xf32, #tpu.memory_space<vmem>> -> memref<16x2048xf32, #tpu.memory_space<vmem>>
    %dma_wait3A_797 = arith.constant 0 : i32
    %dma_wait3A_798 = tpu.memref_slice %arg5[%add3A_791, %dma_wait3A_797] : memref<16384x2048xf32, #tpu.memory_space<hbm>> -> memref<16x2048xf32, #tpu.memory_space<hbm>>
    %dma_wait3A_799 = arith.constant 0 : i32
    %dma_wait3A_800 = tpu.memref_slice %arg5[%add3A_791, %dma_wait3A_799] : memref<16384x2048xf32, #tpu.memory_space<hbm>> -> memref<16x2048xf32, #tpu.memory_space<hbm>>
    %dma_wait3A_801 = arith.constant 0 : i32
    %dma_wait3A_802 = arith.constant 0 : i32
    %dma_wait3A_803 = tpu.memref_slice %arg7[%dma_wait3A_792, %dma_wait3A_801, %dma_wait3A_802] : memref<3x16x2048xf32, #tpu.memory_space<vmem>> -> memref<1x16x2048xf32, #tpu.memory_space<vmem>>
    %dma_wait3A_804 = tpu.memref_squeeze %dma_wait3A_803 : memref<1x16x2048xf32, #tpu.memory_space<vmem>> -> memref<16x2048xf32, #tpu.memory_space<vmem>>
    tpu.wait_dma2 semaphore(%arg13 : memref<!tpu.dma_semaphore, #tpu.memory_space<semaphore_mem>>) src(%dma_wait3A_804 : memref<16x2048xf32, #tpu.memory_space<vmem>>) dst(%dma_wait3A_800 : memref<16x2048xf32, #tpu.memory_space<hbm>>)
    return
  }
}

</mosaic_0001>

<sc_bundles>
// kernel: kernel.3.cloned.1.call-start
scs
__scs_entry_jumppad:
0x0: {  	(pc) =	sbr.rel $0x88, $3  }
0x1: {  	(tag) =	ssettag $0x0;
	lr =	simm.s32 $0x1  }
0x2: {  	[smem:$0x3F9E] =	sst lr;
	_ =	strace $0xD0000000  }
0x3: {  	_ = 	snop  }
0x4: {  	_ = 	snop  }
0x5: {  	_ = 	snop  }
0x6: {  	_ = 	snop  }
0x7: {  	_ = 	snop  }
__scs_overlays_trampoline_lowered:
0x8: {  	[smem:$0x3FAD] =	sst s0  }
0x9: {  	[smem:$0x3FAE] =	sst s1  }
0xa: {  	[smem:$0x3FAF] =	sst s2  }
0xb: {  	[smem:$0x3FB0] =	sst s3  }
0xc: {  	[smem:$0x3FB1] =	sst s4  }
0xd: {  	[smem:$0x3FB2] =	sst s5  }
0xe: {  	[smem:$0x3FB3] =	sst s6  }
0xf: {  	[smem:$0x3FB4] =	sst s7  }
0x10: {  	[smem:$0x3FB5] =	sst s8  }
0x11: {  	[smem:$0x3FB6] =	sst s9;
	s0 =	simm.s32 @!p0 $0x0  }
0x12: {  	s1 =	sld [smem:$0x3F9C];
	s0 =	simm.s32 @p0 $0x1  }
0x13: {  	[smem:$0x3FB7] =	sst s0;
	s0 =	simm.s32 @!p1 $0x0  }
0x14: {  	s2 =	sld [smem:$0x3F9B];
	s0 =	simm.s32 @p1 $0x1  }
0x15: {  	[smem:$0x3FB8] =	sst s0;
	s0 =	simm.s32 @!p2 $0x0  }
0x16: {  	s3 =	sld [smem:$0x3FDB];
	s0 =	simm.s32 @p2 $0x1  }
0x17: {  	s4 =	simm.s32 $0x1BF5;
	[smem:$0x3FBA] =	sst s0  }
0x18: {  	s0 =	sld [smem:$0x3F9D];
	_ =	swait.ge [sflag:s4], $0x0  }
0x19: {  	s7 =	sld [smem:$0x3F9E]  }
0x1a: {  	s8 =	sadd.s32 $0xFFFFE003, lr  }
0x1b: {  	s9 =	sadd.s32 $0xFFFFFEF7, lr;
	s5 =	simm.s32 $0xFFFFFFFF;
	p2 =	slt.u32 s8, $0xFFFFF086  }
0x1c: {  	p1 =	slt.u32 s9, $0xF7A;
	s5 =	simm.s32 @!p2 $0x0  }
0x1d: {  	s5 =	simm.s32 @p1 $0x1;
	p0 =	seq.s32 s7, s2  }
0x1e: {  	s7 =	smul.u32 @!p0 $0xF7A, s2;
	p2 =	seq.s32 @!p0 s5, $0x0  }
0x1f: {  	s9 =	smul.u32 $0xF7A, s1;
	s8 =	simm.s32 @!p0 $0x1BF5;
	p2 =	por !p2, p0  }
0x20: {  	[sflag:s8] =	ssyncset.s32 @!p0 $0xFFFFF086;
	s6 =	sadd.s32 @!p0 s3, s7;
	s7 =	simm.s32 @!p0 $0x108  }
0x21: {  	s3 =	sadd.s32 s3, s9;
	s6 =	sadd.s32 @!p0 $0x88, s6;
	s7 =	simm.s32 @p2 $0x1082  }
0x22: {  	[simem:s7], [sflag:s8] =	dma.local @!p0 [hbm:s6], $0xF7A  }
0x23: {  	s9 =	sor.u32 $0xD0000000, s2;
	s6 =	simm.s32 $0x108;
	_ =	swait.ge @!p0 [sflag:s8], $0x0  }
0x24: {  	s3 =	sadd.s32 $0x88, s3;
	s6 =	simm.s32 @!p1 $0x1082;
	[sflag:s4] =	ssyncset.s32 $0xFFFFF086  }
0x25: {  	[simem:s6], [sflag:s4] =	dma.local [hbm:s3], $0xF7A  }
0x26: {  	[smem:$0x3F9E] =	sst s1;
	(tag) =	ssettag s2;
	_ =	strace s9  }
0x27: {  	s1 =	sld [smem:$0x3FAE]  }
0x28: {  	s2 =	sld [smem:$0x3FAF]  }
0x29: {  	s4 =	sld [smem:$0x3FB1]  }
0x2a: {  	p0 =	seq.s32 s5, $0x0;
	s5 =	sld [smem:$0x3FB2]  }
0x2b: {  	s6 =	sld [smem:$0x3FB3]  }
0x2c: {  	s7 =	sld [smem:$0x3FB4]  }
0x2d: {  	s3 =	simm.s32 $0x108;
	s8 =	sld [smem:$0x3FB5]  }
0x2e: {  	s3 =	simm.s32 @!p0 $0x1082;
	s9 =	sld [smem:$0x3FB6]  }
0x2f: {  	lr =	sadd.s32 s0, s3;
	s0 =	sld [smem:$0x3FAD]  }
0x30: {  	s3 =	sld [smem:$0x3FB0]  }
0x31: {  	[smem:$0x3FB9] =	sst s10  }
0x32: {  	s10 =	sld [smem:$0x3FB7];
	_ =	sdelay $0x3  }
0x33: {  	p0 =	seq.s32 s10, $0x1;
	s10 =	sld [smem:$0x3FB9];
	_ =	sdelay $0x3  }
0x34: {  	[smem:$0x3FB9] =	sst s10  }
0x35: {  	s10 =	sld [smem:$0x3FB8];
	_ =	sdelay $0x3  }
0x36: {  	p1 =	seq.s32 s10, $0x1;
	s10 =	sld [smem:$0x3FB9];
	_ =	sdelay $0x3  }
0x37: {  	[smem:$0x3FB9] =	sst s10  }
0x38: {  	s10 =	sld [smem:$0x3FBA]  }
0x39: {  	_ = 	snop;
	(pc) =	sbr.ind lr, $3  }
0x3a: {  	_ = 	snop  }
0x3b: {  	_ = 	snop  }
0x3c: {  	p2 =	seq.s32 s10, $0x1;
	s10 =	sld [smem:$0x3FB9]  }
0x3d: {  	_ =	shalt  }
0x3e: {  	_ =	shalt  }
0x3f: {  	_ =	shalt  }
0x40: {  	_ =	shalt  }
0x41: {  	_ =	shalt  }
0x42: {  	_ =	shalt  }
0x43: {  	_ =	shalt  }
0x44: {  	_ =	shalt  }
0x45: {  	_ =	shalt  }
0x46: {  	_ =	shalt  }
0x47: {  	_ =	shalt  }
0x48: {  	_ =	shalt  }
0x49: {  	_ =	shalt  }
0x4a: {  	_ =	shalt  }
0x4b: {  	_ =	shalt  }
0x4c: {  	_ =	shalt  }
0x4d: {  	_ =	shalt  }
0x4e: {  	_ =	shalt  }
0x4f: {  	_ =	shalt  }
0x50: {  	_ =	shalt  }
0x51: {  	_ =	shalt  }
0x52: {  	_ =	shalt  }
0x53: {  	_ =	shalt  }
0x54: {  	_ =	shalt  }
0x55: {  	_ =	shalt  }
0x56: {  	_ =	shalt  }
0x57: {  	_ =	shalt  }
0x58: {  	_ =	shalt  }
0x59: {  	_ =	shalt  }
0x5a: {  	_ =	shalt  }
0x5b: {  	_ =	shalt  }
0x5c: {  	_ =	shalt  }
0x5d: {  	_ =	shalt  }
0x5e: {  	_ =	shalt  }
0x5f: {  	_ =	shalt  }
0x60: {  	_ =	shalt  }
0x61: {  	_ =	shalt  }
0x62: {  	_ =	shalt  }
0x63: {  	_ =	shalt  }
0x64: {  	_ =	shalt  }
0x65: {  	_ =	shalt  }
0x66: {  	_ =	shalt  }
0x67: {  	_ =	shalt  }
0x68: {  	_ =	shalt  }
0x69: {  	_ =	shalt  }
0x6a: {  	_ =	shalt  }
0x6b: {  	_ =	shalt  }
0x6c: {  	_ =	shalt  }
0x6d: {  	_ =	shalt  }
0x6e: {  	_ =	shalt  }
0x6f: {  	_ =	shalt  }
0x70: {  	_ =	shalt  }
0x71: {  	_ =	shalt  }
0x72: {  	_ =	shalt  }
0x73: {  	_ =	shalt  }
0x74: {  	_ =	shalt  }
0x75: {  	_ =	shalt  }
0x76: {  	_ =	shalt  }
0x77: {  	_ =	shalt  }
0x78: {  	_ =	shalt  }
0x79: {  	_ =	shalt  }
0x7a: {  	_ =	shalt  }
0x7b: {  	_ =	shalt  }
0x7c: {  	_ =	shalt  }
0x7d: {  	_ =	shalt  }
0x7e: {  	_ =	shalt  }
0x7f: {  	_ =	shalt  }
0x80: {  	_ =	shalt  }
0x81: {  	_ =	shalt  }
0x82: {  	_ =	shalt  }
0x83: {  	_ =	shalt  }
0x84: {  	_ =	shalt  }
0x85: {  	_ =	shalt  }
0x86: {  	_ =	shalt  }
0x87: {  	_ =	shalt  }
.Lfunc_end0:
.L_simem_size_0:
called_computation_lowered:
.L_overlay_start_0:
0x88: {  	s2 =	sld [smem:$0x3FD9]  }
0x89: {  	s3 =	sld [smem:$0x3FFE];
	_ =	sdelay $0x1  }
0x8a: {  	s1 =	srdreg.scid  }
0x8b: {  	s0 =	sand.u32 $0x1, s1  }
0x8c: {  	s17 =	sshll.u32 s0, $0xA;
	s2 =	sadd.s32 s3, s2  }
0x8d: {  	s2 =	sadd.s32 s2, s17  }
0x8e: {  	[smem:$0x3FC5] =	sst s2  }
0x8f: {  	_ = 	snop  }
0x90: {  	s2 =	sld [smem:$0x3FC9]  }
0x91: {  	s18 =	sld [smem:$0x3FC8]  }
0x92: {  	s4 =	sld [smem:$0x3FD0];
	(tm) =	ssettm $0x1  }
0x93: {  	s5 =	sld [smem:$0x3FFB];
	_ =	sdelay $0x3  }
0x94: {  	_ =	strace s5  }
0x95: {  	s5 =	sld [smem:$0x3FFC];
	_ =	sdelay $0x3  }
0x96: {  	_ =	strace s5  }
0x97: {  	s5 =	sld [smem:$0x3FFD];
	_ =	sdelay $0x3  }
0x98: {  	_ =	strace s5  }
0x99: {  	_ =	strace $0x8FFFFFFF  }
0x9a: {  	s19 =	sld [smem:$0x3FDB];
	_ =	sdelay $0x1  }
0x9b: {  	s6 =	simm.s32 $_scs_section_size  }
0x9c: {  	s7 =	simm.s32 $_size__tile_overlayer_lowered;
	s8 =	simm.s32 $_tile_overlayer_lowered  }
0x9d: {  	s22 =	simm.s32 $0x1BFF;
	s21 =	sshll.u32 s8, $0x1;
	s5 =	sadd.s32 s6, s19  }
0x9e: {  	s9 =	simm.s32 $0x0;
	s20 =	sshll.u32 s7, $0x1;
	s7 =	sadd.s32 s21, s5  }
0x9f: {  	[timem:s9], [sflag:s22] =	dma.local [hbm:s7], s20  }
0xa0: {  	_ =	swait.ge [sflag:s22], s20  }
0xa1: {  	s6 =	ssub.s32 $0x0, s20;
	[sflag:s22] =	ssyncset.done $0x0  }
0xa2: {  	[sflag:s22] =	ssyncadd.s32 s6;
	_ =	sdelay $0x1  }
0xa3: {  	s23 =	simm.s32 $0x1B8B  }
0xa4: {  	_ =	swait.ge [sflag:s23], $0x1  }
0xa5: {  	[sflag:s23] =	ssyncset.done $0x0  }
0xa6: {  	s25 =	simm.s32 $0x1B8E;
	s24 =	sld [smem:$0x3FFE];
	[sflag:s23] =	ssyncadd.s32 $0xFFFFFFFF  }
0xa7: {  	s26 =	simm.s32 $execute0_lowered;
	[smem:$0x3FD2] =	sst s25  }
0xa8: {  	s7 =	sshll.u32 s26, $0x1;
	_ =	strace $0x80000046;
	[dreg:$0x1] =	wrdreg $0xFFFFFFFF  }
0xa9: {  	s28 =	simm.s32 $_size_execute0_lowered;
	s5 =	sadd.s32 s5, s7;
	[dreg:$0x0] =	wrdreg $0x0  }
0xaa: {  	s7 =	sshll.u32 s28, $0x1;
	[dreg:$0x2] =	wrdreg s5  }
0xab: {  	[dreg:$0x3] =	wrdreg s7  }
0xac: {  	[dreg:$0x4] =	wrdreg $0xC0  }
0xad: {  	_ =	task [dreg:s9], $0x5FFFF  }
0xae: {  	[dreg:$0x1] =	wrdreg $0xFFFFFFFF  }
0xaf: {  	[dreg:$0x0] =	wrdreg $0x60  }
0xb0: {  	[dreg:$0x2] =	wrdreg s18  }
0xb1: {  	[dreg:$0x3] =	wrdreg s2  }
0xb2: {  	[dreg:$0x4] =	wrdreg s24  }
0xb3: {  	[dreg:$0x5] =	wrdreg s4  }
0xb4: {  	[dreg:$0x6] =	wrdreg $0x9  }
0xb5: {  	_ =	task.clear_ibuf [dreg:s9], $0x7FFFF;
	_ =	strace $0x90000046  }
0xb6: {  	s29 =	simm.s32 $0x9;
	_ =	strace $0x80000048  }
0xb7: {  	_ =	swait.ge [sflag:s29], $0x1  }
0xb8: {  	[sflag:s29] =	ssyncadd.s32 $0xFFFFFFFF  }
0xb9: {  	_ =	strace $0x90000048  }
0xba: {  	_ =	sfence  }
0xbb: {  	s30 =	sld [smem:$0x0];
	_ =	sdelay $0x2  }
0xbc: {  	s31 =	sshll.u32 s1, $0xD;
	s1 =	sshrl.u32 s1, $0x2  }
0xbd: {  	s3 =	sand.u32 $0x4000, s31;
	s1 =	sadd.s32 s1, s30  }
0xbe: {  	s0 =	sor.u32 s3, s0;
	s1 =	sshll.u32 s1, $0x11  }
0xbf: {  	s0 =	sor.u32 s1, s0  }
0xc0: {  	s0 =	sadd.s32 $0x8F2B, s0  }
0xc1: {  	[sflag:s0] =	ssyncadd.remote.s32 $0x1  }
0xc2: {  	_ =	sfence.sel $0xFFFF  }
0xc3: {  	[dreg:$0x0] =	wrdreg $0xFFFFFFFF;
	(pc) =	sbr.abs _section_cstart, $3  }
0xc4: {  	[dreg:$0x1] =	wrdreg $0xFFFFFFFF  }
0xc5: {  	_ =	task.clear_ibuf [dreg:s9], $0x2FFFF;
	_ =	strace $0x9FFFFFFF  }
0xc6: {  	(tm) =	ssettm $0x7FFFFFFF  }
0xc7: {  	_ =	shalt  }
tec
execute0_lowered:
.L_overlay_start_1:
0x0: {  	(tag) =	ssettag $0x1  }
0x1: {  	s29 =	rddreg [dreg:$0x0]  }
0x2: {  	s2 =	rddreg [dreg:$0x1]  }
0x3: {  	s0 =	rddreg [dreg:$0x2]  }
0x4: {  	s8 =	rddreg [dreg:$0x3];
	s1 =	srdreg.scid  }
0x5: {  	s5 =	simm.s32 $0x0;
	s3 =	stileid.u32;
	s1 =	sand.u32 $0x1, s1  }
0x6: {  	[smem:$0x7FF] =	sst s5;
	s3 =	sshll.u32 s3, $0xA;
	s4 =	sshll.u32 s1, $0x9  }
0x7: {  	s0 =	sadd.s32 $0x400, s0;
	_ =	strace $0x80000047;
	s7 =	sor.u32 s4, s3  }
0x8: {  	[dreg:$0x5] =	wrdreg s0;
	s10 =	ssub.s32 $0x2, s1;
	s19 =	sor.u32 $0x30, s7  }
0x9: {  	s12 =	sshrl.u32 s10, $0x1;
	s26 =	sor.u32 $0x20, s7;
	[dreg:$0xb] =	wrdreg s19  }
0xa: {  	s11 =	sshll.u32 s7, $0x8;
	s28 =	sor.u32 $0x40, s7;
	[dreg:$0x13] =	wrdreg s26  }
0xb: {  	s9 =	sor.u32 $0x10, s7;
	s31 =	sor.u32 $0x50, s7;
	[dreg:$0x14] =	wrdreg s28  }
0xc: {  	s0 =	ssub.s32 s10, s12;
	s17 =	sor.u32 $0x1E0, s7;
	[dreg:$0x15] =	wrdreg s31  }
0xd: {  	s18 =	sor.u32 $0x1F0, s7;
	s6 =	sadd.s32 s29, s11;
	[dreg:$0x6] =	wrdreg s9  }
0xe: {  	s13 =	sshll.u32 s9, $0x8;
	s1 =	sadd.s32 s8, s11;
	[dreg:$0x7] =	wrdreg s6  }
0xf: {  	s21 =	sshll.u32 s17, $0x8;
	s0 =	smax.u32 s0, $0x1;
	[dreg:$0xa] =	wrdreg s1  }
0x10: {  	s23 =	sshll.u32 s18, $0x8;
	s14 =	sadd.s32 s29, s13;
	[dreg:$0x12] =	wrdreg s0  }
0x11: {  	s15 =	sadd.s32 $0x2000, s6;
	s13 =	sor.u32 $0x1C0, s7;
	[dreg:$0x8] =	wrdreg s14  }
0x12: {  	s10 =	sadd.s32 s29, s21;
	s24 =	sadd.s32 s29, s23;
	[dreg:$0x9] =	wrdreg s15  }
0x13: {  	s25 =	sadd.s32 s8, s23;
	s15 =	sor.u32 $0x1D0, s7;
	[dreg:$0xd] =	wrdreg s10  }
.Ltmp0:
0x14: {  	s20 =	sshll.u32 s13, $0x8;
	[dreg:$0xf] =	wrdreg s24;
	(pc) =	sbr.rel .LBB2_1-.Ltmp0, $4  }
0x15: {  	[dreg:$0x11] =	wrdreg s25;
	s1 =	sadd.s32 s8, s20;
	s22 =	sshll.u32 s15, $0x8  }
0x16: {  	v6 =	vimm.s32 $0x0;
	s16 =	sadd.s32 $0x200, s7;
	[dreg:$0xc] =	wrdreg s1;
	s4 =	sadd.s32 s8, s22  }
0x17: {  	s30 =	simm.s32 $0x8880;
	v1 =	vmov s7;
	v0 =	vmov s16;
	v2 =	vmov s9;
	s1 =	sadd.s32 s8, s21;
	[dreg:$0xe] =	wrdreg s4  }
0x18: {  	s3 =	simm.s32 $0x0;
	v4 =	vmov s17;
	v5 =	vmov s18;
	s6 =	simm.s32 $0x7;
	v3 =	vmov s15;
	[dreg:$0x10] =	wrdreg s1  }
.LBB2_52:
0x19: {  	[sflag:s6] =	ssyncadd.s32 $0xFFFFF800;
	s3 =	rddreg [dreg:$0x16]  }
.LBB2_53:
0x1a: {  	s0 =	rddreg [dreg:$0x11];
	s26 =	simm.s32 $0x6  }
0x1b: {  	[hbm4b:s0+s5] =	stream.linear.scatter [tilespmem:s30], [sflag:$0x5], $0x8000, $0x38;
	[tilespmem:$0x18880] =	vst v63  }
0x1c: {  	_ =	swait.ge [sflag:s26], $0x8000  }
0x1d: {  	[sflag:s26] =	ssyncset.done $0x0  }
0x1e: {  	s28 =	simm.s32 $0x4;
	[sflag:s26] =	ssyncadd.s32 $0xFFFF8000  }
0x1f: {  	_ =	swait.ge [sflag:s28], $0x8000  }
0x20: {  	[sflag:s28] =	ssyncset.done $0x0  }
0x21: {  	s1 =	simm.s32 $0x5;
	[sflag:s28] =	ssyncadd.s32 $0xFFFF8000  }
0x22: {  	_ =	swait.ge [sflag:s1], $0x8000  }
0x23: {  	s3 =	sadd.s32 $0x1, s3;
	s31 =	rddreg [dreg:$0x12]  }
0x24: {  	p0 =	sne.s32 s3, s31  }
.Ltmp1:
0x25: {  	_ = 	snop;
	(pc) =	sbr.rel @!p0 .LBB2_54-.Ltmp1, $3  }
0x26: {  	_ =	sdelay $0x1  }
0x27: {  	[sflag:s1] =	ssyncset.done $0x0  }
0x28: {  	[sflag:s1] =	ssyncadd.s32 $0xFFFF8000  }
.LBB2_1:
0x29: {  	[dreg:$0x16] =	wrdreg s3  }
0x2a: {  	s0 =	rddreg [dreg:$0x7];
	s1 =	simm.s32 $0x880  }
0x2b: {  	[tilespmem:s1], [sflag:$0x1] =	stream.linear.gather [hbm4b:s0+s5], $0x8000, $0x38;
	[tilespmem:$0x18880] =	vst v63  }
0x2c: {  	s25 =	rddreg [dreg:$0x8]  }
0x2d: {  	[tilespmem:s30], [sflag:$0x2] =	stream.linear.gather [hbm4b:s25+s5], $0x8000, $0x38;
	[tilespmem:$0x18880] =	vst v63  }
0x2e: {  	s26 =	rddreg [dreg:$0x9];
	s28 =	simm.s32 $0x10880  }
0x2f: {  	[tilespmem:s28], [sflag:$0x3] =	stream.linear.gather [hbm4b:s26+s5], $0x8000, $0x38;
	[tilespmem:$0x18880] =	vst v63  }
0x30: {  	s16 =	smov.u32 s29;
	s29 =	rddreg [dreg:$0x5];
	s30 =	simm.s32 $0x8  }
0x31: {  	[tilespmem:s5], [sflag:$0x8] =	stream.linear.gather [hbm4b:s29+s5], $0x800, $0x38;
	[tilespmem:$0x18880] =	vst v63  }
0x32: {  	_ =	swait.ge [sflag:s30], $0x800  }
0x33: {  	[sflag:s30] =	ssyncset.done $0x0  }
0x34: {  	s31 =	simm.s32 $0x0;
	[sflag:s30] =	ssyncadd.s32 $0xFFFFF800  }
0x35: {  	v9 =	vld [tilespmem:s31+$0x0]  }
0x36: {  	v7 =	vimm.s32 $0x0;
	v8 =	vimm.s32 $0x0;
	s0 =	simm.s32 $0x40  }
.LBB2_2:
0x37: {  	p0 =	sne.s32 s0, $0x1FC0  }
.Ltmp2:
0x38: {  	_ = 	snop;
	(pc) =	sbr.rel @p0 .LBB2_2-.Ltmp2, $4  }
0x39: {  	_ = 	snop  }
0x3a: {  	s1 =	sshra.s32 s0, $0x2;
	s0 =	sadd.s32 $0x40, s0;
	vm0 =	vlt.s32 v9, v1;
	vm1 =	vlt.s32 v9, v0  }
0x3b: {  	v9 =	vld [tilespmem:s1+$0x0];
	v10 =	vsel vm0, $0x1, v6;
	v11 =	vsel vm1, $0x1, v6  }
0x3c: {  	v7 =	vadd.s32 v10, v7;
	v8 =	vadd.s32 v11, v8  }
0x3d: {  	_ =	sdelay $0x2  }
0x3e: {  	vm0 =	vlt.s32 v9, v1  }
0x3f: {  	vm1 =	vlt.s32 v9, v0;
	v63 =	vsel vm0, $0x1, v6  }
0x40: {  	v10 =	vsel vm1, $0x1, v6;
	v7 =	vadd.s32 v63, v7  }
0x41: {  	v8 =	vadd.s32 v10, v8;
	(v2sf) =	vpush v7, $0x0  }
0x42: {  	(v2sf) =	vpush v8, $0x0  }
0x43: {  	(v2sf) =	vpush v7, $0x1  }
0x44: {  	(v2sf) =	vpush v8, $0x1  }
0x45: {  	(v2sf) =	vpush v7, $0x2  }
0x46: {  	(v2sf) =	vpush v8, $0x2  }
0x47: {  	(v2sf) =	vpush v7, $0x3  }
0x48: {  	(v2sf) =	vpush v8, $0x3  }
0x49: {  	(v2sf) =	vpush v7, $0x4  }
0x4a: {  	(v2sf) =	vpush v8, $0x4  }
0x4b: {  	(v2sf) =	vpush v7, $0x5  }
0x4c: {  	(v2sf) =	vpush v8, $0x5  }
0x4d: {  	(v2sf) =	vpush v7, $0x6  }
0x4e: {  	(v2sf) =	vpush v8, $0x6  }
0x4f: {  	(v2sf) =	vpush v7, $0x7  }
0x50: {  	s0 =	spop (v2sf);
	(v2sf) =	vpush v8, $0x7  }
0x51: {  	s1 =	spop (v2sf);
	(v2sf) =	vpush v7, $0x8  }
0x52: {  	s23 =	spop (v2sf);
	(v2sf) =	vpush v8, $0x8  }
0x53: {  	s4 =	spop (v2sf);
	(v2sf) =	vpush v7, $0x9  }
0x54: {  	s24 =	spop (v2sf);
	(v2sf) =	vpush v8, $0x9  }
0x55: {  	s8 =	spop (v2sf);
	(v2sf) =	vpush v7, $0xA  }
0x56: {  	s25 =	spop (v2sf);
	(v2sf) =	vpush v8, $0xA  }
0x57: {  	s9 =	spop (v2sf);
	(v2sf) =	vpush v7, $0xB  }
0x58: {  	s26 =	spop (v2sf);
	(v2sf) =	vpush v8, $0xB  }
0x59: {  	s12 =	spop (v2sf);
	(v2sf) =	vpush v7, $0xC  }
0x5a: {  	s28 =	spop (v2sf);
	(v2sf) =	vpush v8, $0xC  }
0x5b: {  	s14 =	spop (v2sf);
	(v2sf) =	vpush v7, $0xD  }
0x5c: {  	s29 =	spop (v2sf);
	(v2sf) =	vpush v8, $0xD  }
0x5d: {  	s19 =	spop (v2sf);
	(v2sf) =	vpush v7, $0xE  }
0x5e: {  	s30 =	spop (v2sf);
	(v2sf) =	vpush v8, $0xE  }
0x5f: {  	s20 =	spop (v2sf);
	(v2sf) =	vpush v7, $0xF  }
0x60: {  	s31 =	spop (v2sf);
	(v2sf) =	vpush v8, $0xF  }
0x61: {  	s22 =	spop (v2sf)  }
0x62: {  	s3 =	spop (v2sf)  }
0x63: {  	s21 =	spop (v2sf)  }
0x64: {  	[dreg:$0x17] =	wrdreg s1;
	s0 =	sadd.s32 s23, s0;
	s1 =	spop (v2sf)  }
0x65: {  	s0 =	sadd.s32 s24, s0;
	s23 =	spop (v2sf)  }
0x66: {  	s0 =	sadd.s32 s25, s0;
	s10 =	spop (v2sf)  }
0x67: {  	s0 =	sadd.s32 s26, s0;
	s24 =	spop (v2sf)  }
0x68: {  	s0 =	sadd.s32 s28, s0;
	s11 =	spop (v2sf)  }
0x69: {  	s0 =	sadd.s32 s29, s0;
	s25 =	spop (v2sf)  }
0x6a: {  	s0 =	sadd.s32 s30, s0;
	s30 =	spop (v2sf)  }
0x6b: {  	s0 =	sadd.s32 s31, s0;
	s26 =	spop (v2sf)  }
0x6c: {  	s0 =	sadd.s32 s3, s0;
	s3 =	spop (v2sf)  }
0x6d: {  	s0 =	sadd.s32 s1, s0;
	s28 =	spop (v2sf)  }
0x6e: {  	s0 =	sadd.s32 s10, s0;
	s10 =	spop (v2sf)  }
0x6f: {  	s31 =	simm.s32 $0x1;
	s0 =	sadd.s32 s11, s0;
	s29 =	spop (v2sf)  }
0x70: {  	s0 =	sadd.s32 s30, s0;
	_ =	swait.ge [sflag:s31], $0x8000  }
0x71: {  	s0 =	sadd.s32 s3, s0;
	[sflag:s31] =	ssyncset.done $0x0  }
0x72: {  	s0 =	sadd.s32 s10, s0;
	[sflag:s31] =	ssyncadd.s32 $0xFFFF8000  }
0x73: {  	v7 =	vld [tilespmem:s0+$0x0];
	_ =	sdelay $0x4  }
0x74: {  	vm15 =	vlt.s32 v7, v2  }
0x75: {  	v7 =	vsel vm15, $0x1, v6  }
0x76: {  	(v2sf) =	vpush v7, $0x0  }
0x77: {  	(v2sf) =	vpush v7, $0x1  }
0x78: {  	(v2sf) =	vpush v7, $0x2  }
0x79: {  	(v2sf) =	vpush v7, $0x3  }
0x7a: {  	(v2sf) =	vpush v7, $0x4  }
0x7b: {  	(v2sf) =	vpush v7, $0x5  }
0x7c: {  	(v2sf) =	vpush v7, $0x6  }
0x7d: {  	(v2sf) =	vpush v7, $0x7  }
0x7e: {  	(v2sf) =	vpush v7, $0x8  }
0x7f: {  	(v2sf) =	vpush v7, $0x9  }
0x80: {  	(v2sf) =	vpush v7, $0xA  }
0x81: {  	(v2sf) =	vpush v7, $0xB  }
0x82: {  	(v2sf) =	vpush v7, $0xC  }
0x83: {  	(v2sf) =	vpush v7, $0xD  }
0x84: {  	(v2sf) =	vpush v7, $0xE  }
0x85: {  	s30 =	rddreg [dreg:$0x17];
	s11 =	spop (v2sf);
	(v2sf) =	vpush v7, $0xF  }
0x86: {  	s3 =	sadd.s32 s4, s30;
	s31 =	spop (v2sf)  }
0x87: {  	s3 =	sadd.s32 s8, s3;
	s1 =	sadd.s32 s31, s11;
	s8 =	spop (v2sf)  }
0x88: {  	s3 =	sadd.s32 s9, s3;
	s1 =	sadd.s32 s8, s1;
	s10 =	spop (v2sf)  }
0x89: {  	s3 =	sadd.s32 s12, s3;
	s1 =	sadd.s32 s10, s1;
	s11 =	spop (v2sf)  }
0x8a: {  	s3 =	sadd.s32 s14, s3;
	s1 =	sadd.s32 s11, s1;
	s12 =	spop (v2sf)  }
0x8b: {  	s3 =	sadd.s32 s19, s3;
	s1 =	sadd.s32 s12, s1;
	s14 =	spop (v2sf)  }
0x8c: {  	s3 =	sadd.s32 s20, s3;
	s1 =	sadd.s32 s14, s1;
	s19 =	spop (v2sf)  }
0x8d: {  	s3 =	sadd.s32 s22, s3;
	s1 =	sadd.s32 s19, s1;
	s20 =	spop (v2sf)  }
0x8e: {  	s3 =	sadd.s32 s21, s3;
	s1 =	sadd.s32 s20, s1;
	s22 =	spop (v2sf)  }
0x8f: {  	s3 =	sadd.s32 s23, s3;
	s1 =	sadd.s32 s22, s1;
	s23 =	spop (v2sf)  }
0x90: {  	s3 =	sadd.s32 s24, s3;
	s1 =	sadd.s32 s23, s1;
	s24 =	spop (v2sf)  }
0x91: {  	s3 =	sadd.s32 s25, s3;
	s1 =	sadd.s32 s24, s1;
	s25 =	spop (v2sf)  }
0x92: {  	s3 =	sadd.s32 s26, s3;
	s1 =	sadd.s32 s25, s1;
	s26 =	spop (v2sf)  }
0x93: {  	s3 =	sadd.s32 s28, s3;
	s1 =	sadd.s32 s26, s1;
	s30 =	spop (v2sf)  }
0x94: {  	s21 =	sadd.s32 s29, s3;
	s1 =	sadd.s32 s30, s1;
	s31 =	spop (v2sf)  }
0x95: {  	s8 =	ssub.s32 s21, s0;
	s1 =	sadd.s32 s31, s1  }
0x96: {  	p0 =	slt.s32 s1, s8  }
0x97: {  	s8 =	smov.u32 @p0 s1  }
0x98: {  	p0 =	slt.s32 s8, $0x1  }
.Ltmp3:
0x99: {  	_ = 	snop;
	(pc) =	sbr.rel @p0 .LBB2_9-.Ltmp3, $2  }
0x9a: {  	_ =	sdelay $0x2  }
0x9b: {  	s29 =	smov.u32 s16;
	s19 =	rddreg [dreg:$0x3]  }
0x9c: {  	s1 =	sshll.u32 s0, $0x2  }
0x9d: {  	s4 =	sshra.s32 s1, $0x2  }
0x9e: {  	v7 =	vld [tilespmem:s4+$0x0];
	_ =	sdelay $0x4  }
0x9f: {  	(v2sf) =	vpush v7, $0x0;
	_ =	sdelay $0xe  }
0xa0: {  	s10 =	sshll.u32 s0, $0xB;
	s3 =	spop (v2sf)  }
0xa1: {  	s1 =	sshll.u32 s0, $0x7;
	s9 =	sshll.u32 s3, $0x7;
	s3 =	ssub.s32 s3, s7  }
0xa2: {  	s11 =	sand.u32 $0xFFFFC000, s10;
	s12 =	sand.u32 $0x380, s1;
	s3 =	sshll.u32 s3, $0xB  }
0xa3: {  	s11 =	sor.u32 s12, s11;
	s9 =	sand.u32 $0x380, s9;
	s3 =	sand.u32 $0xFFFFC000, s3  }
0xa4: {  	s11 =	sshrl.u32 s11, $0x3;
	s3 =	sor.u32 s9, s3  }
0xa5: {  	s11 =	sadd.s32 s2, s11;
	s9 =	sadd.s32 $0x880, s3  }
0xa6: {  	[tilespmem:s9], [sflag:$0x7] =	stream.linear.gather [hbm4b:s11+s5], $0x80, $0x38;
	[tilespmem:$0x18880] =	vst v63  }
0xa7: {  	s22 =	sadd.s32 $0x80, s11;
	s23 =	sadd.s32 $0xC80, s3  }
0xa8: {  	[tilespmem:s23], [sflag:$0x7] =	stream.linear.gather [hbm4b:s22+s5], $0x80, $0x38;
	[tilespmem:$0x18880] =	vst v63  }
0xa9: {  	s24 =	sadd.s32 $0x100, s11;
	s25 =	sadd.s32 $0x1080, s3  }
0xaa: {  	[tilespmem:s25], [sflag:$0x7] =	stream.linear.gather [hbm4b:s24+s5], $0x80, $0x38;
	[tilespmem:$0x18880] =	vst v63  }
0xab: {  	s26 =	sadd.s32 $0x180, s11;
	s28 =	sadd.s32 $0x1480, s3  }
0xac: {  	[tilespmem:s28], [sflag:$0x7] =	stream.linear.gather [hbm4b:s26+s5], $0x80, $0x38;
	[tilespmem:$0x18880] =	vst v63  }
0xad: {  	s30 =	sadd.s32 $0x200, s11;
	s31 =	sadd.s32 $0x1880, s3  }
0xae: {  	[tilespmem:s31], [sflag:$0x7] =	stream.linear.gather [hbm4b:s30+s5], $0x80, $0x38;
	[tilespmem:$0x18880] =	vst v63  }
0xaf: {  	s14 =	sadd.s32 $0x280, s11;
	s20 =	sadd.s32 $0x1C80, s3  }
0xb0: {  	[tilespmem:s20], [sflag:$0x7] =	stream.linear.gather [hbm4b:s14+s5], $0x80, $0x38;
	[tilespmem:$0x18880] =	vst v63  }
0xb1: {  	s22 =	sadd.s32 $0x300, s11;
	s23 =	sadd.s32 $0x2080, s3  }
0xb2: {  	[tilespmem:s23], [sflag:$0x7] =	stream.linear.gather [hbm4b:s22+s5], $0x80, $0x38;
	[tilespmem:$0x18880] =	vst v63  }
0xb3: {  	s24 =	sadd.s32 $0x380, s11;
	s25 =	sadd.s32 $0x2480, s3  }
0xb4: {  	[tilespmem:s25], [sflag:$0x7] =	stream.linear.gather [hbm4b:s24+s5], $0x80, $0x38;
	[tilespmem:$0x18880] =	vst v63  }
0xb5: {  	s26 =	sadd.s32 $0x400, s11;
	s28 =	sadd.s32 $0x2880, s3  }
0xb6: {  	[tilespmem:s28], [sflag:$0x7] =	stream.linear.gather [hbm4b:s26+s5], $0x80, $0x38;
	[tilespmem:$0x18880] =	vst v63  }
0xb7: {  	s30 =	sadd.s32 $0x480, s11;
	s31 =	sadd.s32 $0x2C80, s3  }
0xb8: {  	[tilespmem:s31], [sflag:$0x7] =	stream.linear.gather [hbm4b:s30+s5], $0x80, $0x38;
	[tilespmem:$0x18880] =	vst v63  }
0xb9: {  	p0 =	sne.s32 s8, $0x1;
	s14 =	sadd.s32 $0x500, s11;
	s20 =	sadd.s32 $0x3080, s3  }
0xba: {  	[tilespmem:s20], [sflag:$0x7] =	stream.linear.gather [hbm4b:s14+s5], $0x80, $0x38;
	[tilespmem:$0x18880] =	vst v63  }
0xbb: {  	s1 =	sadd.s32 $0x80, s1;
	s22 =	sadd.s32 $0x580, s11;
	s23 =	sadd.s32 $0x3480, s3  }
0xbc: {  	[tilespmem:s23], [sflag:$0x7] =	stream.linear.gather [hbm4b:s22+s5], $0x80, $0x38;
	[tilespmem:$0x18880] =	vst v63  }
0xbd: {  	s12 =	sadd.s32 $0x780, s11;
	s24 =	sadd.s32 $0x600, s11;
	s25 =	sadd.s32 $0x3880, s3  }
0xbe: {  	[tilespmem:s25], [sflag:$0x7] =	stream.linear.gather [hbm4b:s24+s5], $0x80, $0x38;
	[tilespmem:$0x18880] =	vst v63  }
.Ltmp4:
0xbf: {  	s9 =	sadd.s32 $0xFFFFFFFF, s8;
	s26 =	sadd.s32 $0x680, s11;
	(pc) =	sbr.rel @!p0 .LBB2_6-.Ltmp4, $4  }
0xc0: {  	s28 =	sadd.s32 $0x3C80, s3;
	s30 =	sadd.s32 $0x700, s11;
	s31 =	sadd.s32 $0x4080, s3  }
0xc1: {  	[tilespmem:s28], [sflag:$0x7] =	stream.linear.gather [hbm4b:s26+s5], $0x80, $0x38;
	[tilespmem:$0x18880] =	vst v63  }
0xc2: {  	s14 =	sadd.s32 $0x1, s4;
	s20 =	sadd.s32 $0x800, s10;
	s4 =	sadd.s32 $0x4480, s3  }
0xc3: {  	[tilespmem:s31], [sflag:$0x7] =	stream.linear.gather [hbm4b:s30+s5], $0x80, $0x38;
	[tilespmem:$0x18880] =	vst v63  }
.LBB2_5:
0xc4: {  	[tilespmem:s4], [sflag:$0x7] =	stream.linear.gather [hbm4b:s12+s5], $0x80, $0x38;
	[tilespmem:$0x18880] =	vst v63  }
0xc5: {  	p1 =	sne.s32 s9, $0x1;
	s9 =	sadd.s32 $0xFFFFFFFF, s9;
	v7 =	vld [tilespmem:s14+$0x0];
	_ =	sdelay $0x4  }
0xc6: {  	(v2sf) =	vpush v7, $0x0;
	_ =	sdelay $0xe  }
0xc7: {  	s3 =	spop (v2sf)  }
0xc8: {  	s4 =	sshll.u32 s3, $0x7;
	s3 =	ssub.s32 s3, s7  }
0xc9: {  	s10 =	sand.u32 $0xFFFFC000, s20;
	s11 =	sand.u32 $0x380, s1;
	s3 =	sshll.u32 s3, $0xB  }
0xca: {  	s10 =	sor.u32 s11, s10;
	s4 =	sand.u32 $0x380, s4;
	s3 =	sand.u32 $0xFFFFC000, s3  }
0xcb: {  	s10 =	sshrl.u32 s10, $0x3;
	s4 =	sor.u32 s4, s3  }
0xcc: {  	s12 =	sadd.s32 s2, s10;
	s3 =	sadd.s32 $0x880, s4  }
0xcd: {  	[tilespmem:s3], [sflag:$0x7] =	stream.linear.gather [hbm4b:s12+s5], $0x80, $0x38;
	[tilespmem:$0x18880] =	vst v63  }
0xce: {  	s10 =	sadd.s32 $0xC80, s4;
	s3 =	sadd.s32 $0x80, s12  }
0xcf: {  	[tilespmem:s10], [sflag:$0x7] =	stream.linear.gather [hbm4b:s3+s5], $0x80, $0x38;
	[tilespmem:$0x18880] =	vst v63  }
0xd0: {  	s3 =	sadd.s32 $0x100, s12;
	s10 =	sadd.s32 $0x1080, s4  }
0xd1: {  	[tilespmem:s10], [sflag:$0x7] =	stream.linear.gather [hbm4b:s3+s5], $0x80, $0x38;
	[tilespmem:$0x18880] =	vst v63  }
0xd2: {  	s3 =	sadd.s32 $0x180, s12;
	s10 =	sadd.s32 $0x1480, s4  }
0xd3: {  	[tilespmem:s10], [sflag:$0x7] =	stream.linear.gather [hbm4b:s3+s5], $0x80, $0x38;
	[tilespmem:$0x18880] =	vst v63  }
0xd4: {  	s3 =	sadd.s32 $0x200, s12;
	s10 =	sadd.s32 $0x1880, s4  }
0xd5: {  	[tilespmem:s10], [sflag:$0x7] =	stream.linear.gather [hbm4b:s3+s5], $0x80, $0x38;
	[tilespmem:$0x18880] =	vst v63  }
0xd6: {  	s3 =	sadd.s32 $0x280, s12;
	s10 =	sadd.s32 $0x1C80, s4  }
0xd7: {  	[tilespmem:s10], [sflag:$0x7] =	stream.linear.gather [hbm4b:s3+s5], $0x80, $0x38;
	[tilespmem:$0x18880] =	vst v63  }
0xd8: {  	s3 =	sadd.s32 $0x300, s12;
	s10 =	sadd.s32 $0x2080, s4  }
0xd9: {  	[tilespmem:s10], [sflag:$0x7] =	stream.linear.gather [hbm4b:s3+s5], $0x80, $0x38;
	[tilespmem:$0x18880] =	vst v63  }
0xda: {  	s3 =	sadd.s32 $0x380, s12;
	s10 =	sadd.s32 $0x2480, s4  }
0xdb: {  	[tilespmem:s10], [sflag:$0x7] =	stream.linear.gather [hbm4b:s3+s5], $0x80, $0x38;
	[tilespmem:$0x18880] =	vst v63  }
0xdc: {  	s3 =	sadd.s32 $0x400, s12;
	s10 =	sadd.s32 $0x2880, s4  }
0xdd: {  	[tilespmem:s10], [sflag:$0x7] =	stream.linear.gather [hbm4b:s3+s5], $0x80, $0x38;
	[tilespmem:$0x18880] =	vst v63  }
0xde: {  	s3 =	sadd.s32 $0x480, s12;
	s10 =	sadd.s32 $0x2C80, s4  }
0xdf: {  	[tilespmem:s10], [sflag:$0x7] =	stream.linear.gather [hbm4b:s3+s5], $0x80, $0x38;
	[tilespmem:$0x18880] =	vst v63  }
0xe0: {  	s3 =	sadd.s32 $0x500, s12;
	s10 =	sadd.s32 $0x3080, s4  }
0xe1: {  	[tilespmem:s10], [sflag:$0x7] =	stream.linear.gather [hbm4b:s3+s5], $0x80, $0x38;
	[tilespmem:$0x18880] =	vst v63  }
0xe2: {  	s3 =	sadd.s32 $0x580, s12;
	s10 =	sadd.s32 $0x3480, s4  }
0xe3: {  	[tilespmem:s10], [sflag:$0x7] =	stream.linear.gather [hbm4b:s3+s5], $0x80, $0x38;
	[tilespmem:$0x18880] =	vst v63  }
0xe4: {  	s14 =	sadd.s32 $0x1, s14;
	s3 =	sadd.s32 $0x600, s12;
	s10 =	sadd.s32 $0x3880, s4  }
0xe5: {  	[tilespmem:s10], [sflag:$0x7] =	stream.linear.gather [hbm4b:s3+s5], $0x80, $0x38;
	[tilespmem:$0x18880] =	vst v63  }
.Ltmp5:
0xe6: {  	s3 =	sadd.s32 $0x680, s12;
	s10 =	sadd.s32 $0x3C80, s4;
	(pc) =	sbr.rel @p1 .LBB2_5-.Ltmp5, $4  }
0xe7: {  	[tilespmem:s10], [sflag:$0x7] =	stream.linear.gather [hbm4b:s3+s5], $0x80, $0x38;
	[tilespmem:$0x18880] =	vst v63  }
0xe8: {  	s20 =	sadd.s32 $0x800, s20;
	s3 =	sadd.s32 $0x700, s12;
	s10 =	sadd.s32 $0x4080, s4  }
0xe9: {  	[tilespmem:s10], [sflag:$0x7] =	stream.linear.gather [hbm4b:s3+s5], $0x80, $0x38;
	[tilespmem:$0x18880] =	vst v63  }
0xea: {  	s1 =	sadd.s32 $0x80, s1;
	s12 =	sadd.s32 $0x780, s12;
	s4 =	sadd.s32 $0x4480, s4  }
.LBB2_6:
.Ltmp6:
0xeb: {  	(pc) =	sbr.rel @!p0 .LBB2_8-.Ltmp6, $4  }
0xec: {  	_ = 	snop  }
0xed: {  	[tilespmem:s4], [sflag:$0x7] =	stream.linear.gather [hbm4b:s12+s5], $0x80, $0x38;
	[tilespmem:$0x18880] =	vst v63  }
0xee: {  	_ =	swait.ge [sflag:s6], $0x800  }
0xef: {  	s1 =	sadd.s32 $0xFFFFFFFF, s8;
	[sflag:s6] =	ssyncset.done $0x0  }
.LBB2_7:
0xf0: {  	p0 =	sne.s32 s1, $0x1;
	s1 =	sadd.s32 $0xFFFFFFFF, s1;
	[sflag:s6] =	ssyncadd.s32 $0xFFFFF800  }
.Ltmp7:
0xf1: {  	(pc) =	sbr.rel @p0 .LBB2_7-.Ltmp7, $3  }
0xf2: {  	_ =	sdelay $0x1  }
0xf3: {  	_ =	swait.ge [sflag:s6], $0x800  }
0xf4: {  	[sflag:s6] =	ssyncset.done $0x0  }
.LBB2_8:
0xf5: {  	[sflag:s6] =	ssyncadd.s32 $0xFFFFF800  }
.LBB2_9:
.Ltmp8:
0xf6: {  	(pc) =	sbr.rel .LBB2_10-.Ltmp8, $4  }
0xf7: {  	_ = 	snop  }
0xf8: {  	s9 =	simm.s32 $0x0;
	s1 =	rddreg [dreg:$0xa]  }
0xf9: {  	s3 =	simm.s32 $0x880;
	s0 =	sadd.s32 s0, s8;
	s30 =	simm.s32 $0x8880  }
0xfa: {  	[hbm4b:s1+s9] =	stream.linear.scatter [tilespmem:s3], [sflag:$0x4], $0x8000, $0x38;
	[tilespmem:$0x18880] =	vst v63  }
.LBB2_27:
0xfb: {  	[sflag:s6] =	ssyncadd.s32 $0xFFFFF800  }
0xfc: {  	s29 =	smov.u32 s16;
	s30 =	simm.s32 $0x8880;
	s19 =	rddreg [dreg:$0x3]  }
.LBB2_28:
0xfd: {  	s1 =	sadd.s32 s19, s8;
	s3 =	simm.s32 $0x880;
	s12 =	simm.s32 $0x6  }
0xfe: {  	[hbm4b:s1+s5] =	stream.linear.scatter [tilespmem:s3], [sflag:$0x4], $0x8000, $0x38;
	[tilespmem:$0x18880] =	vst v63  }
0xff: {  	s9 =	sadd.s32 $0x1, s9;
	_ =	swait.ge [sflag:s12], $0x8000  }
0x100: {  	p0 =	sne.s32 s9, $0x9;
	s14 =	rddreg [dreg:$0x15]  }
.Ltmp9:
0x101: {  	s0 =	sadd.s32 s0, s14;
	(pc) =	sbr.rel @!p0 .LBB2_29-.Ltmp9, $4  }
0x102: {  	[sflag:s12] =	ssyncset.done $0x0;
	s0 =	sshll.u32 s0, $0x8  }
0x103: {  	s31 =	simm.s32 $0x10880;
	[sflag:s12] =	ssyncadd.s32 $0xFFFF8000;
	s0 =	sadd.s32 s29, s0  }
0x104: {  	[tilespmem:s31], [sflag:$0x3] =	stream.linear.gather [hbm4b:s0+s5], $0x8000, $0x38;
	[tilespmem:$0x18880] =	vst v63  }
0x105: {  	s0 =	sadd.s32 s26, s28  }
.LBB2_10:
0x106: {  	s1 =	simm.s32 $0x2  }
0x107: {  	_ =	swait.ge [sflag:s1], $0x8000  }
0x108: {  	[sflag:s1] =	ssyncset.done $0x0  }
0x109: {  	[sflag:s1] =	ssyncadd.s32 $0xFFFF8000  }
0x10a: {  	v7 =	vld [tilespmem:s0+$0x0]  }
0x10b: {  	s22 =	smov.u32 s0;
	s0 =	smul.u32 $0x30, s9  }
0x10c: {  	s25 =	rddreg [dreg:$0x6]  }
0x10d: {  	s8 =	sadd.s32 s0, s25  }
0x10e: {  	s1 =	sadd.s32 $0x10, s8  }
0x10f: {  	vm0 =	vlt.s32 v7, s1  }
0x110: {  	v7 =	vsel vm0, $0x1, v6  }
0x111: {  	(v2sf) =	vpush v7, $0x0  }
0x112: {  	(v2sf) =	vpush v7, $0x1  }
0x113: {  	(v2sf) =	vpush v7, $0x2  }
0x114: {  	(v2sf) =	vpush v7, $0x3  }
0x115: {  	(v2sf) =	vpush v7, $0x4  }
0x116: {  	(v2sf) =	vpush v7, $0x5  }
0x117: {  	(v2sf) =	vpush v7, $0x6  }
0x118: {  	(v2sf) =	vpush v7, $0x7  }
0x119: {  	(v2sf) =	vpush v7, $0x8  }
0x11a: {  	(v2sf) =	vpush v7, $0x9  }
0x11b: {  	(v2sf) =	vpush v7, $0xA  }
0x11c: {  	(v2sf) =	vpush v7, $0xB  }
0x11d: {  	(v2sf) =	vpush v7, $0xC  }
0x11e: {  	(v2sf) =	vpush v7, $0xD  }
0x11f: {  	(v2sf) =	vpush v7, $0xE  }
0x120: {  	s26 =	spop (v2sf);
	(v2sf) =	vpush v7, $0xF  }
0x121: {  	s3 =	spop (v2sf)  }
0x122: {  	s4 =	spop (v2sf);
	s1 =	sadd.s32 s3, s26  }
0x123: {  	s28 =	spop (v2sf);
	s1 =	sadd.s32 s4, s1  }
0x124: {  	s31 =	spop (v2sf);
	s1 =	sadd.s32 s28, s1  }
0x125: {  	s10 =	spop (v2sf);
	s1 =	sadd.s32 s31, s1  }
0x126: {  	s11 =	spop (v2sf);
	s1 =	sadd.s32 s10, s1  }
0x127: {  	s12 =	spop (v2sf);
	s1 =	sadd.s32 s11, s1  }
0x128: {  	s14 =	spop (v2sf);
	s1 =	sadd.s32 s12, s1  }
0x129: {  	s20 =	spop (v2sf);
	s1 =	sadd.s32 s14, s1  }
0x12a: {  	s23 =	spop (v2sf);
	s1 =	sadd.s32 s20, s1  }
0x12b: {  	s24 =	spop (v2sf);
	s1 =	sadd.s32 s23, s1  }
0x12c: {  	s25 =	spop (v2sf);
	s1 =	sadd.s32 s24, s1  }
0x12d: {  	s26 =	spop (v2sf);
	s1 =	sadd.s32 s25, s1  }
0x12e: {  	s28 =	spop (v2sf);
	s1 =	sadd.s32 s26, s1  }
0x12f: {  	s1 =	sadd.s32 s28, s1;
	s31 =	spop (v2sf)  }
0x130: {  	s24 =	ssub.s32 s21, s22;
	s23 =	sadd.s32 s31, s1  }
0x131: {  	s20 =	smov.u32 s24;
	p0 =	slt.s32 s23, s24  }
0x132: {  	s20 =	smov.u32 @p0 s23  }
0x133: {  	p0 =	slt.s32 s20, $0x1  }
.Ltmp10:
0x134: {  	_ = 	snop;
	(pc) =	sbr.rel @p0 .LBB2_16-.Ltmp10, $1  }
0x135: {  	_ =	sdelay $0x3  }
0x136: {  	s1 =	sshll.u32 s22, $0x2  }
0x137: {  	s4 =	sshra.s32 s1, $0x2  }
0x138: {  	v7 =	vld [tilespmem:s4+$0x0];
	_ =	sdelay $0x4  }
0x139: {  	(v2sf) =	vpush v7, $0x0;
	_ =	sdelay $0xe  }
0x13a: {  	s10 =	sshll.u32 s22, $0xB;
	s3 =	spop (v2sf)  }
0x13b: {  	s1 =	sshll.u32 s22, $0x7;
	s11 =	sshll.u32 s3, $0x7;
	s3 =	ssub.s32 s3, s8  }
0x13c: {  	s12 =	sand.u32 $0xFFFFC000, s10;
	s14 =	sand.u32 $0x380, s1;
	s3 =	sshll.u32 s3, $0xB  }
0x13d: {  	s12 =	sor.u32 s14, s12;
	s11 =	sand.u32 $0x380, s11;
	s3 =	sand.u32 $0xFFFFC000, s3  }
0x13e: {  	s12 =	sshrl.u32 s12, $0x3;
	s3 =	sor.u32 s11, s3  }
0x13f: {  	s11 =	sadd.s32 s2, s12;
	s14 =	sadd.s32 $0x8880, s3  }
0x140: {  	[tilespmem:s14], [sflag:$0x7] =	stream.linear.gather [hbm4b:s11+s5], $0x80, $0x38;
	[tilespmem:$0x18880] =	vst v63  }
0x141: {  	s25 =	sadd.s32 $0x80, s11;
	s26 =	sadd.s32 $0x8C80, s3  }
0x142: {  	[tilespmem:s26], [sflag:$0x7] =	stream.linear.gather [hbm4b:s25+s5], $0x80, $0x38;
	[tilespmem:$0x18880] =	vst v63  }
0x143: {  	s28 =	sadd.s32 $0x100, s11;
	s31 =	sadd.s32 $0x9080, s3  }
0x144: {  	[tilespmem:s31], [sflag:$0x7] =	stream.linear.gather [hbm4b:s28+s5], $0x80, $0x38;
	[tilespmem:$0x18880] =	vst v63  }
0x145: {  	s25 =	sadd.s32 $0x180, s11;
	s26 =	sadd.s32 $0x9480, s3  }
0x146: {  	[tilespmem:s26], [sflag:$0x7] =	stream.linear.gather [hbm4b:s25+s5], $0x80, $0x38;
	[tilespmem:$0x18880] =	vst v63  }
0x147: {  	s28 =	sadd.s32 $0x200, s11;
	s31 =	sadd.s32 $0x9880, s3  }
0x148: {  	[tilespmem:s31], [sflag:$0x7] =	stream.linear.gather [hbm4b:s28+s5], $0x80, $0x38;
	[tilespmem:$0x18880] =	vst v63  }
0x149: {  	s25 =	sadd.s32 $0x280, s11;
	s26 =	sadd.s32 $0x9C80, s3  }
0x14a: {  	[tilespmem:s26], [sflag:$0x7] =	stream.linear.gather [hbm4b:s25+s5], $0x80, $0x38;
	[tilespmem:$0x18880] =	vst v63  }
0x14b: {  	s28 =	sadd.s32 $0x300, s11;
	s31 =	sadd.s32 $0xA080, s3  }
0x14c: {  	[tilespmem:s31], [sflag:$0x7] =	stream.linear.gather [hbm4b:s28+s5], $0x80, $0x38;
	[tilespmem:$0x18880] =	vst v63  }
0x14d: {  	s25 =	sadd.s32 $0x380, s11;
	s26 =	sadd.s32 $0xA480, s3  }
0x14e: {  	[tilespmem:s26], [sflag:$0x7] =	stream.linear.gather [hbm4b:s25+s5], $0x80, $0x38;
	[tilespmem:$0x18880] =	vst v63  }
0x14f: {  	s28 =	sadd.s32 $0x400, s11;
	s31 =	sadd.s32 $0xA880, s3  }
0x150: {  	[tilespmem:s31], [sflag:$0x7] =	stream.linear.gather [hbm4b:s28+s5], $0x80, $0x38;
	[tilespmem:$0x18880] =	vst v63  }
0x151: {  	s25 =	sadd.s32 $0x480, s11;
	s26 =	sadd.s32 $0xAC80, s3  }
0x152: {  	[tilespmem:s26], [sflag:$0x7] =	stream.linear.gather [hbm4b:s25+s5], $0x80, $0x38;
	[tilespmem:$0x18880] =	vst v63  }
0x153: {  	p0 =	sne.s32 s20, $0x1;
	s28 =	sadd.s32 $0x500, s11;
	s31 =	sadd.s32 $0xB080, s3  }
0x154: {  	[tilespmem:s31], [sflag:$0x7] =	stream.linear.gather [hbm4b:s28+s5], $0x80, $0x38;
	[tilespmem:$0x18880] =	vst v63  }
0x155: {  	s1 =	sadd.s32 $0x80, s1;
	s25 =	sadd.s32 $0x580, s11;
	s26 =	sadd.s32 $0xB480, s3  }
0x156: {  	[tilespmem:s26], [sflag:$0x7] =	stream.linear.gather [hbm4b:s25+s5], $0x80, $0x38;
	[tilespmem:$0x18880] =	vst v63  }
0x157: {  	s12 =	sadd.s32 $0x780, s11;
	s28 =	sadd.s32 $0x600, s11;
	s31 =	sadd.s32 $0xB880, s3  }
0x158: {  	[tilespmem:s31], [sflag:$0x7] =	stream.linear.gather [hbm4b:s28+s5], $0x80, $0x38;
	[tilespmem:$0x18880] =	vst v63  }
.Ltmp11:
0x159: {  	s14 =	sadd.s32 $0xFFFFFFFF, s20;
	s25 =	sadd.s32 $0x680, s11;
	(pc) =	sbr.rel @!p0 .LBB2_13-.Ltmp11, $4  }
0x15a: {  	s26 =	sadd.s32 $0xBC80, s3;
	s28 =	sadd.s32 $0x700, s11;
	s31 =	sadd.s32 $0xC080, s3  }
0x15b: {  	[tilespmem:s26], [sflag:$0x7] =	stream.linear.gather [hbm4b:s25+s5], $0x80, $0x38;
	[tilespmem:$0x18880] =	vst v63  }
0x15c: {  	s25 =	sadd.s32 $0x1, s4;
	s26 =	sadd.s32 $0x800, s10;
	s4 =	sadd.s32 $0xC480, s3  }
0x15d: {  	[tilespmem:s31], [sflag:$0x7] =	stream.linear.gather [hbm4b:s28+s5], $0x80, $0x38;
	[tilespmem:$0x18880] =	vst v63  }
.LBB2_12:
0x15e: {  	[tilespmem:s4], [sflag:$0x7] =	stream.linear.gather [hbm4b:s12+s5], $0x80, $0x38;
	[tilespmem:$0x18880] =	vst v63  }
0x15f: {  	p1 =	sne.s32 s14, $0x1;
	s14 =	sadd.s32 $0xFFFFFFFF, s14;
	v7 =	vld [tilespmem:s25+$0x0];
	_ =	sdelay $0x4  }
0x160: {  	(v2sf) =	vpush v7, $0x0;
	_ =	sdelay $0xe  }
0x161: {  	s3 =	spop (v2sf)  }
0x162: {  	s4 =	sshll.u32 s3, $0x7;
	s3 =	ssub.s32 s3, s8  }
0x163: {  	s10 =	sand.u32 $0xFFFFC000, s26;
	s11 =	sand.u32 $0x380, s1;
	s3 =	sshll.u32 s3, $0xB  }
0x164: {  	s10 =	sor.u32 s11, s10;
	s4 =	sand.u32 $0x380, s4;
	s3 =	sand.u32 $0xFFFFC000, s3  }
0x165: {  	s10 =	sshrl.u32 s10, $0x3;
	s4 =	sor.u32 s4, s3  }
0x166: {  	s12 =	sadd.s32 s2, s10;
	s3 =	sadd.s32 $0x8880, s4  }
0x167: {  	[tilespmem:s3], [sflag:$0x7] =	stream.linear.gather [hbm4b:s12+s5], $0x80, $0x38;
	[tilespmem:$0x18880] =	vst v63  }
0x168: {  	s10 =	sadd.s32 $0x8C80, s4;
	s3 =	sadd.s32 $0x80, s12  }
0x169: {  	[tilespmem:s10], [sflag:$0x7] =	stream.linear.gather [hbm4b:s3+s5], $0x80, $0x38;
	[tilespmem:$0x18880] =	vst v63  }
0x16a: {  	s3 =	sadd.s32 $0x100, s12;
	s10 =	sadd.s32 $0x9080, s4  }
0x16b: {  	[tilespmem:s10], [sflag:$0x7] =	stream.linear.gather [hbm4b:s3+s5], $0x80, $0x38;
	[tilespmem:$0x18880] =	vst v63  }
0x16c: {  	s3 =	sadd.s32 $0x180, s12;
	s10 =	sadd.s32 $0x9480, s4  }
0x16d: {  	[tilespmem:s10], [sflag:$0x7] =	stream.linear.gather [hbm4b:s3+s5], $0x80, $0x38;
	[tilespmem:$0x18880] =	vst v63  }
0x16e: {  	s3 =	sadd.s32 $0x200, s12;
	s10 =	sadd.s32 $0x9880, s4  }
0x16f: {  	[tilespmem:s10], [sflag:$0x7] =	stream.linear.gather [hbm4b:s3+s5], $0x80, $0x38;
	[tilespmem:$0x18880] =	vst v63  }
0x170: {  	s3 =	sadd.s32 $0x280, s12;
	s10 =	sadd.s32 $0x9C80, s4  }
0x171: {  	[tilespmem:s10], [sflag:$0x7] =	stream.linear.gather [hbm4b:s3+s5], $0x80, $0x38;
	[tilespmem:$0x18880] =	vst v63  }
0x172: {  	s3 =	sadd.s32 $0x300, s12;
	s10 =	sadd.s32 $0xA080, s4  }
0x173: {  	[tilespmem:s10], [sflag:$0x7] =	stream.linear.gather [hbm4b:s3+s5], $0x80, $0x38;
	[tilespmem:$0x18880] =	vst v63  }
0x174: {  	s3 =	sadd.s32 $0x380, s12;
	s10 =	sadd.s32 $0xA480, s4  }
0x175: {  	[tilespmem:s10], [sflag:$0x7] =	stream.linear.gather [hbm4b:s3+s5], $0x80, $0x38;
	[tilespmem:$0x18880] =	vst v63  }
0x176: {  	s3 =	sadd.s32 $0x400, s12;
	s10 =	sadd.s32 $0xA880, s4  }
0x177: {  	[tilespmem:s10], [sflag:$0x7] =	stream.linear.gather [hbm4b:s3+s5], $0x80, $0x38;
	[tilespmem:$0x18880] =	vst v63  }
0x178: {  	s3 =	sadd.s32 $0x480, s12;
	s10 =	sadd.s32 $0xAC80, s4  }
0x179: {  	[tilespmem:s10], [sflag:$0x7] =	stream.linear.gather [hbm4b:s3+s5], $0x80, $0x38;
	[tilespmem:$0x18880] =	vst v63  }
0x17a: {  	s3 =	sadd.s32 $0x500, s12;
	s10 =	sadd.s32 $0xB080, s4  }
0x17b: {  	[tilespmem:s10], [sflag:$0x7] =	stream.linear.gather [hbm4b:s3+s5], $0x80, $0x38;
	[tilespmem:$0x18880] =	vst v63  }
0x17c: {  	s3 =	sadd.s32 $0x580, s12;
	s10 =	sadd.s32 $0xB480, s4  }
0x17d: {  	[tilespmem:s10], [sflag:$0x7] =	stream.linear.gather [hbm4b:s3+s5], $0x80, $0x38;
	[tilespmem:$0x18880] =	vst v63  }
0x17e: {  	s25 =	sadd.s32 $0x1, s25;
	s3 =	sadd.s32 $0x600, s12;
	s10 =	sadd.s32 $0xB880, s4  }
0x17f: {  	[tilespmem:s10], [sflag:$0x7] =	stream.linear.gather [hbm4b:s3+s5], $0x80, $0x38;
	[tilespmem:$0x18880] =	vst v63  }
.Ltmp12:
0x180: {  	s3 =	sadd.s32 $0x680, s12;
	s10 =	sadd.s32 $0xBC80, s4;
	(pc) =	sbr.rel @p1 .LBB2_12-.Ltmp12, $4  }
0x181: {  	[tilespmem:s10], [sflag:$0x7] =	stream.linear.gather [hbm4b:s3+s5], $0x80, $0x38;
	[tilespmem:$0x18880] =	vst v63  }
0x182: {  	s26 =	sadd.s32 $0x800, s26;
	s3 =	sadd.s32 $0x700, s12;
	s10 =	sadd.s32 $0xC080, s4  }
0x183: {  	[tilespmem:s10], [sflag:$0x7] =	stream.linear.gather [hbm4b:s3+s5], $0x80, $0x38;
	[tilespmem:$0x18880] =	vst v63  }
0x184: {  	s1 =	sadd.s32 $0x80, s1;
	s12 =	sadd.s32 $0x780, s12;
	s4 =	sadd.s32 $0xC480, s4  }
.LBB2_13:
.Ltmp13:
0x185: {  	(pc) =	sbr.rel @!p0 .LBB2_15-.Ltmp13, $4  }
0x186: {  	_ = 	snop  }
0x187: {  	[tilespmem:s4], [sflag:$0x7] =	stream.linear.gather [hbm4b:s12+s5], $0x80, $0x38;
	[tilespmem:$0x18880] =	vst v63  }
0x188: {  	_ =	swait.ge [sflag:s6], $0x800  }
0x189: {  	s1 =	sadd.s32 $0xFFFFFFFF, s20;
	[sflag:s6] =	ssyncset.done $0x0  }
.LBB2_14:
0x18a: {  	p0 =	sne.s32 s1, $0x1;
	s1 =	sadd.s32 $0xFFFFFFFF, s1;
	[sflag:s6] =	ssyncadd.s32 $0xFFFFF800  }
.Ltmp14:
0x18b: {  	(pc) =	sbr.rel @p0 .LBB2_14-.Ltmp14, $3  }
0x18c: {  	_ =	sdelay $0x1  }
0x18d: {  	_ =	swait.ge [sflag:s6], $0x800  }
0x18e: {  	[sflag:s6] =	ssyncset.done $0x0  }
.LBB2_15:
0x18f: {  	[sflag:s6] =	ssyncadd.s32 $0xFFFFF800  }
.LBB2_16:
0x190: {  	s1 =	sshll.u32 s8, $0x8  }
0x191: {  	s3 =	simm.s32 $0x4;
	s1 =	sadd.s32 s19, s1  }
0x192: {  	[hbm4b:s1+s5] =	stream.linear.scatter [tilespmem:s30], [sflag:$0x5], $0x8000, $0x38;
	[tilespmem:$0x18880] =	vst v63  }
0x193: {  	_ =	swait.ge [sflag:s3], $0x8000  }
0x194: {  	s25 =	rddreg [dreg:$0xb]  }
0x195: {  	s14 =	sadd.s32 s0, s25  }
0x196: {  	s31 =	simm.s32 $0x880;
	[sflag:s3] =	ssyncset.done $0x0;
	s8 =	sshll.u32 s14, $0x8  }
0x197: {  	s4 =	simm.s32 $0x3;
	[sflag:s3] =	ssyncadd.s32 $0xFFFF8000;
	s26 =	sadd.s32 s29, s8  }
0x198: {  	[tilespmem:s31], [sflag:$0x1] =	stream.linear.gather [hbm4b:s26+s5], $0x8000, $0x38;
	[tilespmem:$0x18880] =	vst v63  }
0x199: {  	_ =	swait.ge [sflag:s4], $0x8000  }
0x19a: {  	[sflag:s4] =	ssyncset.done $0x0  }
0x19b: {  	s25 =	sadd.s32 s22, s20;
	[sflag:s4] =	ssyncadd.s32 $0xFFFF8000  }
0x19c: {  	v7 =	vld [tilespmem:s25+$0x0];
	_ =	sdelay $0x1  }
0x19d: {  	s10 =	rddreg [dreg:$0x13]  }
0x19e: {  	s26 =	sadd.s32 s0, s10  }
0x19f: {  	s1 =	sadd.s32 $0x10, s26  }
0x1a0: {  	vm0 =	vlt.s32 v7, s1  }
0x1a1: {  	v7 =	vsel vm0, $0x1, v6  }
0x1a2: {  	(v2sf) =	vpush v7, $0x0  }
0x1a3: {  	(v2sf) =	vpush v7, $0x1  }
0x1a4: {  	(v2sf) =	vpush v7, $0x2  }
0x1a5: {  	(v2sf) =	vpush v7, $0x3  }
0x1a6: {  	(v2sf) =	vpush v7, $0x4  }
0x1a7: {  	(v2sf) =	vpush v7, $0x5  }
0x1a8: {  	(v2sf) =	vpush v7, $0x6  }
0x1a9: {  	(v2sf) =	vpush v7, $0x7  }
0x1aa: {  	(v2sf) =	vpush v7, $0x8  }
0x1ab: {  	(v2sf) =	vpush v7, $0x9  }
0x1ac: {  	(v2sf) =	vpush v7, $0xA  }
0x1ad: {  	(v2sf) =	vpush v7, $0xB  }
0x1ae: {  	(v2sf) =	vpush v7, $0xC  }
0x1af: {  	(v2sf) =	vpush v7, $0xD  }
0x1b0: {  	(v2sf) =	vpush v7, $0xE  }
0x1b1: {  	s11 =	spop (v2sf);
	(v2sf) =	vpush v7, $0xF  }
0x1b2: {  	s12 =	spop (v2sf)  }
0x1b3: {  	s1 =	sadd.s32 s12, s11;
	s20 =	spop (v2sf)  }
0x1b4: {  	s1 =	sadd.s32 s20, s1;
	s31 =	spop (v2sf)  }
0x1b5: {  	s1 =	sadd.s32 s31, s1;
	s4 =	spop (v2sf)  }
0x1b6: {  	s1 =	sadd.s32 s4, s1;
	s10 =	spop (v2sf)  }
0x1b7: {  	s1 =	sadd.s32 s10, s1;
	s11 =	spop (v2sf)  }
0x1b8: {  	s1 =	sadd.s32 s11, s1;
	s12 =	spop (v2sf)  }
0x1b9: {  	s1 =	sadd.s32 s12, s1;
	s20 =	spop (v2sf)  }
0x1ba: {  	s1 =	sadd.s32 s20, s1;
	s31 =	spop (v2sf)  }
0x1bb: {  	s1 =	sadd.s32 s31, s1;
	s4 =	spop (v2sf)  }
0x1bc: {  	s1 =	sadd.s32 s4, s1;
	s10 =	spop (v2sf)  }
0x1bd: {  	s1 =	sadd.s32 s10, s1;
	s11 =	spop (v2sf)  }
0x1be: {  	s1 =	sadd.s32 s11, s1;
	s12 =	spop (v2sf)  }
0x1bf: {  	s1 =	sadd.s32 s12, s1;
	s20 =	spop (v2sf)  }
0x1c0: {  	s1 =	sadd.s32 s20, s1;
	s31 =	spop (v2sf)  }
0x1c1: {  	s28 =	ssub.s32 s21, s25;
	s20 =	sadd.s32 s31, s1  }
0x1c2: {  	p0 =	slt.s32 s20, s28  }
0x1c3: {  	s28 =	smov.u32 @p0 s20  }
0x1c4: {  	p0 =	slt.s32 s28, $0x1  }
.Ltmp15:
0x1c5: {  	_ = 	snop;
	(pc) =	sbr.rel @p0 .LBB2_22-.Ltmp15, $1  }
0x1c6: {  	_ =	sdelay $0x3  }
0x1c7: {  	s1 =	sshll.u32 s25, $0x2  }
0x1c8: {  	s1 =	sshra.s32 s1, $0x2  }
0x1c9: {  	v7 =	vld [tilespmem:s1+$0x0];
	_ =	sdelay $0x4  }
0x1ca: {  	(v2sf) =	vpush v7, $0x0;
	_ =	sdelay $0xe  }
0x1cb: {  	s4 =	sshll.u32 s25, $0x7;
	s3 =	spop (v2sf)  }
0x1cc: {  	s10 =	sshll.u32 s25, $0xB;
	s11 =	sshll.u32 s3, $0x7;
	s3 =	ssub.s32 s3, s26  }
0x1cd: {  	s12 =	sand.u32 $0xFFFFC000, s10;
	s19 =	sand.u32 $0x380, s4;
	s3 =	sshll.u32 s3, $0xB  }
0x1ce: {  	s12 =	sor.u32 s19, s12;
	s11 =	sand.u32 $0x380, s11;
	s3 =	sand.u32 $0xFFFFC000, s3  }
0x1cf: {  	s12 =	sshrl.u32 s12, $0x3;
	s3 =	sor.u32 s11, s3  }
0x1d0: {  	s11 =	sadd.s32 s2, s12;
	s3 =	sadd.s32 $0x10880, s3  }
0x1d1: {  	[tilespmem:s3], [sflag:$0x7] =	stream.linear.gather [hbm4b:s11+s5], $0x80, $0x38;
	[tilespmem:$0x18880] =	vst v63  }
0x1d2: {  	s12 =	sadd.s32 $0x80, s11;
	s19 =	sadd.s32 $0x400, s3  }
0x1d3: {  	[tilespmem:s19], [sflag:$0x7] =	stream.linear.gather [hbm4b:s12+s5], $0x80, $0x38;
	[tilespmem:$0x18880] =	vst v63  }
0x1d4: {  	s12 =	sadd.s32 $0x100, s11;
	s19 =	sadd.s32 $0x800, s3  }
0x1d5: {  	[tilespmem:s19], [sflag:$0x7] =	stream.linear.gather [hbm4b:s12+s5], $0x80, $0x38;
	[tilespmem:$0x18880] =	vst v63  }
0x1d6: {  	s12 =	sadd.s32 $0x180, s11;
	s19 =	sadd.s32 $0xC00, s3  }
0x1d7: {  	[tilespmem:s19], [sflag:$0x7] =	stream.linear.gather [hbm4b:s12+s5], $0x80, $0x38;
	[tilespmem:$0x18880] =	vst v63  }
0x1d8: {  	s12 =	sadd.s32 $0x200, s11;
	s19 =	sor.u32 $0x1000, s3  }
0x1d9: {  	[tilespmem:s19], [sflag:$0x7] =	stream.linear.gather [hbm4b:s12+s5], $0x80, $0x38;
	[tilespmem:$0x18880] =	vst v63  }
0x1da: {  	s12 =	sadd.s32 $0x280, s11;
	s19 =	sadd.s32 $0x1400, s3  }
0x1db: {  	[tilespmem:s19], [sflag:$0x7] =	stream.linear.gather [hbm4b:s12+s5], $0x80, $0x38;
	[tilespmem:$0x18880] =	vst v63  }
0x1dc: {  	s12 =	sadd.s32 $0x300, s11;
	s19 =	sadd.s32 $0x1800, s3  }
0x1dd: {  	[tilespmem:s19], [sflag:$0x7] =	stream.linear.gather [hbm4b:s12+s5], $0x80, $0x38;
	[tilespmem:$0x18880] =	vst v63  }
0x1de: {  	s12 =	sadd.s32 $0x380, s11;
	s19 =	sadd.s32 $0x1C00, s3  }
0x1df: {  	[tilespmem:s19], [sflag:$0x7] =	stream.linear.gather [hbm4b:s12+s5], $0x80, $0x38;
	[tilespmem:$0x18880] =	vst v63  }
0x1e0: {  	s12 =	sadd.s32 $0x400, s11;
	s19 =	sor.u32 $0x2000, s3  }
0x1e1: {  	[tilespmem:s19], [sflag:$0x7] =	stream.linear.gather [hbm4b:s12+s5], $0x80, $0x38;
	[tilespmem:$0x18880] =	vst v63  }
0x1e2: {  	s31 =	ssub.s32 $0x0, s28;
	s12 =	sadd.s32 $0x480, s11;
	s19 =	sadd.s32 $0x2400, s3  }
0x1e3: {  	[tilespmem:s19], [sflag:$0x7] =	stream.linear.gather [hbm4b:s12+s5], $0x80, $0x38;
	[tilespmem:$0x18880] =	vst v63  }
0x1e4: {  	s29 =	sadd.s32 $0x1, s31;
	s12 =	sadd.s32 $0x500, s11;
	s19 =	sadd.s32 $0x2800, s3  }
0x1e5: {  	[tilespmem:s19], [sflag:$0x7] =	stream.linear.gather [hbm4b:s12+s5], $0x80, $0x38;
	[tilespmem:$0x18880] =	vst v63  }
0x1e6: {  	s4 =	sadd.s32 $0x80, s4;
	s12 =	sadd.s32 $0x580, s11;
	s19 =	sadd.s32 $0x2C00, s3  }
0x1e7: {  	[tilespmem:s19], [sflag:$0x7] =	stream.linear.gather [hbm4b:s12+s5], $0x80, $0x38;
	[tilespmem:$0x18880] =	vst v63  }
0x1e8: {  	p0 =	seq.s32 s29, $0x0;
	s12 =	sadd.s32 $0x600, s11;
	s19 =	sor.u32 $0x3000, s3  }
0x1e9: {  	[tilespmem:s19], [sflag:$0x7] =	stream.linear.gather [hbm4b:s12+s5], $0x80, $0x38;
	[tilespmem:$0x18880] =	vst v63  }
.Ltmp16:
0x1ea: {  	s12 =	sadd.s32 $0x680, s11;
	s19 =	sadd.s32 $0x3400, s3;
	(pc) =	sbr.rel @p0 .LBB2_19-.Ltmp16, $4  }
0x1eb: {  	[tilespmem:s19], [sflag:$0x7] =	stream.linear.gather [hbm4b:s12+s5], $0x80, $0x38;
	[tilespmem:$0x18880] =	vst v63  }
0x1ec: {  	s30 =	sadd.s32 $0x1, s1;
	s12 =	sadd.s32 $0x700, s11;
	s19 =	sadd.s32 $0x3800, s3  }
0x1ed: {  	[tilespmem:s19], [sflag:$0x7] =	stream.linear.gather [hbm4b:s12+s5], $0x80, $0x38;
	[tilespmem:$0x18880] =	vst v63  }
0x1ee: {  	s1 =	sadd.s32 $0x800, s10;
	s12 =	sadd.s32 $0x780, s11;
	s19 =	sadd.s32 $0x3C00, s3  }
.LBB2_18:
0x1ef: {  	[tilespmem:s19], [sflag:$0x7] =	stream.linear.gather [hbm4b:s12+s5], $0x80, $0x38;
	[tilespmem:$0x18880] =	vst v63  }
0x1f0: {  	s29 =	sadd.s32 $0x1, s29;
	v7 =	vld [tilespmem:s30+$0x0]  }
0x1f1: {  	p0 =	seq.s32 s29, $0x0;
	_ =	sdelay $0x3  }
0x1f2: {  	(v2sf) =	vpush v7, $0x0;
	_ =	sdelay $0xe  }
0x1f3: {  	s3 =	spop (v2sf)  }
0x1f4: {  	s10 =	sshll.u32 s3, $0x7;
	s3 =	ssub.s32 s3, s26  }
0x1f5: {  	s11 =	sand.u32 $0xFFFFC000, s1;
	s12 =	sand.u32 $0x380, s4;
	s3 =	sshll.u32 s3, $0xB  }
0x1f6: {  	s11 =	sor.u32 s12, s11;
	s10 =	sand.u32 $0x380, s10;
	s3 =	sand.u32 $0xFFFFC000, s3  }
0x1f7: {  	s11 =	sshrl.u32 s11, $0x3;
	s3 =	sor.u32 s10, s3  }
0x1f8: {  	s12 =	sadd.s32 s2, s11;
	s19 =	sadd.s32 $0x10880, s3  }
0x1f9: {  	[tilespmem:s19], [sflag:$0x7] =	stream.linear.gather [hbm4b:s12+s5], $0x80, $0x38;
	[tilespmem:$0x18880] =	vst v63  }
0x1fa: {  	s3 =	sadd.s32 $0x80, s12;
	s10 =	sadd.s32 $0x400, s19  }
0x1fb: {  	[tilespmem:s10], [sflag:$0x7] =	stream.linear.gather [hbm4b:s3+s5], $0x80, $0x38;
	[tilespmem:$0x18880] =	vst v63  }
0x1fc: {  	s3 =	sadd.s32 $0x100, s12;
	s10 =	sadd.s32 $0x800, s19  }
0x1fd: {  	[tilespmem:s10], [sflag:$0x7] =	stream.linear.gather [hbm4b:s3+s5], $0x80, $0x38;
	[tilespmem:$0x18880] =	vst v63  }
0x1fe: {  	s3 =	sadd.s32 $0x180, s12;
	s10 =	sadd.s32 $0xC00, s19  }
0x1ff: {  	[tilespmem:s10], [sflag:$0x7] =	stream.linear.gather [hbm4b:s3+s5], $0x80, $0x38;
	[tilespmem:$0x18880] =	vst v63  }
0x200: {  	s3 =	sadd.s32 $0x200, s12;
	s10 =	sor.u32 $0x1000, s19  }
0x201: {  	[tilespmem:s10], [sflag:$0x7] =	stream.linear.gather [hbm4b:s3+s5], $0x80, $0x38;
	[tilespmem:$0x18880] =	vst v63  }
0x202: {  	s3 =	sadd.s32 $0x280, s12;
	s10 =	sadd.s32 $0x1400, s19  }
0x203: {  	[tilespmem:s10], [sflag:$0x7] =	stream.linear.gather [hbm4b:s3+s5], $0x80, $0x38;
	[tilespmem:$0x18880] =	vst v63  }
0x204: {  	s3 =	sadd.s32 $0x300, s12;
	s10 =	sadd.s32 $0x1800, s19  }
0x205: {  	[tilespmem:s10], [sflag:$0x7] =	stream.linear.gather [hbm4b:s3+s5], $0x80, $0x38;
	[tilespmem:$0x18880] =	vst v63  }
0x206: {  	s3 =	sadd.s32 $0x380, s12;
	s10 =	sadd.s32 $0x1C00, s19  }
0x207: {  	[tilespmem:s10], [sflag:$0x7] =	stream.linear.gather [hbm4b:s3+s5], $0x80, $0x38;
	[tilespmem:$0x18880] =	vst v63  }
0x208: {  	s3 =	sadd.s32 $0x400, s12;
	s10 =	sor.u32 $0x2000, s19  }
0x209: {  	[tilespmem:s10], [sflag:$0x7] =	stream.linear.gather [hbm4b:s3+s5], $0x80, $0x38;
	[tilespmem:$0x18880] =	vst v63  }
0x20a: {  	s3 =	sadd.s32 $0x480, s12;
	s10 =	sadd.s32 $0x2400, s19  }
0x20b: {  	[tilespmem:s10], [sflag:$0x7] =	stream.linear.gather [hbm4b:s3+s5], $0x80, $0x38;
	[tilespmem:$0x18880] =	vst v63  }
0x20c: {  	s3 =	sadd.s32 $0x500, s12;
	s10 =	sadd.s32 $0x2800, s19  }
0x20d: {  	[tilespmem:s10], [sflag:$0x7] =	stream.linear.gather [hbm4b:s3+s5], $0x80, $0x38;
	[tilespmem:$0x18880] =	vst v63  }
0x20e: {  	s3 =	sadd.s32 $0x580, s12;
	s10 =	sadd.s32 $0x2C00, s19  }
0x20f: {  	[tilespmem:s10], [sflag:$0x7] =	stream.linear.gather [hbm4b:s3+s5], $0x80, $0x38;
	[tilespmem:$0x18880] =	vst v63  }
0x210: {  	s30 =	sadd.s32 $0x1, s30;
	s3 =	sadd.s32 $0x600, s12;
	s10 =	sor.u32 $0x3000, s19  }
0x211: {  	[tilespmem:s10], [sflag:$0x7] =	stream.linear.gather [hbm4b:s3+s5], $0x80, $0x38;
	[tilespmem:$0x18880] =	vst v63  }
.Ltmp17:
0x212: {  	s3 =	sadd.s32 $0x680, s12;
	s10 =	sadd.s32 $0x3400, s19;
	(pc) =	sbr.rel @!p0 .LBB2_18-.Ltmp17, $4  }
0x213: {  	[tilespmem:s10], [sflag:$0x7] =	stream.linear.gather [hbm4b:s3+s5], $0x80, $0x38;
	[tilespmem:$0x18880] =	vst v63  }
0x214: {  	s1 =	sadd.s32 $0x800, s1;
	s3 =	sadd.s32 $0x700, s12;
	s10 =	sadd.s32 $0x3800, s19  }
0x215: {  	[tilespmem:s10], [sflag:$0x7] =	stream.linear.gather [hbm4b:s3+s5], $0x80, $0x38;
	[tilespmem:$0x18880] =	vst v63  }
0x216: {  	s4 =	sadd.s32 $0x80, s4;
	s12 =	sadd.s32 $0x780, s12;
	s19 =	sadd.s32 $0x3C00, s19  }
.LBB2_19:
0x217: {  	s1 =	sadd.s32 $0x1, s31  }
0x218: {  	p0 =	seq.s32 s1, $0x0  }
.Ltmp18:
0x219: {  	_ = 	snop;
	(pc) =	sbr.rel @p0 .LBB2_21-.Ltmp18, $4  }
0x21a: {  	_ = 	snop  }
0x21b: {  	[tilespmem:s19], [sflag:$0x7] =	stream.linear.gather [hbm4b:s12+s5], $0x80, $0x38;
	[tilespmem:$0x18880] =	vst v63  }
0x21c: {  	_ =	swait.ge [sflag:s6], $0x800  }
0x21d: {  	[sflag:s6] =	ssyncset.done $0x0  }
.LBB2_20:
0x21e: {  	s1 =	sadd.s32 $0x1, s1  }
0x21f: {  	[sflag:s6] =	ssyncadd.s32 $0xFFFFF800;
	p0 =	seq.s32 s1, $0x0  }
.Ltmp19:
0x220: {  	(pc) =	sbr.rel @!p0 .LBB2_20-.Ltmp19, $3  }
0x221: {  	_ =	sdelay $0x1  }
0x222: {  	_ =	swait.ge [sflag:s6], $0x800  }
0x223: {  	[sflag:s6] =	ssyncset.done $0x0  }
.LBB2_21:
0x224: {  	[sflag:s6] =	ssyncadd.s32 $0xFFFFF800  }
0x225: {  	s29 =	smov.u32 s16;
	s30 =	simm.s32 $0x8880;
	s19 =	rddreg [dreg:$0x3]  }
.LBB2_22:
0x226: {  	s1 =	sshll.u32 s26, $0x8  }
0x227: {  	s3 =	simm.s32 $0x10880;
	s26 =	simm.s32 $0x5;
	s1 =	sadd.s32 s19, s1  }
0x228: {  	[hbm4b:s1+s5] =	stream.linear.scatter [tilespmem:s3], [sflag:$0x6], $0x8000, $0x38;
	[tilespmem:$0x18880] =	vst v63  }
0x229: {  	_ =	swait.ge [sflag:s26], $0x8000  }
0x22a: {  	s31 =	rddreg [dreg:$0x14]  }
0x22b: {  	s1 =	sadd.s32 s0, s31  }
0x22c: {  	[sflag:s26] =	ssyncset.done $0x0;
	s1 =	sshll.u32 s1, $0x8  }
0x22d: {  	s4 =	simm.s32 $0x1;
	[sflag:s26] =	ssyncadd.s32 $0xFFFF8000;
	s1 =	sadd.s32 s29, s1  }
0x22e: {  	[tilespmem:s30], [sflag:$0x2] =	stream.linear.gather [hbm4b:s1+s5], $0x8000, $0x38;
	[tilespmem:$0x18880] =	vst v63  }
0x22f: {  	_ =	swait.ge [sflag:s4], $0x8000  }
0x230: {  	[sflag:s4] =	ssyncset.done $0x0  }
0x231: {  	s26 =	sadd.s32 s25, s28;
	[sflag:s4] =	ssyncadd.s32 $0xFFFF8000  }
0x232: {  	v7 =	vld [tilespmem:s26+$0x0];
	_ =	sdelay $0x3  }
0x233: {  	s10 =	sadd.s32 $0x10, s14  }
0x234: {  	vm0 =	vlt.s32 v7, s10  }
0x235: {  	v7 =	vsel vm0, $0x1, v6  }
0x236: {  	(v2sf) =	vpush v7, $0x0  }
0x237: {  	(v2sf) =	vpush v7, $0x1  }
0x238: {  	(v2sf) =	vpush v7, $0x2  }
0x239: {  	(v2sf) =	vpush v7, $0x3  }
0x23a: {  	(v2sf) =	vpush v7, $0x4  }
0x23b: {  	(v2sf) =	vpush v7, $0x5  }
0x23c: {  	(v2sf) =	vpush v7, $0x6  }
0x23d: {  	(v2sf) =	vpush v7, $0x7  }
0x23e: {  	(v2sf) =	vpush v7, $0x8  }
0x23f: {  	(v2sf) =	vpush v7, $0x9  }
0x240: {  	(v2sf) =	vpush v7, $0xA  }
0x241: {  	(v2sf) =	vpush v7, $0xB  }
0x242: {  	(v2sf) =	vpush v7, $0xC  }
0x243: {  	(v2sf) =	vpush v7, $0xD  }
0x244: {  	(v2sf) =	vpush v7, $0xE  }
0x245: {  	s11 =	spop (v2sf);
	(v2sf) =	vpush v7, $0xF  }
0x246: {  	s12 =	spop (v2sf)  }
0x247: {  	s1 =	sadd.s32 s12, s11;
	s25 =	spop (v2sf)  }
0x248: {  	s1 =	sadd.s32 s25, s1;
	s31 =	spop (v2sf)  }
0x249: {  	s1 =	sadd.s32 s31, s1;
	s4 =	spop (v2sf)  }
0x24a: {  	s1 =	sadd.s32 s4, s1;
	s10 =	spop (v2sf)  }
0x24b: {  	s1 =	sadd.s32 s10, s1;
	s11 =	spop (v2sf)  }
0x24c: {  	s1 =	sadd.s32 s11, s1;
	s12 =	spop (v2sf)  }
0x24d: {  	s1 =	sadd.s32 s12, s1;
	s25 =	spop (v2sf)  }
0x24e: {  	s1 =	sadd.s32 s25, s1;
	s31 =	spop (v2sf)  }
0x24f: {  	s1 =	sadd.s32 s31, s1;
	s4 =	spop (v2sf)  }
0x250: {  	s1 =	sadd.s32 s4, s1;
	s10 =	spop (v2sf)  }
0x251: {  	s1 =	sadd.s32 s10, s1;
	s11 =	spop (v2sf)  }
0x252: {  	s1 =	sadd.s32 s11, s1;
	s12 =	spop (v2sf)  }
0x253: {  	s1 =	sadd.s32 s12, s1;
	s25 =	spop (v2sf)  }
0x254: {  	s1 =	sadd.s32 s25, s1;
	s31 =	spop (v2sf)  }
0x255: {  	s28 =	ssub.s32 s21, s26;
	s25 =	sadd.s32 s31, s1  }
0x256: {  	p0 =	slt.s32 s25, s28  }
0x257: {  	s28 =	smov.u32 @p0 s25  }
0x258: {  	p0 =	slt.s32 s28, $0x1  }
.Ltmp20:
0x259: {  	_ = 	snop;
	(pc) =	sbr.rel @p0 .LBB2_28-.Ltmp20, $1  }
0x25a: {  	_ =	sdelay $0x3  }
0x25b: {  	s1 =	sshll.u32 s26, $0x2  }
0x25c: {  	s1 =	sshra.s32 s1, $0x2  }
0x25d: {  	v7 =	vld [tilespmem:s1+$0x0];
	_ =	sdelay $0x4  }
0x25e: {  	(v2sf) =	vpush v7, $0x0;
	_ =	sdelay $0xe  }
0x25f: {  	s4 =	sshll.u32 s26, $0x7;
	s3 =	spop (v2sf)  }
0x260: {  	s10 =	sshll.u32 s26, $0xB;
	s11 =	sshll.u32 s3, $0x7;
	s3 =	ssub.s32 s3, s14  }
0x261: {  	s12 =	sand.u32 $0xFFFFC000, s10;
	s19 =	sand.u32 $0x380, s4;
	s3 =	sshll.u32 s3, $0xB  }
0x262: {  	s12 =	sor.u32 s19, s12;
	s11 =	sand.u32 $0x380, s11;
	s3 =	sand.u32 $0xFFFFC000, s3  }
0x263: {  	s12 =	sshrl.u32 s12, $0x3;
	s3 =	sor.u32 s11, s3  }
0x264: {  	s11 =	sadd.s32 s2, s12;
	s19 =	sadd.s32 $0x880, s3  }
0x265: {  	[tilespmem:s19], [sflag:$0x7] =	stream.linear.gather [hbm4b:s11+s5], $0x80, $0x38;
	[tilespmem:$0x18880] =	vst v63  }
0x266: {  	s12 =	sadd.s32 $0x80, s11;
	s19 =	sadd.s32 $0xC80, s3  }
0x267: {  	[tilespmem:s19], [sflag:$0x7] =	stream.linear.gather [hbm4b:s12+s5], $0x80, $0x38;
	[tilespmem:$0x18880] =	vst v63  }
0x268: {  	s12 =	sadd.s32 $0x100, s11;
	s19 =	sadd.s32 $0x1080, s3  }
0x269: {  	[tilespmem:s19], [sflag:$0x7] =	stream.linear.gather [hbm4b:s12+s5], $0x80, $0x38;
	[tilespmem:$0x18880] =	vst v63  }
0x26a: {  	s12 =	sadd.s32 $0x180, s11;
	s19 =	sadd.s32 $0x1480, s3  }
0x26b: {  	[tilespmem:s19], [sflag:$0x7] =	stream.linear.gather [hbm4b:s12+s5], $0x80, $0x38;
	[tilespmem:$0x18880] =	vst v63  }
0x26c: {  	s12 =	sadd.s32 $0x200, s11;
	s19 =	sadd.s32 $0x1880, s3  }
0x26d: {  	[tilespmem:s19], [sflag:$0x7] =	stream.linear.gather [hbm4b:s12+s5], $0x80, $0x38;
	[tilespmem:$0x18880] =	vst v63  }
0x26e: {  	s12 =	sadd.s32 $0x280, s11;
	s19 =	sadd.s32 $0x1C80, s3  }
0x26f: {  	[tilespmem:s19], [sflag:$0x7] =	stream.linear.gather [hbm4b:s12+s5], $0x80, $0x38;
	[tilespmem:$0x18880] =	vst v63  }
0x270: {  	s12 =	sadd.s32 $0x300, s11;
	s19 =	sadd.s32 $0x2080, s3  }
0x271: {  	[tilespmem:s19], [sflag:$0x7] =	stream.linear.gather [hbm4b:s12+s5], $0x80, $0x38;
	[tilespmem:$0x18880] =	vst v63  }
0x272: {  	s12 =	sadd.s32 $0x380, s11;
	s19 =	sadd.s32 $0x2480, s3  }
0x273: {  	[tilespmem:s19], [sflag:$0x7] =	stream.linear.gather [hbm4b:s12+s5], $0x80, $0x38;
	[tilespmem:$0x18880] =	vst v63  }
0x274: {  	s12 =	sadd.s32 $0x400, s11;
	s19 =	sadd.s32 $0x2880, s3  }
0x275: {  	[tilespmem:s19], [sflag:$0x7] =	stream.linear.gather [hbm4b:s12+s5], $0x80, $0x38;
	[tilespmem:$0x18880] =	vst v63  }
0x276: {  	s31 =	ssub.s32 $0x0, s28;
	s12 =	sadd.s32 $0x480, s11;
	s19 =	sadd.s32 $0x2C80, s3  }
0x277: {  	[tilespmem:s19], [sflag:$0x7] =	stream.linear.gather [hbm4b:s12+s5], $0x80, $0x38;
	[tilespmem:$0x18880] =	vst v63  }
0x278: {  	s29 =	sadd.s32 $0x1, s31;
	s12 =	sadd.s32 $0x500, s11;
	s19 =	sadd.s32 $0x3080, s3  }
0x279: {  	[tilespmem:s19], [sflag:$0x7] =	stream.linear.gather [hbm4b:s12+s5], $0x80, $0x38;
	[tilespmem:$0x18880] =	vst v63  }
0x27a: {  	s4 =	sadd.s32 $0x80, s4;
	s12 =	sadd.s32 $0x580, s11;
	s19 =	sadd.s32 $0x3480, s3  }
0x27b: {  	[tilespmem:s19], [sflag:$0x7] =	stream.linear.gather [hbm4b:s12+s5], $0x80, $0x38;
	[tilespmem:$0x18880] =	vst v63  }
0x27c: {  	p0 =	seq.s32 s29, $0x0;
	s12 =	sadd.s32 $0x600, s11;
	s19 =	sadd.s32 $0x3880, s3  }
0x27d: {  	[tilespmem:s19], [sflag:$0x7] =	stream.linear.gather [hbm4b:s12+s5], $0x80, $0x38;
	[tilespmem:$0x18880] =	vst v63  }
.Ltmp21:
0x27e: {  	s12 =	sadd.s32 $0x680, s11;
	s19 =	sadd.s32 $0x3C80, s3;
	(pc) =	sbr.rel @p0 .LBB2_25-.Ltmp21, $4  }
0x27f: {  	[tilespmem:s19], [sflag:$0x7] =	stream.linear.gather [hbm4b:s12+s5], $0x80, $0x38;
	[tilespmem:$0x18880] =	vst v63  }
0x280: {  	s30 =	sadd.s32 $0x1, s1;
	s12 =	sadd.s32 $0x700, s11;
	s19 =	sadd.s32 $0x4080, s3  }
0x281: {  	[tilespmem:s19], [sflag:$0x7] =	stream.linear.gather [hbm4b:s12+s5], $0x80, $0x38;
	[tilespmem:$0x18880] =	vst v63  }
0x282: {  	s1 =	sadd.s32 $0x800, s10;
	s19 =	sadd.s32 $0x780, s11;
	s12 =	sadd.s32 $0x4480, s3  }
.LBB2_24:
0x283: {  	[tilespmem:s12], [sflag:$0x7] =	stream.linear.gather [hbm4b:s19+s5], $0x80, $0x38;
	[tilespmem:$0x18880] =	vst v63  }
0x284: {  	s29 =	sadd.s32 $0x1, s29;
	v7 =	vld [tilespmem:s30+$0x0]  }
0x285: {  	p0 =	seq.s32 s29, $0x0;
	_ =	sdelay $0x3  }
0x286: {  	(v2sf) =	vpush v7, $0x0;
	_ =	sdelay $0xe  }
0x287: {  	s3 =	spop (v2sf)  }
0x288: {  	s10 =	sshll.u32 s3, $0x7;
	s3 =	ssub.s32 s3, s14  }
0x289: {  	s11 =	sand.u32 $0xFFFFC000, s1;
	s12 =	sand.u32 $0x380, s4;
	s3 =	sshll.u32 s3, $0xB  }
0x28a: {  	s11 =	sor.u32 s12, s11;
	s10 =	sand.u32 $0x380, s10;
	s3 =	sand.u32 $0xFFFFC000, s3  }
0x28b: {  	s11 =	sshrl.u32 s11, $0x3;
	s12 =	sor.u32 s10, s3  }
0x28c: {  	s19 =	sadd.s32 s2, s11;
	s3 =	sadd.s32 $0x880, s12  }
0x28d: {  	[tilespmem:s3], [sflag:$0x7] =	stream.linear.gather [hbm4b:s19+s5], $0x80, $0x38;
	[tilespmem:$0x18880] =	vst v63  }
0x28e: {  	s10 =	sadd.s32 $0xC80, s12;
	s3 =	sadd.s32 $0x80, s19  }
0x28f: {  	[tilespmem:s10], [sflag:$0x7] =	stream.linear.gather [hbm4b:s3+s5], $0x80, $0x38;
	[tilespmem:$0x18880] =	vst v63  }
0x290: {  	s3 =	sadd.s32 $0x100, s19;
	s10 =	sadd.s32 $0x1080, s12  }
0x291: {  	[tilespmem:s10], [sflag:$0x7] =	stream.linear.gather [hbm4b:s3+s5], $0x80, $0x38;
	[tilespmem:$0x18880] =	vst v63  }
0x292: {  	s3 =	sadd.s32 $0x180, s19;
	s10 =	sadd.s32 $0x1480, s12  }
0x293: {  	[tilespmem:s10], [sflag:$0x7] =	stream.linear.gather [hbm4b:s3+s5], $0x80, $0x38;
	[tilespmem:$0x18880] =	vst v63  }
0x294: {  	s3 =	sadd.s32 $0x200, s19;
	s10 =	sadd.s32 $0x1880, s12  }
0x295: {  	[tilespmem:s10], [sflag:$0x7] =	stream.linear.gather [hbm4b:s3+s5], $0x80, $0x38;
	[tilespmem:$0x18880] =	vst v63  }
0x296: {  	s3 =	sadd.s32 $0x280, s19;
	s10 =	sadd.s32 $0x1C80, s12  }
0x297: {  	[tilespmem:s10], [sflag:$0x7] =	stream.linear.gather [hbm4b:s3+s5], $0x80, $0x38;
	[tilespmem:$0x18880] =	vst v63  }
0x298: {  	s3 =	sadd.s32 $0x300, s19;
	s10 =	sadd.s32 $0x2080, s12  }
0x299: {  	[tilespmem:s10], [sflag:$0x7] =	stream.linear.gather [hbm4b:s3+s5], $0x80, $0x38;
	[tilespmem:$0x18880] =	vst v63  }
0x29a: {  	s3 =	sadd.s32 $0x380, s19;
	s10 =	sadd.s32 $0x2480, s12  }
0x29b: {  	[tilespmem:s10], [sflag:$0x7] =	stream.linear.gather [hbm4b:s3+s5], $0x80, $0x38;
	[tilespmem:$0x18880] =	vst v63  }
0x29c: {  	s3 =	sadd.s32 $0x400, s19;
	s10 =	sadd.s32 $0x2880, s12  }
0x29d: {  	[tilespmem:s10], [sflag:$0x7] =	stream.linear.gather [hbm4b:s3+s5], $0x80, $0x38;
	[tilespmem:$0x18880] =	vst v63  }
0x29e: {  	s3 =	sadd.s32 $0x480, s19;
	s10 =	sadd.s32 $0x2C80, s12  }
0x29f: {  	[tilespmem:s10], [sflag:$0x7] =	stream.linear.gather [hbm4b:s3+s5], $0x80, $0x38;
	[tilespmem:$0x18880] =	vst v63  }
0x2a0: {  	s3 =	sadd.s32 $0x500, s19;
	s10 =	sadd.s32 $0x3080, s12  }
0x2a1: {  	[tilespmem:s10], [sflag:$0x7] =	stream.linear.gather [hbm4b:s3+s5], $0x80, $0x38;
	[tilespmem:$0x18880] =	vst v63  }
0x2a2: {  	s3 =	sadd.s32 $0x580, s19;
	s10 =	sadd.s32 $0x3480, s12  }
0x2a3: {  	[tilespmem:s10], [sflag:$0x7] =	stream.linear.gather [hbm4b:s3+s5], $0x80, $0x38;
	[tilespmem:$0x18880] =	vst v63  }
0x2a4: {  	s30 =	sadd.s32 $0x1, s30;
	s3 =	sadd.s32 $0x600, s19;
	s10 =	sadd.s32 $0x3880, s12  }
0x2a5: {  	[tilespmem:s10], [sflag:$0x7] =	stream.linear.gather [hbm4b:s3+s5], $0x80, $0x38;
	[tilespmem:$0x18880] =	vst v63  }
.Ltmp22:
0x2a6: {  	s3 =	sadd.s32 $0x680, s19;
	s10 =	sadd.s32 $0x3C80, s12;
	(pc) =	sbr.rel @!p0 .LBB2_24-.Ltmp22, $4  }
0x2a7: {  	[tilespmem:s10], [sflag:$0x7] =	stream.linear.gather [hbm4b:s3+s5], $0x80, $0x38;
	[tilespmem:$0x18880] =	vst v63  }
0x2a8: {  	s1 =	sadd.s32 $0x800, s1;
	s3 =	sadd.s32 $0x700, s19;
	s10 =	sadd.s32 $0x4080, s12  }
0x2a9: {  	[tilespmem:s10], [sflag:$0x7] =	stream.linear.gather [hbm4b:s3+s5], $0x80, $0x38;
	[tilespmem:$0x18880] =	vst v63  }
0x2aa: {  	s4 =	sadd.s32 $0x80, s4;
	s19 =	sadd.s32 $0x780, s19;
	s12 =	sadd.s32 $0x4480, s12  }
.LBB2_25:
0x2ab: {  	s1 =	sadd.s32 $0x1, s31  }
0x2ac: {  	p0 =	seq.s32 s1, $0x0  }
.Ltmp23:
0x2ad: {  	_ = 	snop;
	(pc) =	sbr.rel @p0 .LBB2_27-.Ltmp23, $4  }
0x2ae: {  	_ = 	snop  }
0x2af: {  	[tilespmem:s12], [sflag:$0x7] =	stream.linear.gather [hbm4b:s19+s5], $0x80, $0x38;
	[tilespmem:$0x18880] =	vst v63  }
0x2b0: {  	_ =	swait.ge [sflag:s6], $0x800  }
0x2b1: {  	[sflag:s6] =	ssyncset.done $0x0  }
.LBB2_26:
0x2b2: {  	s1 =	sadd.s32 $0x1, s1  }
0x2b3: {  	[sflag:s6] =	ssyncadd.s32 $0xFFFFF800;
	p0 =	seq.s32 s1, $0x0  }
.Ltmp24:
0x2b4: {  	(pc) =	sbr.rel @!p0 .LBB2_26-.Ltmp24, $3  }
0x2b5: {  	_ =	sdelay $0x1  }
0x2b6: {  	_ =	swait.ge [sflag:s6], $0x800  }
0x2b7: {  	[sflag:s6] =	ssyncset.done $0x0  }
.Ltmp25:
0x2b8: {  	_ = 	snop;
	(pc) =	sbr.rel .LBB2_27-.Ltmp25, $1  }
0x2b9: {  	_ =	sdelay $0x3  }
.LBB2_29:
0x2ba: {  	s1 =	simm.s32 $0x2  }
0x2bb: {  	_ =	swait.ge [sflag:s1], $0x8000  }
0x2bc: {  	[sflag:s1] =	ssyncset.done $0x0  }
0x2bd: {  	[sflag:s1] =	ssyncadd.s32 $0xFFFF8000  }
0x2be: {  	v7 =	vld [tilespmem:s0+$0x0];
	_ =	sdelay $0x4  }
0x2bf: {  	vm0 =	vlt.s32 v7, v3  }
0x2c0: {  	v7 =	vsel vm0, $0x1, v6  }
0x2c1: {  	(v2sf) =	vpush v7, $0x0  }
0x2c2: {  	(v2sf) =	vpush v7, $0x1  }
0x2c3: {  	(v2sf) =	vpush v7, $0x2  }
0x2c4: {  	(v2sf) =	vpush v7, $0x3  }
0x2c5: {  	(v2sf) =	vpush v7, $0x4  }
0x2c6: {  	(v2sf) =	vpush v7, $0x5  }
0x2c7: {  	(v2sf) =	vpush v7, $0x6  }
0x2c8: {  	(v2sf) =	vpush v7, $0x7  }
0x2c9: {  	(v2sf) =	vpush v7, $0x8  }
0x2ca: {  	(v2sf) =	vpush v7, $0x9  }
0x2cb: {  	(v2sf) =	vpush v7, $0xA  }
0x2cc: {  	(v2sf) =	vpush v7, $0xB  }
0x2cd: {  	(v2sf) =	vpush v7, $0xC  }
0x2ce: {  	(v2sf) =	vpush v7, $0xD  }
0x2cf: {  	(v2sf) =	vpush v7, $0xE  }
0x2d0: {  	s26 =	spop (v2sf);
	(v2sf) =	vpush v7, $0xF  }
0x2d1: {  	s3 =	spop (v2sf)  }
0x2d2: {  	s1 =	sadd.s32 s3, s26;
	s28 =	spop (v2sf)  }
0x2d3: {  	s1 =	sadd.s32 s28, s1;
	s31 =	spop (v2sf)  }
0x2d4: {  	s1 =	sadd.s32 s31, s1;
	s4 =	spop (v2sf)  }
0x2d5: {  	s1 =	sadd.s32 s4, s1;
	s8 =	spop (v2sf)  }
0x2d6: {  	s1 =	sadd.s32 s8, s1;
	s9 =	spop (v2sf)  }
0x2d7: {  	s1 =	sadd.s32 s9, s1;
	s10 =	spop (v2sf)  }
0x2d8: {  	s1 =	sadd.s32 s10, s1;
	s11 =	spop (v2sf)  }
0x2d9: {  	s1 =	sadd.s32 s11, s1;
	s12 =	spop (v2sf)  }
0x2da: {  	s1 =	sadd.s32 s12, s1;
	s14 =	spop (v2sf)  }
0x2db: {  	s1 =	sadd.s32 s14, s1;
	s16 =	spop (v2sf)  }
0x2dc: {  	s1 =	sadd.s32 s16, s1;
	s19 =	spop (v2sf)  }
0x2dd: {  	s1 =	sadd.s32 s19, s1;
	s26 =	spop (v2sf)  }
0x2de: {  	s1 =	sadd.s32 s26, s1;
	s28 =	spop (v2sf)  }
0x2df: {  	s1 =	sadd.s32 s28, s1;
	s31 =	spop (v2sf)  }
0x2e0: {  	s8 =	ssub.s32 s21, s0;
	s1 =	sadd.s32 s31, s1  }
0x2e1: {  	p0 =	slt.s32 s1, s8  }
0x2e2: {  	s8 =	smov.u32 @p0 s1  }
0x2e3: {  	p0 =	slt.s32 s8, $0x1  }
.Ltmp26:
0x2e4: {  	_ = 	snop;
	(pc) =	sbr.rel @p0 .LBB2_35-.Ltmp26, $1  }
0x2e5: {  	_ =	sdelay $0x3  }
0x2e6: {  	p0 =	slt.s32 s24, s23  }
0x2e7: {  	s23 =	smov.u32 @p0 s24  }
0x2e8: {  	s1 =	sadd.s32 s23, s22  }
0x2e9: {  	s3 =	ssub.s32 s21, s1  }
0x2ea: {  	p0 =	slt.s32 s3, s20  }
0x2eb: {  	s20 =	smov.u32 @p0 s3  }
0x2ec: {  	s1 =	sadd.s32 s20, s1  }
0x2ed: {  	s3 =	ssub.s32 s21, s1  }
0x2ee: {  	p0 =	slt.s32 s3, s25  }
0x2ef: {  	s25 =	smov.u32 @p0 s3  }
0x2f0: {  	s3 =	sadd.s32 s25, s1  }
0x2f1: {  	s1 =	sshll.u32 s3, $0x2  }
0x2f2: {  	s1 =	sshra.s32 s1, $0x2  }
0x2f3: {  	v7 =	vld [tilespmem:s1+$0x0];
	_ =	sdelay $0x4  }
0x2f4: {  	(v2sf) =	vpush v7, $0x0;
	_ =	sdelay $0xe  }
0x2f5: {  	s4 =	sshll.u32 s3, $0x7;
	s9 =	spop (v2sf)  }
0x2f6: {  	s3 =	sshll.u32 s3, $0xB;
	s10 =	sshll.u32 s9, $0x7;
	s9 =	ssub.s32 s9, s13  }
0x2f7: {  	s11 =	sand.u32 $0xFFFFC000, s3;
	s12 =	sand.u32 $0x380, s4;
	s9 =	sshll.u32 s9, $0xB  }
0x2f8: {  	s11 =	sor.u32 s12, s11;
	s10 =	sand.u32 $0x380, s10;
	s9 =	sand.u32 $0xFFFFC000, s9  }
0x2f9: {  	s11 =	sshrl.u32 s11, $0x3;
	s10 =	sor.u32 s10, s9  }
0x2fa: {  	s11 =	sadd.s32 s2, s11;
	s9 =	sadd.s32 $0x8880, s10  }
0x2fb: {  	[tilespmem:s9], [sflag:$0x7] =	stream.linear.gather [hbm4b:s11+s5], $0x80, $0x38;
	[tilespmem:$0x18880] =	vst v63  }
0x2fc: {  	s28 =	sadd.s32 $0x80, s11;
	s31 =	sadd.s32 $0x8C80, s10  }
0x2fd: {  	[tilespmem:s31], [sflag:$0x7] =	stream.linear.gather [hbm4b:s28+s5], $0x80, $0x38;
	[tilespmem:$0x18880] =	vst v63  }
0x2fe: {  	s12 =	sadd.s32 $0x100, s11;
	s14 =	sadd.s32 $0x9080, s10  }
0x2ff: {  	[tilespmem:s14], [sflag:$0x7] =	stream.linear.gather [hbm4b:s12+s5], $0x80, $0x38;
	[tilespmem:$0x18880] =	vst v63  }
0x300: {  	s16 =	sadd.s32 $0x180, s11;
	s19 =	sadd.s32 $0x9480, s10  }
0x301: {  	[tilespmem:s19], [sflag:$0x7] =	stream.linear.gather [hbm4b:s16+s5], $0x80, $0x38;
	[tilespmem:$0x18880] =	vst v63  }
0x302: {  	s20 =	sadd.s32 $0x200, s11;
	s22 =	sadd.s32 $0x9880, s10  }
0x303: {  	[tilespmem:s22], [sflag:$0x7] =	stream.linear.gather [hbm4b:s20+s5], $0x80, $0x38;
	[tilespmem:$0x18880] =	vst v63  }
0x304: {  	s23 =	sadd.s32 $0x280, s11;
	s24 =	sadd.s32 $0x9C80, s10  }
0x305: {  	[tilespmem:s24], [sflag:$0x7] =	stream.linear.gather [hbm4b:s23+s5], $0x80, $0x38;
	[tilespmem:$0x18880] =	vst v63  }
0x306: {  	s25 =	sadd.s32 $0x300, s11;
	s26 =	sadd.s32 $0xA080, s10  }
0x307: {  	[tilespmem:s26], [sflag:$0x7] =	stream.linear.gather [hbm4b:s25+s5], $0x80, $0x38;
	[tilespmem:$0x18880] =	vst v63  }
0x308: {  	s28 =	sadd.s32 $0x380, s11;
	s31 =	sadd.s32 $0xA480, s10  }
0x309: {  	[tilespmem:s31], [sflag:$0x7] =	stream.linear.gather [hbm4b:s28+s5], $0x80, $0x38;
	[tilespmem:$0x18880] =	vst v63  }
0x30a: {  	s12 =	sadd.s32 $0x400, s11;
	s14 =	sadd.s32 $0xA880, s10  }
0x30b: {  	[tilespmem:s14], [sflag:$0x7] =	stream.linear.gather [hbm4b:s12+s5], $0x80, $0x38;
	[tilespmem:$0x18880] =	vst v63  }
0x30c: {  	s16 =	sadd.s32 $0x480, s11;
	s19 =	sadd.s32 $0xAC80, s10  }
0x30d: {  	[tilespmem:s19], [sflag:$0x7] =	stream.linear.gather [hbm4b:s16+s5], $0x80, $0x38;
	[tilespmem:$0x18880] =	vst v63  }
0x30e: {  	s20 =	sadd.s32 $0x500, s11;
	s22 =	sadd.s32 $0xB080, s10  }
0x30f: {  	[tilespmem:s22], [sflag:$0x7] =	stream.linear.gather [hbm4b:s20+s5], $0x80, $0x38;
	[tilespmem:$0x18880] =	vst v63  }
0x310: {  	s23 =	sadd.s32 $0x580, s11;
	s24 =	sadd.s32 $0xB480, s10  }
0x311: {  	[tilespmem:s24], [sflag:$0x7] =	stream.linear.gather [hbm4b:s23+s5], $0x80, $0x38;
	[tilespmem:$0x18880] =	vst v63  }
0x312: {  	s25 =	sadd.s32 $0x600, s11;
	s26 =	sadd.s32 $0xB880, s10  }
0x313: {  	[tilespmem:s26], [sflag:$0x7] =	stream.linear.gather [hbm4b:s25+s5], $0x80, $0x38;
	[tilespmem:$0x18880] =	vst v63  }
0x314: {  	s9 =	ssub.s32 $0x0, s8;
	s28 =	sadd.s32 $0x680, s11;
	s14 =	sadd.s32 $0xBC80, s10  }
0x315: {  	[tilespmem:s14], [sflag:$0x7] =	stream.linear.gather [hbm4b:s28+s5], $0x80, $0x38;
	[tilespmem:$0x18880] =	vst v63  }
0x316: {  	s14 =	sadd.s32 $0x1, s9  }
0x317: {  	p0 =	seq.s32 s14, $0x0  }
.Ltmp27:
0x318: {  	_ = 	snop;
	(pc) =	sbr.rel @p0 .LBB2_32-.Ltmp27, $4  }
0x319: {  	s4 =	sadd.s32 $0x80, s4  }
0x31a: {  	s31 =	sadd.s32 $0x700, s11;
	s12 =	sadd.s32 $0xC480, s10;
	s19 =	sadd.s32 $0xC080, s10  }
0x31b: {  	[tilespmem:s19], [sflag:$0x7] =	stream.linear.gather [hbm4b:s31+s5], $0x80, $0x38;
	[tilespmem:$0x18880] =	vst v63  }
0x31c: {  	s20 =	sadd.s32 $0x1, s1;
	s1 =	sadd.s32 $0x800, s3;
	s19 =	sadd.s32 $0x780, s11  }
.LBB2_31:
0x31d: {  	[tilespmem:s12], [sflag:$0x7] =	stream.linear.gather [hbm4b:s19+s5], $0x80, $0x38;
	[tilespmem:$0x18880] =	vst v63  }
0x31e: {  	s14 =	sadd.s32 $0x1, s14;
	v7 =	vld [tilespmem:s20+$0x0]  }
0x31f: {  	p0 =	seq.s32 s14, $0x0;
	_ =	sdelay $0x3  }
0x320: {  	(v2sf) =	vpush v7, $0x0;
	_ =	sdelay $0xe  }
0x321: {  	s3 =	spop (v2sf)  }
0x322: {  	s10 =	sshll.u32 s3, $0x7;
	s3 =	ssub.s32 s3, s13  }
0x323: {  	s11 =	sand.u32 $0xFFFFC000, s1;
	s12 =	sand.u32 $0x380, s4;
	s3 =	sshll.u32 s3, $0xB  }
0x324: {  	s11 =	sor.u32 s12, s11;
	s10 =	sand.u32 $0x380, s10;
	s3 =	sand.u32 $0xFFFFC000, s3  }
0x325: {  	s11 =	sshrl.u32 s11, $0x3;
	s12 =	sor.u32 s10, s3  }
0x326: {  	s19 =	sadd.s32 s2, s11;
	s3 =	sadd.s32 $0x8880, s12  }
0x327: {  	[tilespmem:s3], [sflag:$0x7] =	stream.linear.gather [hbm4b:s19+s5], $0x80, $0x38;
	[tilespmem:$0x18880] =	vst v63  }
0x328: {  	s10 =	sadd.s32 $0x8C80, s12;
	s3 =	sadd.s32 $0x80, s19  }
0x329: {  	[tilespmem:s10], [sflag:$0x7] =	stream.linear.gather [hbm4b:s3+s5], $0x80, $0x38;
	[tilespmem:$0x18880] =	vst v63  }
0x32a: {  	s3 =	sadd.s32 $0x100, s19;
	s10 =	sadd.s32 $0x9080, s12  }
0x32b: {  	[tilespmem:s10], [sflag:$0x7] =	stream.linear.gather [hbm4b:s3+s5], $0x80, $0x38;
	[tilespmem:$0x18880] =	vst v63  }
0x32c: {  	s3 =	sadd.s32 $0x180, s19;
	s10 =	sadd.s32 $0x9480, s12  }
0x32d: {  	[tilespmem:s10], [sflag:$0x7] =	stream.linear.gather [hbm4b:s3+s5], $0x80, $0x38;
	[tilespmem:$0x18880] =	vst v63  }
0x32e: {  	s3 =	sadd.s32 $0x200, s19;
	s10 =	sadd.s32 $0x9880, s12  }
0x32f: {  	[tilespmem:s10], [sflag:$0x7] =	stream.linear.gather [hbm4b:s3+s5], $0x80, $0x38;
	[tilespmem:$0x18880] =	vst v63  }
0x330: {  	s3 =	sadd.s32 $0x280, s19;
	s10 =	sadd.s32 $0x9C80, s12  }
0x331: {  	[tilespmem:s10], [sflag:$0x7] =	stream.linear.gather [hbm4b:s3+s5], $0x80, $0x38;
	[tilespmem:$0x18880] =	vst v63  }
0x332: {  	s3 =	sadd.s32 $0x300, s19;
	s10 =	sadd.s32 $0xA080, s12  }
0x333: {  	[tilespmem:s10], [sflag:$0x7] =	stream.linear.gather [hbm4b:s3+s5], $0x80, $0x38;
	[tilespmem:$0x18880] =	vst v63  }
0x334: {  	s3 =	sadd.s32 $0x380, s19;
	s10 =	sadd.s32 $0xA480, s12  }
0x335: {  	[tilespmem:s10], [sflag:$0x7] =	stream.linear.gather [hbm4b:s3+s5], $0x80, $0x38;
	[tilespmem:$0x18880] =	vst v63  }
0x336: {  	s3 =	sadd.s32 $0x400, s19;
	s10 =	sadd.s32 $0xA880, s12  }
0x337: {  	[tilespmem:s10], [sflag:$0x7] =	stream.linear.gather [hbm4b:s3+s5], $0x80, $0x38;
	[tilespmem:$0x18880] =	vst v63  }
0x338: {  	s3 =	sadd.s32 $0x480, s19;
	s10 =	sadd.s32 $0xAC80, s12  }
0x339: {  	[tilespmem:s10], [sflag:$0x7] =	stream.linear.gather [hbm4b:s3+s5], $0x80, $0x38;
	[tilespmem:$0x18880] =	vst v63  }
0x33a: {  	s3 =	sadd.s32 $0x500, s19;
	s10 =	sadd.s32 $0xB080, s12  }
0x33b: {  	[tilespmem:s10], [sflag:$0x7] =	stream.linear.gather [hbm4b:s3+s5], $0x80, $0x38;
	[tilespmem:$0x18880] =	vst v63  }
0x33c: {  	s3 =	sadd.s32 $0x580, s19;
	s10 =	sadd.s32 $0xB480, s12  }
0x33d: {  	[tilespmem:s10], [sflag:$0x7] =	stream.linear.gather [hbm4b:s3+s5], $0x80, $0x38;
	[tilespmem:$0x18880] =	vst v63  }
0x33e: {  	s20 =	sadd.s32 $0x1, s20;
	s3 =	sadd.s32 $0x600, s19;
	s10 =	sadd.s32 $0xB880, s12  }
0x33f: {  	[tilespmem:s10], [sflag:$0x7] =	stream.linear.gather [hbm4b:s3+s5], $0x80, $0x38;
	[tilespmem:$0x18880] =	vst v63  }
.Ltmp28:
0x340: {  	s3 =	sadd.s32 $0x680, s19;
	s10 =	sadd.s32 $0xBC80, s12;
	(pc) =	sbr.rel @!p0 .LBB2_31-.Ltmp28, $4  }
0x341: {  	[tilespmem:s10], [sflag:$0x7] =	stream.linear.gather [hbm4b:s3+s5], $0x80, $0x38;
	[tilespmem:$0x18880] =	vst v63  }
0x342: {  	s1 =	sadd.s32 $0x800, s1;
	s3 =	sadd.s32 $0x700, s19;
	s10 =	sadd.s32 $0xC080, s12  }
0x343: {  	[tilespmem:s10], [sflag:$0x7] =	stream.linear.gather [hbm4b:s3+s5], $0x80, $0x38;
	[tilespmem:$0x18880] =	vst v63  }
0x344: {  	s4 =	sadd.s32 $0x80, s4;
	s19 =	sadd.s32 $0x780, s19;
	s12 =	sadd.s32 $0xC480, s12  }
.LBB2_32:
0x345: {  	s1 =	sadd.s32 $0x1, s9  }
0x346: {  	p0 =	seq.s32 s1, $0x0  }
.Ltmp29:
0x347: {  	_ = 	snop;
	(pc) =	sbr.rel @p0 .LBB2_34-.Ltmp29, $4  }
0x348: {  	_ = 	snop  }
0x349: {  	[tilespmem:s12], [sflag:$0x7] =	stream.linear.gather [hbm4b:s19+s5], $0x80, $0x38;
	[tilespmem:$0x18880] =	vst v63  }
0x34a: {  	_ =	swait.ge [sflag:s6], $0x800  }
0x34b: {  	[sflag:s6] =	ssyncset.done $0x0  }
.LBB2_33:
0x34c: {  	s1 =	sadd.s32 $0x1, s1  }
0x34d: {  	[sflag:s6] =	ssyncadd.s32 $0xFFFFF800;
	p0 =	seq.s32 s1, $0x0  }
.Ltmp30:
0x34e: {  	(pc) =	sbr.rel @!p0 .LBB2_33-.Ltmp30, $3  }
0x34f: {  	_ =	sdelay $0x1  }
0x350: {  	_ =	swait.ge [sflag:s6], $0x800  }
0x351: {  	[sflag:s6] =	ssyncset.done $0x0  }
.LBB2_34:
0x352: {  	[sflag:s6] =	ssyncadd.s32 $0xFFFFF800  }
.LBB2_35:
0x353: {  	s1 =	rddreg [dreg:$0xc];
	s28 =	simm.s32 $0x4  }
0x354: {  	[hbm4b:s1+s5] =	stream.linear.scatter [tilespmem:s30], [sflag:$0x5], $0x8000, $0x38;
	[tilespmem:$0x18880] =	vst v63  }
0x355: {  	_ =	swait.ge [sflag:s28], $0x8000  }
0x356: {  	s3 =	simm.s32 $0x880;
	[sflag:s28] =	ssyncset.done $0x0  }
0x357: {  	s4 =	simm.s32 $0x3;
	s31 =	rddreg [dreg:$0xd];
	[sflag:s28] =	ssyncadd.s32 $0xFFFF8000  }
0x358: {  	[tilespmem:s3], [sflag:$0x1] =	stream.linear.gather [hbm4b:s31+s5], $0x8000, $0x38;
	[tilespmem:$0x18880] =	vst v63  }
0x359: {  	_ =	swait.ge [sflag:s4], $0x8000  }
0x35a: {  	[sflag:s4] =	ssyncset.done $0x0  }
0x35b: {  	s0 =	sadd.s32 s0, s8;
	[sflag:s4] =	ssyncadd.s32 $0xFFFF8000  }
0x35c: {  	v7 =	vld [tilespmem:s0+$0x0];
	_ =	sdelay $0x4  }
0x35d: {  	vm0 =	vlt.s32 v7, v4  }
0x35e: {  	v7 =	vsel vm0, $0x1, v6  }
0x35f: {  	(v2sf) =	vpush v7, $0x0  }
0x360: {  	(v2sf) =	vpush v7, $0x1  }
0x361: {  	(v2sf) =	vpush v7, $0x2  }
0x362: {  	(v2sf) =	vpush v7, $0x3  }
0x363: {  	(v2sf) =	vpush v7, $0x4  }
0x364: {  	(v2sf) =	vpush v7, $0x5  }
0x365: {  	(v2sf) =	vpush v7, $0x6  }
0x366: {  	(v2sf) =	vpush v7, $0x7  }
0x367: {  	(v2sf) =	vpush v7, $0x8  }
0x368: {  	(v2sf) =	vpush v7, $0x9  }
0x369: {  	(v2sf) =	vpush v7, $0xA  }
0x36a: {  	(v2sf) =	vpush v7, $0xB  }
0x36b: {  	(v2sf) =	vpush v7, $0xC  }
0x36c: {  	(v2sf) =	vpush v7, $0xD  }
0x36d: {  	(v2sf) =	vpush v7, $0xE  }
0x36e: {  	s8 =	spop (v2sf);
	(v2sf) =	vpush v7, $0xF  }
0x36f: {  	s9 =	spop (v2sf)  }
0x370: {  	s1 =	sadd.s32 s9, s8;
	s10 =	spop (v2sf)  }
0x371: {  	s1 =	sadd.s32 s10, s1;
	s11 =	spop (v2sf)  }
0x372: {  	s1 =	sadd.s32 s11, s1;
	s12 =	spop (v2sf)  }
0x373: {  	s1 =	sadd.s32 s12, s1;
	s14 =	spop (v2sf)  }
0x374: {  	s1 =	sadd.s32 s14, s1;
	s16 =	spop (v2sf)  }
0x375: {  	s1 =	sadd.s32 s16, s1;
	s19 =	spop (v2sf)  }
0x376: {  	s1 =	sadd.s32 s19, s1;
	s20 =	spop (v2sf)  }
0x377: {  	s1 =	sadd.s32 s20, s1;
	s22 =	spop (v2sf)  }
0x378: {  	s1 =	sadd.s32 s22, s1;
	s23 =	spop (v2sf)  }
0x379: {  	s1 =	sadd.s32 s23, s1;
	s24 =	spop (v2sf)  }
0x37a: {  	s1 =	sadd.s32 s24, s1;
	s25 =	spop (v2sf)  }
0x37b: {  	s1 =	sadd.s32 s25, s1;
	s26 =	spop (v2sf)  }
0x37c: {  	s1 =	sadd.s32 s26, s1;
	s28 =	spop (v2sf)  }
0x37d: {  	s1 =	sadd.s32 s28, s1;
	s31 =	spop (v2sf)  }
0x37e: {  	s8 =	ssub.s32 s21, s0;
	s1 =	sadd.s32 s31, s1  }
0x37f: {  	p0 =	slt.s32 s1, s8  }
0x380: {  	s8 =	smov.u32 @p0 s1  }
0x381: {  	p0 =	slt.s32 s8, $0x1  }
.Ltmp31:
0x382: {  	_ = 	snop;
	(pc) =	sbr.rel @p0 .LBB2_41-.Ltmp31, $1  }
0x383: {  	_ =	sdelay $0x3  }
0x384: {  	s1 =	sshll.u32 s0, $0x2  }
0x385: {  	s1 =	sshra.s32 s1, $0x2  }
0x386: {  	v7 =	vld [tilespmem:s1+$0x0];
	_ =	sdelay $0x4  }
0x387: {  	(v2sf) =	vpush v7, $0x0;
	_ =	sdelay $0xe  }
0x388: {  	s4 =	sshll.u32 s0, $0x7;
	s3 =	spop (v2sf)  }
0x389: {  	s10 =	sshll.u32 s0, $0xB;
	s9 =	sshll.u32 s3, $0x7;
	s3 =	ssub.s32 s3, s15  }
0x38a: {  	s11 =	sand.u32 $0xFFFFC000, s10;
	s12 =	sand.u32 $0x380, s4;
	s3 =	sshll.u32 s3, $0xB  }
0x38b: {  	s11 =	sor.u32 s12, s11;
	s9 =	sand.u32 $0x380, s9;
	s3 =	sand.u32 $0xFFFFC000, s3  }
0x38c: {  	s11 =	sshrl.u32 s11, $0x3;
	s3 =	sor.u32 s9, s3  }
0x38d: {  	s11 =	sadd.s32 s2, s11;
	s3 =	sadd.s32 $0x10880, s3  }
0x38e: {  	[tilespmem:s3], [sflag:$0x7] =	stream.linear.gather [hbm4b:s11+s5], $0x80, $0x38;
	[tilespmem:$0x18880] =	vst v63  }
0x38f: {  	s28 =	sadd.s32 $0x80, s11;
	s31 =	sadd.s32 $0x400, s3  }
0x390: {  	[tilespmem:s31], [sflag:$0x7] =	stream.linear.gather [hbm4b:s28+s5], $0x80, $0x38;
	[tilespmem:$0x18880] =	vst v63  }
0x391: {  	s12 =	sadd.s32 $0x100, s11;
	s14 =	sadd.s32 $0x800, s3  }
0x392: {  	[tilespmem:s14], [sflag:$0x7] =	stream.linear.gather [hbm4b:s12+s5], $0x80, $0x38;
	[tilespmem:$0x18880] =	vst v63  }
0x393: {  	s16 =	sadd.s32 $0x180, s11;
	s19 =	sadd.s32 $0xC00, s3  }
0x394: {  	[tilespmem:s19], [sflag:$0x7] =	stream.linear.gather [hbm4b:s16+s5], $0x80, $0x38;
	[tilespmem:$0x18880] =	vst v63  }
0x395: {  	s20 =	sadd.s32 $0x200, s11;
	s22 =	sor.u32 $0x1000, s3  }
0x396: {  	[tilespmem:s22], [sflag:$0x7] =	stream.linear.gather [hbm4b:s20+s5], $0x80, $0x38;
	[tilespmem:$0x18880] =	vst v63  }
0x397: {  	s23 =	sadd.s32 $0x280, s11;
	s24 =	sadd.s32 $0x1400, s3  }
0x398: {  	[tilespmem:s24], [sflag:$0x7] =	stream.linear.gather [hbm4b:s23+s5], $0x80, $0x38;
	[tilespmem:$0x18880] =	vst v63  }
0x399: {  	s25 =	sadd.s32 $0x300, s11;
	s26 =	sadd.s32 $0x1800, s3  }
0x39a: {  	[tilespmem:s26], [sflag:$0x7] =	stream.linear.gather [hbm4b:s25+s5], $0x80, $0x38;
	[tilespmem:$0x18880] =	vst v63  }
0x39b: {  	s28 =	sadd.s32 $0x380, s11;
	s31 =	sadd.s32 $0x1C00, s3  }
0x39c: {  	[tilespmem:s31], [sflag:$0x7] =	stream.linear.gather [hbm4b:s28+s5], $0x80, $0x38;
	[tilespmem:$0x18880] =	vst v63  }
0x39d: {  	s12 =	sadd.s32 $0x400, s11;
	s14 =	sor.u32 $0x2000, s3  }
0x39e: {  	[tilespmem:s14], [sflag:$0x7] =	stream.linear.gather [hbm4b:s12+s5], $0x80, $0x38;
	[tilespmem:$0x18880] =	vst v63  }
0x39f: {  	s16 =	sadd.s32 $0x480, s11;
	s19 =	sadd.s32 $0x2400, s3  }
0x3a0: {  	[tilespmem:s19], [sflag:$0x7] =	stream.linear.gather [hbm4b:s16+s5], $0x80, $0x38;
	[tilespmem:$0x18880] =	vst v63  }
0x3a1: {  	s20 =	sadd.s32 $0x500, s11;
	s22 =	sadd.s32 $0x2800, s3  }
0x3a2: {  	[tilespmem:s22], [sflag:$0x7] =	stream.linear.gather [hbm4b:s20+s5], $0x80, $0x38;
	[tilespmem:$0x18880] =	vst v63  }
0x3a3: {  	s23 =	sadd.s32 $0x580, s11;
	s24 =	sadd.s32 $0x2C00, s3  }
0x3a4: {  	[tilespmem:s24], [sflag:$0x7] =	stream.linear.gather [hbm4b:s23+s5], $0x80, $0x38;
	[tilespmem:$0x18880] =	vst v63  }
0x3a5: {  	s25 =	sadd.s32 $0x600, s11;
	s26 =	sor.u32 $0x3000, s3  }
0x3a6: {  	[tilespmem:s26], [sflag:$0x7] =	stream.linear.gather [hbm4b:s25+s5], $0x80, $0x38;
	[tilespmem:$0x18880] =	vst v63  }
0x3a7: {  	s9 =	ssub.s32 $0x0, s8;
	s28 =	sadd.s32 $0x680, s11;
	s14 =	sadd.s32 $0x3400, s3  }
0x3a8: {  	[tilespmem:s14], [sflag:$0x7] =	stream.linear.gather [hbm4b:s28+s5], $0x80, $0x38;
	[tilespmem:$0x18880] =	vst v63  }
0x3a9: {  	s14 =	sadd.s32 $0x1, s9  }
0x3aa: {  	p0 =	seq.s32 s14, $0x0  }
.Ltmp32:
0x3ab: {  	_ = 	snop;
	(pc) =	sbr.rel @p0 .LBB2_38-.Ltmp32, $4  }
0x3ac: {  	s4 =	sadd.s32 $0x80, s4  }
0x3ad: {  	s31 =	sadd.s32 $0x700, s11;
	s12 =	sadd.s32 $0x780, s11;
	s19 =	sadd.s32 $0x3800, s3  }
0x3ae: {  	[tilespmem:s19], [sflag:$0x7] =	stream.linear.gather [hbm4b:s31+s5], $0x80, $0x38;
	[tilespmem:$0x18880] =	vst v63  }
0x3af: {  	s20 =	sadd.s32 $0x1, s1;
	s1 =	sadd.s32 $0x800, s10;
	s19 =	sadd.s32 $0x3C00, s3  }
.LBB2_37:
0x3b0: {  	[tilespmem:s19], [sflag:$0x7] =	stream.linear.gather [hbm4b:s12+s5], $0x80, $0x38;
	[tilespmem:$0x18880] =	vst v63  }
0x3b1: {  	s14 =	sadd.s32 $0x1, s14;
	v7 =	vld [tilespmem:s20+$0x0]  }
0x3b2: {  	p0 =	seq.s32 s14, $0x0;
	_ =	sdelay $0x3  }
0x3b3: {  	(v2sf) =	vpush v7, $0x0;
	_ =	sdelay $0xe  }
0x3b4: {  	s3 =	spop (v2sf)  }
0x3b5: {  	s10 =	sshll.u32 s3, $0x7;
	s3 =	ssub.s32 s3, s15  }
0x3b6: {  	s11 =	sand.u32 $0xFFFFC000, s1;
	s12 =	sand.u32 $0x380, s4;
	s3 =	sshll.u32 s3, $0xB  }
0x3b7: {  	s11 =	sor.u32 s12, s11;
	s10 =	sand.u32 $0x380, s10;
	s3 =	sand.u32 $0xFFFFC000, s3  }
0x3b8: {  	s11 =	sshrl.u32 s11, $0x3;
	s3 =	sor.u32 s10, s3  }
0x3b9: {  	s12 =	sadd.s32 s2, s11;
	s19 =	sadd.s32 $0x10880, s3  }
0x3ba: {  	[tilespmem:s19], [sflag:$0x7] =	stream.linear.gather [hbm4b:s12+s5], $0x80, $0x38;
	[tilespmem:$0x18880] =	vst v63  }
0x3bb: {  	s3 =	sadd.s32 $0x80, s12;
	s10 =	sadd.s32 $0x400, s19  }
0x3bc: {  	[tilespmem:s10], [sflag:$0x7] =	stream.linear.gather [hbm4b:s3+s5], $0x80, $0x38;
	[tilespmem:$0x18880] =	vst v63  }
0x3bd: {  	s3 =	sadd.s32 $0x100, s12;
	s10 =	sadd.s32 $0x800, s19  }
0x3be: {  	[tilespmem:s10], [sflag:$0x7] =	stream.linear.gather [hbm4b:s3+s5], $0x80, $0x38;
	[tilespmem:$0x18880] =	vst v63  }
0x3bf: {  	s3 =	sadd.s32 $0x180, s12;
	s10 =	sadd.s32 $0xC00, s19  }
0x3c0: {  	[tilespmem:s10], [sflag:$0x7] =	stream.linear.gather [hbm4b:s3+s5], $0x80, $0x38;
	[tilespmem:$0x18880] =	vst v63  }
0x3c1: {  	s3 =	sadd.s32 $0x200, s12;
	s10 =	sor.u32 $0x1000, s19  }
0x3c2: {  	[tilespmem:s10], [sflag:$0x7] =	stream.linear.gather [hbm4b:s3+s5], $0x80, $0x38;
	[tilespmem:$0x18880] =	vst v63  }
0x3c3: {  	s3 =	sadd.s32 $0x280, s12;
	s10 =	sadd.s32 $0x1400, s19  }
0x3c4: {  	[tilespmem:s10], [sflag:$0x7] =	stream.linear.gather [hbm4b:s3+s5], $0x80, $0x38;
	[tilespmem:$0x18880] =	vst v63  }
0x3c5: {  	s3 =	sadd.s32 $0x300, s12;
	s10 =	sadd.s32 $0x1800, s19  }
0x3c6: {  	[tilespmem:s10], [sflag:$0x7] =	stream.linear.gather [hbm4b:s3+s5], $0x80, $0x38;
	[tilespmem:$0x18880] =	vst v63  }
0x3c7: {  	s3 =	sadd.s32 $0x380, s12;
	s10 =	sadd.s32 $0x1C00, s19  }
0x3c8: {  	[tilespmem:s10], [sflag:$0x7] =	stream.linear.gather [hbm4b:s3+s5], $0x80, $0x38;
	[tilespmem:$0x18880] =	vst v63  }
0x3c9: {  	s3 =	sadd.s32 $0x400, s12;
	s10 =	sor.u32 $0x2000, s19  }
0x3ca: {  	[tilespmem:s10], [sflag:$0x7] =	stream.linear.gather [hbm4b:s3+s5], $0x80, $0x38;
	[tilespmem:$0x18880] =	vst v63  }
0x3cb: {  	s3 =	sadd.s32 $0x480, s12;
	s10 =	sadd.s32 $0x2400, s19  }
0x3cc: {  	[tilespmem:s10], [sflag:$0x7] =	stream.linear.gather [hbm4b:s3+s5], $0x80, $0x38;
	[tilespmem:$0x18880] =	vst v63  }
0x3cd: {  	s3 =	sadd.s32 $0x500, s12;
	s10 =	sadd.s32 $0x2800, s19  }
0x3ce: {  	[tilespmem:s10], [sflag:$0x7] =	stream.linear.gather [hbm4b:s3+s5], $0x80, $0x38;
	[tilespmem:$0x18880] =	vst v63  }
0x3cf: {  	s3 =	sadd.s32 $0x580, s12;
	s10 =	sadd.s32 $0x2C00, s19  }
0x3d0: {  	[tilespmem:s10], [sflag:$0x7] =	stream.linear.gather [hbm4b:s3+s5], $0x80, $0x38;
	[tilespmem:$0x18880] =	vst v63  }
0x3d1: {  	s20 =	sadd.s32 $0x1, s20;
	s3 =	sadd.s32 $0x600, s12;
	s10 =	sor.u32 $0x3000, s19  }
0x3d2: {  	[tilespmem:s10], [sflag:$0x7] =	stream.linear.gather [hbm4b:s3+s5], $0x80, $0x38;
	[tilespmem:$0x18880] =	vst v63  }
.Ltmp33:
0x3d3: {  	s3 =	sadd.s32 $0x680, s12;
	s10 =	sadd.s32 $0x3400, s19;
	(pc) =	sbr.rel @!p0 .LBB2_37-.Ltmp33, $4  }
0x3d4: {  	[tilespmem:s10], [sflag:$0x7] =	stream.linear.gather [hbm4b:s3+s5], $0x80, $0x38;
	[tilespmem:$0x18880] =	vst v63  }
0x3d5: {  	s1 =	sadd.s32 $0x800, s1;
	s3 =	sadd.s32 $0x700, s12;
	s10 =	sadd.s32 $0x3800, s19  }
0x3d6: {  	[tilespmem:s10], [sflag:$0x7] =	stream.linear.gather [hbm4b:s3+s5], $0x80, $0x38;
	[tilespmem:$0x18880] =	vst v63  }
0x3d7: {  	s4 =	sadd.s32 $0x80, s4;
	s12 =	sadd.s32 $0x780, s12;
	s19 =	sadd.s32 $0x3C00, s19  }
.LBB2_38:
0x3d8: {  	s1 =	sadd.s32 $0x1, s9  }
0x3d9: {  	p0 =	seq.s32 s1, $0x0  }
.Ltmp34:
0x3da: {  	_ = 	snop;
	(pc) =	sbr.rel @p0 .LBB2_40-.Ltmp34, $4  }
0x3db: {  	_ = 	snop  }
0x3dc: {  	[tilespmem:s19], [sflag:$0x7] =	stream.linear.gather [hbm4b:s12+s5], $0x80, $0x38;
	[tilespmem:$0x18880] =	vst v63  }
0x3dd: {  	_ =	swait.ge [sflag:s6], $0x800  }
0x3de: {  	[sflag:s6] =	ssyncset.done $0x0  }
.LBB2_39:
0x3df: {  	s1 =	sadd.s32 $0x1, s1  }
0x3e0: {  	[sflag:s6] =	ssyncadd.s32 $0xFFFFF800;
	p0 =	seq.s32 s1, $0x0  }
.Ltmp35:
0x3e1: {  	(pc) =	sbr.rel @!p0 .LBB2_39-.Ltmp35, $3  }
0x3e2: {  	_ =	sdelay $0x1  }
0x3e3: {  	_ =	swait.ge [sflag:s6], $0x800  }
0x3e4: {  	[sflag:s6] =	ssyncset.done $0x0  }
.LBB2_40:
0x3e5: {  	[sflag:s6] =	ssyncadd.s32 $0xFFFFF800  }
.LBB2_41:
0x3e6: {  	s1 =	rddreg [dreg:$0xe];
	s3 =	simm.s32 $0x10880;
	s31 =	simm.s32 $0x5  }
0x3e7: {  	[hbm4b:s1+s5] =	stream.linear.scatter [tilespmem:s3], [sflag:$0x6], $0x8000, $0x38;
	[tilespmem:$0x18880] =	vst v63  }
0x3e8: {  	_ =	swait.ge [sflag:s31], $0x8000  }
0x3e9: {  	[sflag:s31] =	ssyncset.done $0x0  }
0x3ea: {  	s4 =	simm.s32 $0x1;
	s3 =	rddreg [dreg:$0xf];
	[sflag:s31] =	ssyncadd.s32 $0xFFFF8000  }
0x3eb: {  	[tilespmem:s30], [sflag:$0x2] =	stream.linear.gather [hbm4b:s3+s5], $0x8000, $0x38;
	[tilespmem:$0x18880] =	vst v63  }
0x3ec: {  	_ =	swait.ge [sflag:s4], $0x8000  }
0x3ed: {  	[sflag:s4] =	ssyncset.done $0x0  }
0x3ee: {  	s0 =	sadd.s32 s0, s8;
	[sflag:s4] =	ssyncadd.s32 $0xFFFF8000  }
0x3ef: {  	v7 =	vld [tilespmem:s0+$0x0];
	_ =	sdelay $0x4  }
0x3f0: {  	vm0 =	vlt.s32 v7, v5  }
0x3f1: {  	v7 =	vsel vm0, $0x1, v6  }
0x3f2: {  	(v2sf) =	vpush v7, $0x0  }
0x3f3: {  	(v2sf) =	vpush v7, $0x1  }
0x3f4: {  	(v2sf) =	vpush v7, $0x2  }
0x3f5: {  	(v2sf) =	vpush v7, $0x3  }
0x3f6: {  	(v2sf) =	vpush v7, $0x4  }
0x3f7: {  	(v2sf) =	vpush v7, $0x5  }
0x3f8: {  	(v2sf) =	vpush v7, $0x6  }
0x3f9: {  	(v2sf) =	vpush v7, $0x7  }
0x3fa: {  	(v2sf) =	vpush v7, $0x8  }
0x3fb: {  	(v2sf) =	vpush v7, $0x9  }
0x3fc: {  	(v2sf) =	vpush v7, $0xA  }
0x3fd: {  	(v2sf) =	vpush v7, $0xB  }
0x3fe: {  	(v2sf) =	vpush v7, $0xC  }
0x3ff: {  	(v2sf) =	vpush v7, $0xD  }
0x400: {  	(v2sf) =	vpush v7, $0xE  }
0x401: {  	s8 =	spop (v2sf);
	(v2sf) =	vpush v7, $0xF  }
0x402: {  	s9 =	spop (v2sf)  }
0x403: {  	s1 =	sadd.s32 s9, s8;
	s10 =	spop (v2sf)  }
0x404: {  	s1 =	sadd.s32 s10, s1;
	s11 =	spop (v2sf)  }
0x405: {  	s1 =	sadd.s32 s11, s1;
	s12 =	spop (v2sf)  }
0x406: {  	s1 =	sadd.s32 s12, s1;
	s14 =	spop (v2sf)  }
0x407: {  	s1 =	sadd.s32 s14, s1;
	s16 =	spop (v2sf)  }
0x408: {  	s1 =	sadd.s32 s16, s1;
	s19 =	spop (v2sf)  }
0x409: {  	s1 =	sadd.s32 s19, s1;
	s20 =	spop (v2sf)  }
0x40a: {  	s1 =	sadd.s32 s20, s1;
	s22 =	spop (v2sf)  }
0x40b: {  	s1 =	sadd.s32 s22, s1;
	s23 =	spop (v2sf)  }
0x40c: {  	s1 =	sadd.s32 s23, s1;
	s24 =	spop (v2sf)  }
0x40d: {  	s1 =	sadd.s32 s24, s1;
	s25 =	spop (v2sf)  }
0x40e: {  	s1 =	sadd.s32 s25, s1;
	s26 =	spop (v2sf)  }
0x40f: {  	s1 =	sadd.s32 s26, s1;
	s28 =	spop (v2sf)  }
0x410: {  	s1 =	sadd.s32 s28, s1;
	s31 =	spop (v2sf)  }
0x411: {  	s8 =	ssub.s32 s21, s0;
	s1 =	sadd.s32 s31, s1  }
0x412: {  	p0 =	slt.s32 s1, s8  }
0x413: {  	s8 =	smov.u32 @p0 s1  }
0x414: {  	p0 =	slt.s32 s8, $0x1  }
.Ltmp36:
0x415: {  	_ = 	snop;
	(pc) =	sbr.rel @p0 .LBB2_47-.Ltmp36, $1  }
0x416: {  	_ =	sdelay $0x3  }
0x417: {  	s1 =	sshll.u32 s0, $0x2  }
0x418: {  	s1 =	sshra.s32 s1, $0x2  }
0x419: {  	v7 =	vld [tilespmem:s1+$0x0];
	_ =	sdelay $0x4  }
0x41a: {  	(v2sf) =	vpush v7, $0x0;
	_ =	sdelay $0xe  }
0x41b: {  	s4 =	sshll.u32 s0, $0x7;
	s3 =	spop (v2sf)  }
0x41c: {  	s10 =	sshll.u32 s0, $0xB;
	s9 =	sshll.u32 s3, $0x7;
	s3 =	ssub.s32 s3, s17  }
0x41d: {  	s11 =	sand.u32 $0xFFFFC000, s10;
	s12 =	sand.u32 $0x380, s4;
	s3 =	sshll.u32 s3, $0xB  }
0x41e: {  	s11 =	sor.u32 s12, s11;
	s9 =	sand.u32 $0x380, s9;
	s3 =	sand.u32 $0xFFFFC000, s3  }
0x41f: {  	s11 =	sshrl.u32 s11, $0x3;
	s3 =	sor.u32 s9, s3  }
0x420: {  	s11 =	sadd.s32 s2, s11;
	s9 =	sadd.s32 $0x880, s3  }
0x421: {  	[tilespmem:s9], [sflag:$0x7] =	stream.linear.gather [hbm4b:s11+s5], $0x80, $0x38;
	[tilespmem:$0x18880] =	vst v63  }
0x422: {  	s28 =	sadd.s32 $0x80, s11;
	s31 =	sadd.s32 $0xC80, s3  }
0x423: {  	[tilespmem:s31], [sflag:$0x7] =	stream.linear.gather [hbm4b:s28+s5], $0x80, $0x38;
	[tilespmem:$0x18880] =	vst v63  }
0x424: {  	s12 =	sadd.s32 $0x100, s11;
	s14 =	sadd.s32 $0x1080, s3  }
0x425: {  	[tilespmem:s14], [sflag:$0x7] =	stream.linear.gather [hbm4b:s12+s5], $0x80, $0x38;
	[tilespmem:$0x18880] =	vst v63  }
0x426: {  	s16 =	sadd.s32 $0x180, s11;
	s19 =	sadd.s32 $0x1480, s3  }
0x427: {  	[tilespmem:s19], [sflag:$0x7] =	stream.linear.gather [hbm4b:s16+s5], $0x80, $0x38;
	[tilespmem:$0x18880] =	vst v63  }
0x428: {  	s20 =	sadd.s32 $0x200, s11;
	s22 =	sadd.s32 $0x1880, s3  }
0x429: {  	[tilespmem:s22], [sflag:$0x7] =	stream.linear.gather [hbm4b:s20+s5], $0x80, $0x38;
	[tilespmem:$0x18880] =	vst v63  }
0x42a: {  	s23 =	sadd.s32 $0x280, s11;
	s24 =	sadd.s32 $0x1C80, s3  }
0x42b: {  	[tilespmem:s24], [sflag:$0x7] =	stream.linear.gather [hbm4b:s23+s5], $0x80, $0x38;
	[tilespmem:$0x18880] =	vst v63  }
0x42c: {  	s25 =	sadd.s32 $0x300, s11;
	s26 =	sadd.s32 $0x2080, s3  }
0x42d: {  	[tilespmem:s26], [sflag:$0x7] =	stream.linear.gather [hbm4b:s25+s5], $0x80, $0x38;
	[tilespmem:$0x18880] =	vst v63  }
0x42e: {  	s28 =	sadd.s32 $0x380, s11;
	s31 =	sadd.s32 $0x2480, s3  }
0x42f: {  	[tilespmem:s31], [sflag:$0x7] =	stream.linear.gather [hbm4b:s28+s5], $0x80, $0x38;
	[tilespmem:$0x18880] =	vst v63  }
0x430: {  	s12 =	sadd.s32 $0x400, s11;
	s14 =	sadd.s32 $0x2880, s3  }
0x431: {  	[tilespmem:s14], [sflag:$0x7] =	stream.linear.gather [hbm4b:s12+s5], $0x80, $0x38;
	[tilespmem:$0x18880] =	vst v63  }
0x432: {  	s16 =	sadd.s32 $0x480, s11;
	s19 =	sadd.s32 $0x2C80, s3  }
0x433: {  	[tilespmem:s19], [sflag:$0x7] =	stream.linear.gather [hbm4b:s16+s5], $0x80, $0x38;
	[tilespmem:$0x18880] =	vst v63  }
0x434: {  	s20 =	sadd.s32 $0x500, s11;
	s22 =	sadd.s32 $0x3080, s3  }
0x435: {  	[tilespmem:s22], [sflag:$0x7] =	stream.linear.gather [hbm4b:s20+s5], $0x80, $0x38;
	[tilespmem:$0x18880] =	vst v63  }
0x436: {  	s23 =	sadd.s32 $0x580, s11;
	s24 =	sadd.s32 $0x3480, s3  }
0x437: {  	[tilespmem:s24], [sflag:$0x7] =	stream.linear.gather [hbm4b:s23+s5], $0x80, $0x38;
	[tilespmem:$0x18880] =	vst v63  }
0x438: {  	s25 =	sadd.s32 $0x600, s11;
	s26 =	sadd.s32 $0x3880, s3  }
0x439: {  	[tilespmem:s26], [sflag:$0x7] =	stream.linear.gather [hbm4b:s25+s5], $0x80, $0x38;
	[tilespmem:$0x18880] =	vst v63  }
0x43a: {  	s9 =	ssub.s32 $0x0, s8;
	s28 =	sadd.s32 $0x680, s11;
	s14 =	sadd.s32 $0x3C80, s3  }
0x43b: {  	[tilespmem:s14], [sflag:$0x7] =	stream.linear.gather [hbm4b:s28+s5], $0x80, $0x38;
	[tilespmem:$0x18880] =	vst v63  }
0x43c: {  	s14 =	sadd.s32 $0x1, s9  }
0x43d: {  	p0 =	seq.s32 s14, $0x0  }
.Ltmp37:
0x43e: {  	_ = 	snop;
	(pc) =	sbr.rel @p0 .LBB2_44-.Ltmp37, $4  }
0x43f: {  	s4 =	sadd.s32 $0x80, s4  }
0x440: {  	s31 =	sadd.s32 $0x700, s11;
	s12 =	sadd.s32 $0x4480, s3;
	s19 =	sadd.s32 $0x4080, s3  }
0x441: {  	[tilespmem:s19], [sflag:$0x7] =	stream.linear.gather [hbm4b:s31+s5], $0x80, $0x38;
	[tilespmem:$0x18880] =	vst v63  }
0x442: {  	s20 =	sadd.s32 $0x1, s1;
	s1 =	sadd.s32 $0x800, s10;
	s19 =	sadd.s32 $0x780, s11  }
.LBB2_43:
0x443: {  	[tilespmem:s12], [sflag:$0x7] =	stream.linear.gather [hbm4b:s19+s5], $0x80, $0x38;
	[tilespmem:$0x18880] =	vst v63  }
0x444: {  	s14 =	sadd.s32 $0x1, s14;
	v7 =	vld [tilespmem:s20+$0x0]  }
0x445: {  	p0 =	seq.s32 s14, $0x0;
	_ =	sdelay $0x3  }
0x446: {  	(v2sf) =	vpush v7, $0x0;
	_ =	sdelay $0xe  }
0x447: {  	s3 =	spop (v2sf)  }
0x448: {  	s10 =	sshll.u32 s3, $0x7;
	s3 =	ssub.s32 s3, s17  }
0x449: {  	s11 =	sand.u32 $0xFFFFC000, s1;
	s12 =	sand.u32 $0x380, s4;
	s3 =	sshll.u32 s3, $0xB  }
0x44a: {  	s11 =	sor.u32 s12, s11;
	s10 =	sand.u32 $0x380, s10;
	s3 =	sand.u32 $0xFFFFC000, s3  }
0x44b: {  	s11 =	sshrl.u32 s11, $0x3;
	s12 =	sor.u32 s10, s3  }
0x44c: {  	s19 =	sadd.s32 s2, s11;
	s3 =	sadd.s32 $0x880, s12  }
0x44d: {  	[tilespmem:s3], [sflag:$0x7] =	stream.linear.gather [hbm4b:s19+s5], $0x80, $0x38;
	[tilespmem:$0x18880] =	vst v63  }
0x44e: {  	s10 =	sadd.s32 $0xC80, s12;
	s3 =	sadd.s32 $0x80, s19  }
0x44f: {  	[tilespmem:s10], [sflag:$0x7] =	stream.linear.gather [hbm4b:s3+s5], $0x80, $0x38;
	[tilespmem:$0x18880] =	vst v63  }
0x450: {  	s3 =	sadd.s32 $0x100, s19;
	s10 =	sadd.s32 $0x1080, s12  }
0x451: {  	[tilespmem:s10], [sflag:$0x7] =	stream.linear.gather [hbm4b:s3+s5], $0x80, $0x38;
	[tilespmem:$0x18880] =	vst v63  }
0x452: {  	s3 =	sadd.s32 $0x180, s19;
	s10 =	sadd.s32 $0x1480, s12  }
0x453: {  	[tilespmem:s10], [sflag:$0x7] =	stream.linear.gather [hbm4b:s3+s5], $0x80, $0x38;
	[tilespmem:$0x18880] =	vst v63  }
0x454: {  	s3 =	sadd.s32 $0x200, s19;
	s10 =	sadd.s32 $0x1880, s12  }
0x455: {  	[tilespmem:s10], [sflag:$0x7] =	stream.linear.gather [hbm4b:s3+s5], $0x80, $0x38;
	[tilespmem:$0x18880] =	vst v63  }
0x456: {  	s3 =	sadd.s32 $0x280, s19;
	s10 =	sadd.s32 $0x1C80, s12  }
0x457: {  	[tilespmem:s10], [sflag:$0x7] =	stream.linear.gather [hbm4b:s3+s5], $0x80, $0x38;
	[tilespmem:$0x18880] =	vst v63  }
0x458: {  	s3 =	sadd.s32 $0x300, s19;
	s10 =	sadd.s32 $0x2080, s12  }
0x459: {  	[tilespmem:s10], [sflag:$0x7] =	stream.linear.gather [hbm4b:s3+s5], $0x80, $0x38;
	[tilespmem:$0x18880] =	vst v63  }
0x45a: {  	s3 =	sadd.s32 $0x380, s19;
	s10 =	sadd.s32 $0x2480, s12  }
0x45b: {  	[tilespmem:s10], [sflag:$0x7] =	stream.linear.gather [hbm4b:s3+s5], $0x80, $0x38;
	[tilespmem:$0x18880] =	vst v63  }
0x45c: {  	s3 =	sadd.s32 $0x400, s19;
	s10 =	sadd.s32 $0x2880, s12  }
0x45d: {  	[tilespmem:s10], [sflag:$0x7] =	stream.linear.gather [hbm4b:s3+s5], $0x80, $0x38;
	[tilespmem:$0x18880] =	vst v63  }
0x45e: {  	s3 =	sadd.s32 $0x480, s19;
	s10 =	sadd.s32 $0x2C80, s12  }
0x45f: {  	[tilespmem:s10], [sflag:$0x7] =	stream.linear.gather [hbm4b:s3+s5], $0x80, $0x38;
	[tilespmem:$0x18880] =	vst v63  }
0x460: {  	s3 =	sadd.s32 $0x500, s19;
	s10 =	sadd.s32 $0x3080, s12  }
0x461: {  	[tilespmem:s10], [sflag:$0x7] =	stream.linear.gather [hbm4b:s3+s5], $0x80, $0x38;
	[tilespmem:$0x18880] =	vst v63  }
0x462: {  	s3 =	sadd.s32 $0x580, s19;
	s10 =	sadd.s32 $0x3480, s12  }
0x463: {  	[tilespmem:s10], [sflag:$0x7] =	stream.linear.gather [hbm4b:s3+s5], $0x80, $0x38;
	[tilespmem:$0x18880] =	vst v63  }
0x464: {  	s20 =	sadd.s32 $0x1, s20;
	s3 =	sadd.s32 $0x600, s19;
	s10 =	sadd.s32 $0x3880, s12  }
0x465: {  	[tilespmem:s10], [sflag:$0x7] =	stream.linear.gather [hbm4b:s3+s5], $0x80, $0x38;
	[tilespmem:$0x18880] =	vst v63  }
.Ltmp38:
0x466: {  	s3 =	sadd.s32 $0x680, s19;
	s10 =	sadd.s32 $0x3C80, s12;
	(pc) =	sbr.rel @!p0 .LBB2_43-.Ltmp38, $4  }
0x467: {  	[tilespmem:s10], [sflag:$0x7] =	stream.linear.gather [hbm4b:s3+s5], $0x80, $0x38;
	[tilespmem:$0x18880] =	vst v63  }
0x468: {  	s1 =	sadd.s32 $0x800, s1;
	s3 =	sadd.s32 $0x700, s19;
	s10 =	sadd.s32 $0x4080, s12  }
0x469: {  	[tilespmem:s10], [sflag:$0x7] =	stream.linear.gather [hbm4b:s3+s5], $0x80, $0x38;
	[tilespmem:$0x18880] =	vst v63  }
0x46a: {  	s4 =	sadd.s32 $0x80, s4;
	s19 =	sadd.s32 $0x780, s19;
	s12 =	sadd.s32 $0x4480, s12  }
.LBB2_44:
0x46b: {  	s1 =	sadd.s32 $0x1, s9  }
0x46c: {  	p0 =	seq.s32 s1, $0x0  }
.Ltmp39:
0x46d: {  	_ = 	snop;
	(pc) =	sbr.rel @p0 .LBB2_46-.Ltmp39, $4  }
0x46e: {  	_ = 	snop  }
0x46f: {  	[tilespmem:s12], [sflag:$0x7] =	stream.linear.gather [hbm4b:s19+s5], $0x80, $0x38;
	[tilespmem:$0x18880] =	vst v63  }
0x470: {  	_ =	swait.ge [sflag:s6], $0x800  }
0x471: {  	[sflag:s6] =	ssyncset.done $0x0  }
.LBB2_45:
0x472: {  	s1 =	sadd.s32 $0x1, s1  }
0x473: {  	[sflag:s6] =	ssyncadd.s32 $0xFFFFF800;
	p0 =	seq.s32 s1, $0x0  }
.Ltmp40:
0x474: {  	(pc) =	sbr.rel @!p0 .LBB2_45-.Ltmp40, $3  }
0x475: {  	_ =	sdelay $0x1  }
0x476: {  	_ =	swait.ge [sflag:s6], $0x800  }
0x477: {  	[sflag:s6] =	ssyncset.done $0x0  }
.LBB2_46:
0x478: {  	[sflag:s6] =	ssyncadd.s32 $0xFFFFF800  }
.LBB2_47:
0x479: {  	s1 =	rddreg [dreg:$0x10];
	s3 =	simm.s32 $0x880;
	s4 =	simm.s32 $0x2  }
0x47a: {  	[hbm4b:s1+s5] =	stream.linear.scatter [tilespmem:s3], [sflag:$0x4], $0x8000, $0x38;
	[tilespmem:$0x18880] =	vst v63  }
0x47b: {  	_ =	swait.ge [sflag:s4], $0x8000  }
0x47c: {  	[sflag:s4] =	ssyncset.done $0x0  }
0x47d: {  	s0 =	sadd.s32 s0, s8;
	[sflag:s4] =	ssyncadd.s32 $0xFFFF8000  }
0x47e: {  	v7 =	vld [tilespmem:s0+$0x0];
	_ =	sdelay $0x4  }
0x47f: {  	vm0 =	vlt.s32 v7, v0  }
0x480: {  	v7 =	vsel vm0, $0x1, v6  }
0x481: {  	(v2sf) =	vpush v7, $0x0  }
0x482: {  	(v2sf) =	vpush v7, $0x1  }
0x483: {  	(v2sf) =	vpush v7, $0x2  }
0x484: {  	(v2sf) =	vpush v7, $0x3  }
0x485: {  	(v2sf) =	vpush v7, $0x4  }
0x486: {  	(v2sf) =	vpush v7, $0x5  }
0x487: {  	(v2sf) =	vpush v7, $0x6  }
0x488: {  	(v2sf) =	vpush v7, $0x7  }
0x489: {  	(v2sf) =	vpush v7, $0x8  }
0x48a: {  	(v2sf) =	vpush v7, $0x9  }
0x48b: {  	(v2sf) =	vpush v7, $0xA  }
0x48c: {  	(v2sf) =	vpush v7, $0xB  }
0x48d: {  	(v2sf) =	vpush v7, $0xC  }
0x48e: {  	(v2sf) =	vpush v7, $0xD  }
0x48f: {  	(v2sf) =	vpush v7, $0xE  }
0x490: {  	s8 =	spop (v2sf);
	(v2sf) =	vpush v7, $0xF  }
0x491: {  	s9 =	spop (v2sf)  }
0x492: {  	s1 =	sadd.s32 s9, s8;
	s10 =	spop (v2sf)  }
0x493: {  	s1 =	sadd.s32 s10, s1;
	s11 =	spop (v2sf)  }
0x494: {  	s1 =	sadd.s32 s11, s1;
	s12 =	spop (v2sf)  }
0x495: {  	s1 =	sadd.s32 s12, s1;
	s14 =	spop (v2sf)  }
0x496: {  	s1 =	sadd.s32 s14, s1;
	s16 =	spop (v2sf)  }
0x497: {  	s1 =	sadd.s32 s16, s1;
	s19 =	spop (v2sf)  }
0x498: {  	s1 =	sadd.s32 s19, s1;
	s20 =	spop (v2sf)  }
0x499: {  	s1 =	sadd.s32 s20, s1;
	s22 =	spop (v2sf)  }
0x49a: {  	s1 =	sadd.s32 s22, s1;
	s23 =	spop (v2sf)  }
0x49b: {  	s1 =	sadd.s32 s23, s1;
	s24 =	spop (v2sf)  }
0x49c: {  	s1 =	sadd.s32 s24, s1;
	s25 =	spop (v2sf)  }
0x49d: {  	s1 =	sadd.s32 s25, s1;
	s26 =	spop (v2sf)  }
0x49e: {  	s1 =	sadd.s32 s26, s1;
	s28 =	spop (v2sf)  }
0x49f: {  	s1 =	sadd.s32 s28, s1;
	s31 =	spop (v2sf)  }
0x4a0: {  	s8 =	ssub.s32 s21, s0;
	s1 =	sadd.s32 s31, s1  }
0x4a1: {  	p0 =	slt.s32 s1, s8  }
0x4a2: {  	s8 =	smov.u32 @p0 s1  }
0x4a3: {  	p0 =	slt.s32 s8, $0x1  }
.Ltmp41:
0x4a4: {  	_ = 	snop;
	(pc) =	sbr.rel @p0 .LBB2_53-.Ltmp41, $2  }
0x4a5: {  	_ =	sdelay $0x2  }
0x4a6: {  	s3 =	rddreg [dreg:$0x16]  }
0x4a7: {  	s1 =	sshll.u32 s0, $0x2  }
0x4a8: {  	s1 =	sshra.s32 s1, $0x2  }
0x4a9: {  	v7 =	vld [tilespmem:s1+$0x0];
	_ =	sdelay $0x4  }
0x4aa: {  	(v2sf) =	vpush v7, $0x0;
	_ =	sdelay $0xe  }
0x4ab: {  	s4 =	sshll.u32 s0, $0x7;
	s3 =	spop (v2sf)  }
0x4ac: {  	s10 =	sshll.u32 s0, $0xB;
	s31 =	sshll.u32 s3, $0x7;
	s3 =	ssub.s32 s3, s18  }
0x4ad: {  	s9 =	sand.u32 $0xFFFFC000, s10;
	s11 =	sand.u32 $0x380, s4;
	s3 =	sshll.u32 s3, $0xB  }
0x4ae: {  	s9 =	sor.u32 s11, s9;
	s0 =	sand.u32 $0x380, s31;
	s3 =	sand.u32 $0xFFFFC000, s3  }
0x4af: {  	s9 =	sshrl.u32 s9, $0x3;
	s3 =	sor.u32 s0, s3  }
0x4b0: {  	s11 =	sadd.s32 s2, s9;
	s0 =	sadd.s32 $0x8880, s3  }
0x4b1: {  	[tilespmem:s0], [sflag:$0x7] =	stream.linear.gather [hbm4b:s11+s5], $0x80, $0x38;
	[tilespmem:$0x18880] =	vst v63  }
0x4b2: {  	s9 =	sadd.s32 $0x80, s11;
	s12 =	sadd.s32 $0x8C80, s3  }
0x4b3: {  	[tilespmem:s12], [sflag:$0x7] =	stream.linear.gather [hbm4b:s9+s5], $0x80, $0x38;
	[tilespmem:$0x18880] =	vst v63  }
0x4b4: {  	s14 =	sadd.s32 $0x100, s11;
	s16 =	sadd.s32 $0x9080, s3  }
0x4b5: {  	[tilespmem:s16], [sflag:$0x7] =	stream.linear.gather [hbm4b:s14+s5], $0x80, $0x38;
	[tilespmem:$0x18880] =	vst v63  }
0x4b6: {  	s19 =	sadd.s32 $0x180, s11;
	s20 =	sadd.s32 $0x9480, s3  }
0x4b7: {  	[tilespmem:s20], [sflag:$0x7] =	stream.linear.gather [hbm4b:s19+s5], $0x80, $0x38;
	[tilespmem:$0x18880] =	vst v63  }
0x4b8: {  	s21 =	sadd.s32 $0x200, s11;
	s22 =	sadd.s32 $0x9880, s3  }
0x4b9: {  	[tilespmem:s22], [sflag:$0x7] =	stream.linear.gather [hbm4b:s21+s5], $0x80, $0x38;
	[tilespmem:$0x18880] =	vst v63  }
0x4ba: {  	s23 =	sadd.s32 $0x280, s11;
	s24 =	sadd.s32 $0x9C80, s3  }
0x4bb: {  	[tilespmem:s24], [sflag:$0x7] =	stream.linear.gather [hbm4b:s23+s5], $0x80, $0x38;
	[tilespmem:$0x18880] =	vst v63  }
0x4bc: {  	s25 =	sadd.s32 $0x300, s11;
	s26 =	sadd.s32 $0xA080, s3  }
0x4bd: {  	[tilespmem:s26], [sflag:$0x7] =	stream.linear.gather [hbm4b:s25+s5], $0x80, $0x38;
	[tilespmem:$0x18880] =	vst v63  }
0x4be: {  	s28 =	sadd.s32 $0x380, s11;
	s31 =	sadd.s32 $0xA480, s3  }
0x4bf: {  	[tilespmem:s31], [sflag:$0x7] =	stream.linear.gather [hbm4b:s28+s5], $0x80, $0x38;
	[tilespmem:$0x18880] =	vst v63  }
0x4c0: {  	s12 =	sadd.s32 $0x400, s11;
	s14 =	sadd.s32 $0xA880, s3  }
0x4c1: {  	[tilespmem:s14], [sflag:$0x7] =	stream.linear.gather [hbm4b:s12+s5], $0x80, $0x38;
	[tilespmem:$0x18880] =	vst v63  }
0x4c2: {  	s4 =	sadd.s32 $0x80, s4;
	s16 =	sadd.s32 $0x480, s11;
	s19 =	sadd.s32 $0xAC80, s3  }
0x4c3: {  	[tilespmem:s19], [sflag:$0x7] =	stream.linear.gather [hbm4b:s16+s5], $0x80, $0x38;
	[tilespmem:$0x18880] =	vst v63  }
0x4c4: {  	s0 =	ssub.s32 $0x0, s8;
	s20 =	sadd.s32 $0x500, s11;
	s21 =	sadd.s32 $0xB080, s3  }
0x4c5: {  	[tilespmem:s21], [sflag:$0x7] =	stream.linear.gather [hbm4b:s20+s5], $0x80, $0x38;
	[tilespmem:$0x18880] =	vst v63  }
0x4c6: {  	s8 =	sadd.s32 $0x1, s0;
	s22 =	sadd.s32 $0x580, s11;
	s23 =	sadd.s32 $0xB480, s3  }
0x4c7: {  	[tilespmem:s23], [sflag:$0x7] =	stream.linear.gather [hbm4b:s22+s5], $0x80, $0x38;
	[tilespmem:$0x18880] =	vst v63  }
0x4c8: {  	p0 =	seq.s32 s8, $0x0;
	s24 =	sadd.s32 $0x600, s11;
	s25 =	sadd.s32 $0xB880, s3  }
0x4c9: {  	[tilespmem:s25], [sflag:$0x7] =	stream.linear.gather [hbm4b:s24+s5], $0x80, $0x38;
	[tilespmem:$0x18880] =	vst v63  }
.Ltmp42:
0x4ca: {  	s26 =	sadd.s32 $0x680, s11;
	s28 =	sadd.s32 $0xBC80, s3;
	(pc) =	sbr.rel @p0 .LBB2_50-.Ltmp42, $4  }
0x4cb: {  	[tilespmem:s28], [sflag:$0x7] =	stream.linear.gather [hbm4b:s26+s5], $0x80, $0x38;
	[tilespmem:$0x18880] =	vst v63  }
0x4cc: {  	s9 =	sadd.s32 $0x1, s1;
	s31 =	sadd.s32 $0x700, s11;
	s12 =	sadd.s32 $0xC080, s3  }
0x4cd: {  	[tilespmem:s12], [sflag:$0x7] =	stream.linear.gather [hbm4b:s31+s5], $0x80, $0x38;
	[tilespmem:$0x18880] =	vst v63  }
0x4ce: {  	s1 =	sadd.s32 $0x800, s10;
	s14 =	sadd.s32 $0x780, s11;
	s12 =	sadd.s32 $0xC480, s3  }
.LBB2_49:
0x4cf: {  	[tilespmem:s12], [sflag:$0x7] =	stream.linear.gather [hbm4b:s14+s5], $0x80, $0x38;
	[tilespmem:$0x18880] =	vst v63  }
0x4d0: {  	s8 =	sadd.s32 $0x1, s8;
	v7 =	vld [tilespmem:s9+$0x0]  }
0x4d1: {  	p0 =	seq.s32 s8, $0x0;
	_ =	sdelay $0x3  }
0x4d2: {  	(v2sf) =	vpush v7, $0x0;
	_ =	sdelay $0xe  }
0x4d3: {  	s3 =	spop (v2sf)  }
0x4d4: {  	s10 =	sshll.u32 s3, $0x7;
	s3 =	ssub.s32 s3, s18  }
0x4d5: {  	s11 =	sand.u32 $0xFFFFC000, s1;
	s12 =	sand.u32 $0x380, s4;
	s3 =	sshll.u32 s3, $0xB  }
0x4d6: {  	s11 =	sor.u32 s12, s11;
	s10 =	sand.u32 $0x380, s10;
	s3 =	sand.u32 $0xFFFFC000, s3  }
0x4d7: {  	s11 =	sshrl.u32 s11, $0x3;
	s12 =	sor.u32 s10, s3  }
0x4d8: {  	s14 =	sadd.s32 s2, s11;
	s3 =	sadd.s32 $0x8880, s12  }
0x4d9: {  	[tilespmem:s3], [sflag:$0x7] =	stream.linear.gather [hbm4b:s14+s5], $0x80, $0x38;
	[tilespmem:$0x18880] =	vst v63  }
0x4da: {  	s10 =	sadd.s32 $0x8C80, s12;
	s3 =	sadd.s32 $0x80, s14  }
0x4db: {  	[tilespmem:s10], [sflag:$0x7] =	stream.linear.gather [hbm4b:s3+s5], $0x80, $0x38;
	[tilespmem:$0x18880] =	vst v63  }
0x4dc: {  	s3 =	sadd.s32 $0x100, s14;
	s10 =	sadd.s32 $0x9080, s12  }
0x4dd: {  	[tilespmem:s10], [sflag:$0x7] =	stream.linear.gather [hbm4b:s3+s5], $0x80, $0x38;
	[tilespmem:$0x18880] =	vst v63  }
0x4de: {  	s3 =	sadd.s32 $0x180, s14;
	s10 =	sadd.s32 $0x9480, s12  }
0x4df: {  	[tilespmem:s10], [sflag:$0x7] =	stream.linear.gather [hbm4b:s3+s5], $0x80, $0x38;
	[tilespmem:$0x18880] =	vst v63  }
0x4e0: {  	s3 =	sadd.s32 $0x200, s14;
	s10 =	sadd.s32 $0x9880, s12  }
0x4e1: {  	[tilespmem:s10], [sflag:$0x7] =	stream.linear.gather [hbm4b:s3+s5], $0x80, $0x38;
	[tilespmem:$0x18880] =	vst v63  }
0x4e2: {  	s3 =	sadd.s32 $0x280, s14;
	s10 =	sadd.s32 $0x9C80, s12  }
0x4e3: {  	[tilespmem:s10], [sflag:$0x7] =	stream.linear.gather [hbm4b:s3+s5], $0x80, $0x38;
	[tilespmem:$0x18880] =	vst v63  }
0x4e4: {  	s3 =	sadd.s32 $0x300, s14;
	s10 =	sadd.s32 $0xA080, s12  }
0x4e5: {  	[tilespmem:s10], [sflag:$0x7] =	stream.linear.gather [hbm4b:s3+s5], $0x80, $0x38;
	[tilespmem:$0x18880] =	vst v63  }
0x4e6: {  	s3 =	sadd.s32 $0x380, s14;
	s10 =	sadd.s32 $0xA480, s12  }
0x4e7: {  	[tilespmem:s10], [sflag:$0x7] =	stream.linear.gather [hbm4b:s3+s5], $0x80, $0x38;
	[tilespmem:$0x18880] =	vst v63  }
0x4e8: {  	s3 =	sadd.s32 $0x400, s14;
	s10 =	sadd.s32 $0xA880, s12  }
0x4e9: {  	[tilespmem:s10], [sflag:$0x7] =	stream.linear.gather [hbm4b:s3+s5], $0x80, $0x38;
	[tilespmem:$0x18880] =	vst v63  }
0x4ea: {  	s3 =	sadd.s32 $0x480, s14;
	s10 =	sadd.s32 $0xAC80, s12  }
0x4eb: {  	[tilespmem:s10], [sflag:$0x7] =	stream.linear.gather [hbm4b:s3+s5], $0x80, $0x38;
	[tilespmem:$0x18880] =	vst v63  }
0x4ec: {  	s3 =	sadd.s32 $0x500, s14;
	s10 =	sadd.s32 $0xB080, s12  }
0x4ed: {  	[tilespmem:s10], [sflag:$0x7] =	stream.linear.gather [hbm4b:s3+s5], $0x80, $0x38;
	[tilespmem:$0x18880] =	vst v63  }
0x4ee: {  	s3 =	sadd.s32 $0x580, s14;
	s10 =	sadd.s32 $0xB480, s12  }
0x4ef: {  	[tilespmem:s10], [sflag:$0x7] =	stream.linear.gather [hbm4b:s3+s5], $0x80, $0x38;
	[tilespmem:$0x18880] =	vst v63  }
0x4f0: {  	s9 =	sadd.s32 $0x1, s9;
	s3 =	sadd.s32 $0x600, s14;
	s10 =	sadd.s32 $0xB880, s12  }
0x4f1: {  	[tilespmem:s10], [sflag:$0x7] =	stream.linear.gather [hbm4b:s3+s5], $0x80, $0x38;
	[tilespmem:$0x18880] =	vst v63  }
.Ltmp43:
0x4f2: {  	s3 =	sadd.s32 $0x680, s14;
	s10 =	sadd.s32 $0xBC80, s12;
	(pc) =	sbr.rel @!p0 .LBB2_49-.Ltmp43, $4  }
0x4f3: {  	[tilespmem:s10], [sflag:$0x7] =	stream.linear.gather [hbm4b:s3+s5], $0x80, $0x38;
	[tilespmem:$0x18880] =	vst v63  }
0x4f4: {  	s1 =	sadd.s32 $0x800, s1;
	s3 =	sadd.s32 $0x700, s14;
	s10 =	sadd.s32 $0xC080, s12  }
0x4f5: {  	[tilespmem:s10], [sflag:$0x7] =	stream.linear.gather [hbm4b:s3+s5], $0x80, $0x38;
	[tilespmem:$0x18880] =	vst v63  }
0x4f6: {  	s4 =	sadd.s32 $0x80, s4;
	s14 =	sadd.s32 $0x780, s14;
	s12 =	sadd.s32 $0xC480, s12  }
.LBB2_50:
0x4f7: {  	s0 =	sadd.s32 $0x1, s0  }
0x4f8: {  	p0 =	seq.s32 s0, $0x0  }
.Ltmp44:
0x4f9: {  	_ = 	snop;
	(pc) =	sbr.rel @p0 .LBB2_52-.Ltmp44, $4  }
0x4fa: {  	_ = 	snop  }
0x4fb: {  	[tilespmem:s12], [sflag:$0x7] =	stream.linear.gather [hbm4b:s14+s5], $0x80, $0x38;
	[tilespmem:$0x18880] =	vst v63  }
0x4fc: {  	_ =	swait.ge [sflag:s6], $0x800  }
0x4fd: {  	[sflag:s6] =	ssyncset.done $0x0  }
.LBB2_51:
0x4fe: {  	s0 =	sadd.s32 $0x1, s0  }
0x4ff: {  	[sflag:s6] =	ssyncadd.s32 $0xFFFFF800;
	p0 =	seq.s32 s0, $0x0  }
.Ltmp45:
0x500: {  	(pc) =	sbr.rel @!p0 .LBB2_51-.Ltmp45, $3  }
0x501: {  	_ =	sdelay $0x1  }
0x502: {  	_ =	swait.ge [sflag:s6], $0x800  }
0x503: {  	[sflag:s6] =	ssyncset.done $0x0  }
.Ltmp46:
0x504: {  	_ = 	snop;
	(pc) =	sbr.rel .LBB2_52-.Ltmp46, $1  }
0x505: {  	_ =	sdelay $0x3  }
.LBB2_54:
0x506: {  	_ =	sfence.sel $0x180000  }
0x507: {  	[bflag:$0x0] =	sbarrier.arrive $0xFFFF  }
0x508: {  	_ =	strace $0x90000047  }
0x509: {  	s0 =	stileid.u32;
	[bflag:$0x2] =	sbarrier.arrive $0xFFFF  }
0x50a: {  	p0 =	sne.s32 s0, $0x0;
	s0 =	rddreg [dreg:$0x4]  }
0x50b: {  	s0 =	sadd.s32 @!p0 $0x100000, s0  }
0x50c: {  	[sflag:s0] =	ssyncadd.tile.s32 @!p0 $0x1;
	_ =	shalt  }
.Lfunc_end2:
_tile_overlayer_lowered:
.L_overlay_start_2:
0x50d: {  	(tag) =	ssettag $0x2  }
0x50e: {  	s0 =	rddreg [dreg:$0x0];
	s2 =	stileid.u32  }
0x50f: {  	s1 =	rddreg [dreg:$0x1];
	p0 =	sne.s32 s2, $0x0  }
0x510: {  	s3 =	rddreg [dreg:$0x2];
	[bflag:$0x3] =	sbarrier.arrive $0xFFFF;
	s2 =	simm.s32 @!p0 $0x1C08  }
0x511: {  	[timem:s3], [sflag:s2] =	dma.local @!p0 [hbm:s0], s1  }
0x512: {  	s0 =	simm.s32 @!p0 $0x8  }
0x513: {  	_ =	swait.ge @!p0 [sflag:s0], s1  }
0x514: {  	s1 =	ssub.s32 @!p0 $0x0, s1;
	[sflag:s0] =	ssyncset.done @!p0 $0x0  }
0x515: {  	[sflag:s0] =	ssyncadd.s32 @!p0 s1  }
0x516: {  	[bflag:$0x3] =	sbarrier.arrive $0xFFFF  }
0x517: {  	_ =	shalt  }

</sc_bundles>
